<compile_context>
chip_gen: v7x
topology: tpu7x:2x2x1
jax: 0.10.2.dev20260603
libtpu: 0.0.44.dev20260713+nightly
codegen_flags: <defaults>
</compile_context>

<pallas_src>
import functools
import jax
import jax.numpy as jnp
from jax import lax
from jax.experimental import pallas as pl
from jax.experimental.pallas import tpu as pltpu
from jax.experimental.pallas import tpu_sc as plsc

N = 50000
E = 800000
IN_DIM = 12
HID = 64
HALF = 32
ODIM = 2
NLAYERS = 3

NP = 51200
NPQ = NP // 4

NC = 2
NS = 16
EPT = E // NS
CH = 400
NCHUNK = EPT // CH
RPT = 3128
LAST_BASE = N - RPT
NZ = RPT // CH
REM = RPT - NZ * CH
RPTP = NP // NS
NPAD_CH = (NP - N) // CH


def _agg_body(tab_lo, tab_hi, srcp, dstp, *refs, with_deg):
    if with_deg:
        (out_lo, out_hi, deg_out,
         src0, dst0, rows0, src1, dst1, rows1, ones_v, acc, acc_deg,
         semI0, semG0, semS0, semI1, semG1, semS1) = refs
    else:
        (out_lo, out_hi,
         src0, dst0, rows0, src1, dst1, rows1, acc,
         semI0, semG0, semS0, semI1, semG1, semS1) = refs
    c = lax.axis_index("c")
    s = lax.axis_index("s")
    zero16 = jnp.zeros((16,), jnp.float32)
    one16 = jnp.ones((16,), jnp.float32)

    def zrow(j, carry):
        rows0[j, pl.ds(0, 16)] = zero16
        rows0[j, pl.ds(16, 16)] = zero16
        return carry

    lax.fori_loop(0, CH, zrow, 0)

    base = pl.multiple_of(jnp.where(s == NS - 1, LAST_BASE, s * RPT), 8)

    def zcp(j, carry):
        pltpu.sync_copy(rows0, acc.at[pl.ds(base + j * CH, CH)])
        return carry

    lax.fori_loop(0, NZ, zcp, 0)
    pltpu.sync_copy(rows0.at[pl.ds(0, REM)], acc.at[pl.ds(base + NZ * CH, REM)])

    if with_deg:
        def fill0(j, carry):
            ones_v[pl.ds(j * 16, 16)] = zero16
            return carry

        lax.fori_loop(0, CH // 16, fill0, 0)
        basep = pl.multiple_of(s * RPTP, 8)

        def zdeg(j, carry):
            pltpu.sync_copy(ones_v, acc_deg.at[pl.ds(basep + j * CH, CH)])
            return carry

        lax.fori_loop(0, RPTP // CH, zdeg, 0)

        def fill1(j, carry):
            ones_v[pl.ds(j * 16, 16)] = one16
            return carry

        lax.fori_loop(0, CH // 16, fill1, 0)

    plsc.subcore_barrier()

    ebase = s * EPT
    slots = ((src0, dst0, rows0, semI0, semG0, semS0),
             (src1, dst1, rows1, semI1, semG1, semS1))

    def issue_i(k, sl):
        off = pl.multiple_of(ebase + k * CH, 8)
        pltpu.async_copy(srcp.at[pl.ds(off, CH)], sl[0], sl[3])
        pltpu.async_copy(dstp.at[pl.ds(off, CH)], sl[1], sl[3])

    def wait_i(sl):
        pltpu.make_async_copy(srcp.at[pl.ds(0, CH)], sl[0], sl[3]).wait()
        pltpu.make_async_copy(dstp.at[pl.ds(0, CH)], sl[1], sl[3]).wait()

    def issue_g(sl):
        @pl.when(c == 0)
        def _():
            pltpu.async_copy(tab_lo.at[sl[0]], sl[2], sl[4])

        @pl.when(c == 1)
        def _():
            pltpu.async_copy(tab_hi.at[sl[0]], sl[2], sl[4])

    def wait_g(sl):
        pltpu.make_async_copy(tab_lo.at[sl[0]], sl[2], sl[4]).wait()

    def issue_s(sl):
        pltpu.async_copy(sl[2], acc.at[sl[1]], sl[5], add=True)
        if with_deg:
            pltpu.async_copy(ones_v, acc_deg.at[sl[1]], sl[5], add=True)

    def wait_s(sl):
        pltpu.make_async_copy(sl[2], acc.at[sl[1]], sl[5]).wait()
        if with_deg:
            pltpu.make_async_copy(ones_v, acc_deg.at[sl[1]], sl[5]).wait()

    issue_i(0, slots[0])
    wait_i(slots[0])
    issue_g(slots[0])
    issue_i(1, slots[1])
    wait_g(slots[0])
    issue_s(slots[0])

    def pair(p, carry):
        for b in (1, 0):
            k = 2 * p + (1 if b == 1 else 2)
            sl = slots[b]
            ot = slots[1 - b]
            wait_i(sl)
            issue_g(sl)
            wait_s(ot)

            @pl.when(k + 1 < NCHUNK)
            def _():
                issue_i(k + 1, ot)

            wait_g(sl)
            issue_s(sl)
        return carry

    lax.fori_loop(0, (NCHUNK - 1) // 2, pair, 0)

    wait_s(slots[0])
    plsc.subcore_barrier()

    @pl.when(c == 0)
    def _():
        pltpu.sync_copy(acc.at[pl.ds(base, RPT)], out_lo.at[pl.ds(base, RPT)])

    @pl.when(c == 1)
    def _():
        pltpu.sync_copy(acc.at[pl.ds(base, RPT)], out_hi.at[pl.ds(base, RPT)])

    if with_deg:
        basep = pl.multiple_of(s * RPTP, 8)

        def wdeg(j, carry):
            pltpu.sync_copy(acc_deg.at[pl.ds(basep + j * CH, CH)], ones_v)
            pltpu.sync_copy(ones_v, deg_out.at[pl.ds(basep + j * CH, CH)])
            return carry

        lax.fori_loop(0, RPTP // CH, wdeg, 0)

    @pl.when(s == 0)
    def _():
        lax.fori_loop(0, CH, zrow, 0)

        def pz(j, carry):
            @pl.when(c == 0)
            def _():
                pltpu.sync_copy(rows0, out_lo.at[pl.ds(N + j * CH, CH)])

            @pl.when(c == 1)
            def _():
                pltpu.sync_copy(rows0, out_hi.at[pl.ds(N + j * CH, CH)])

            return carry

        lax.fori_loop(0, NPAD_CH, pz, 0)


@functools.cache
def _sc_kernels():
    mesh = plsc.VectorSubcoreMesh(core_axis_name="c", subcore_axis_name="s",
                                  num_cores=NC, num_subcores=NS)
    tab = jax.ShapeDtypeStruct((NP, HALF), jnp.float32)
    sems = [pltpu.SemaphoreType.DMA] * 6
    slot_bufs = [
        pltpu.VMEM((CH,), jnp.int32),
        pltpu.VMEM((CH,), jnp.int32),
        pltpu.VMEM((CH, HALF), jnp.float32),
        pltpu.VMEM((CH,), jnp.int32),
        pltpu.VMEM((CH,), jnp.int32),
        pltpu.VMEM((CH, HALF), jnp.float32),
    ]
    agg0 = functools.partial(
        pl.kernel,
        out_type=[tab, tab, jax.ShapeDtypeStruct((NP,), jnp.float32)],
        mesh=mesh,
        compiler_params=pltpu.CompilerParams(use_tc_tiling_on_sc=False),
        scratch_types=slot_bufs + [
            pltpu.VMEM((CH,), jnp.float32),
            pltpu.VMEM_SHARED((N, HALF), jnp.float32),
            pltpu.VMEM_SHARED((NP,), jnp.float32),
        ] + sems,
    )(functools.partial(_agg_body, with_deg=True))
    agg = functools.partial(
        pl.kernel,
        out_type=[tab, tab],
        mesh=mesh,
        compiler_params=pltpu.CompilerParams(use_tc_tiling_on_sc=False),
        scratch_types=slot_bufs + [
            pltpu.VMEM_SHARED((N, HALF), jnp.float32),
        ] + sems,
    )(functools.partial(_agg_body, with_deg=False))
    return agg0, agg


BROW = 640
GRID = NPQ // BROW


def _embed_body(f_ref, p_ref, q_ref, blo_ref, bhi_ref, lo_ref, hi_ref):
    f = f_ref[...]
    lo_ref[...] = jnp.dot(f, p_ref[...], preferred_element_type=jnp.float32) + blo_ref[...]
    hi_ref[...] = jnp.dot(f, q_ref[...], preferred_element_type=jnp.float32) + bhi_ref[...]


def _layer_body(tl_ref, th_ref, nl_ref, nh_ref, dg_ref,
                sa, sb, sc_, sd, na, nb, ncc, nd, blo_ref, bhi_ref,
                lo_ref, hi_ref, *, residual):
    tl = tl_ref[...]
    th = th_ref[...]
    nl = nl_ref[...]
    nh = nh_ref[...]
    invd = 1.0 / jnp.maximum(dg_ref[...], 1.0)
    dot = functools.partial(jnp.dot, preferred_element_type=jnp.float32)
    xlo = dot(tl, sa[...]) + dot(th, sb[...]) + (dot(nl, na[...]) + dot(nh, nb[...])) * invd + blo_ref[...]
    xhi = dot(tl, sc_[...]) + dot(th, sd[...]) + (dot(nl, ncc[...]) + dot(nh, nd[...])) * invd + bhi_ref[...]
    xlo = jnp.maximum(xlo, 0.0)
    xhi = jnp.maximum(xhi, 0.0)
    if residual:
        xlo = xlo + tl
        xhi = xhi + th
    lo_ref[...] = xlo
    hi_ref[...] = xhi


def _layer_head_body(tl_ref, th_ref, nl_ref, nh_ref, dg_ref,
                     sa, sb, sc_, sd, na, nb, ncc, nd, blo_ref, bhi_ref,
                     w1a, w1b, b1_ref, w2_ref, b2_ref, out_ref):
    tl = tl_ref[...]
    th = th_ref[...]
    nl = nl_ref[...]
    nh = nh_ref[...]
    invd = 1.0 / jnp.maximum(dg_ref[...], 1.0)
    dot = functools.partial(jnp.dot, preferred_element_type=jnp.float32)
    xlo = dot(tl, sa[...]) + dot(th, sb[...]) + (dot(nl, na[...]) + dot(nh, nb[...])) * invd + blo_ref[...]
    xhi = dot(tl, sc_[...]) + dot(th, sd[...]) + (dot(nl, ncc[...]) + dot(nh, nd[...])) * invd + bhi_ref[...]
    xlo = jnp.maximum(xlo, 0.0) + tl
    xhi = jnp.maximum(xhi, 0.0) + th
    hid = dot(xlo, w1a[...]) + dot(xhi, w1b[...]) + b1_ref[...]
    hid = jnp.maximum(hid, 0.0)
    out_ref[...] = dot(hid, w2_ref[...]) + b2_ref[...]


def _blk(minor):
    return pl.BlockSpec((BROW, minor), lambda i: (i, 0))


def _full(shape):
    return pl.BlockSpec(shape, lambda i: tuple(0 for _ in shape))


_PACKED = jax.ShapeDtypeStruct((NPQ, 128), jnp.float32)


def _embed_call(fpack, pbd, qbd, blo, bhi):
    return pl.pallas_call(
        _embed_body,
        grid=(GRID,),
        in_specs=[_blk(4 * IN_DIM), _full((4 * IN_DIM, 128)), _full((4 * IN_DIM, 128)),
                  _full((1, 128)), _full((1, 128))],
        out_specs=[_blk(128), _blk(128)],
        out_shape=[_PACKED, _PACKED],
    )(fpack, pbd, qbd, blo, bhi)


def _layer_call(residual, tl, th, nl, nh, dg, ws, blo, bhi):
    return pl.pallas_call(
        functools.partial(_layer_body, residual=residual),
        grid=(GRID,),
        in_specs=[_blk(128)] * 5 + [_full((128, 128))] * 8 + [_full((1, 128))] * 2,
        out_specs=[_blk(128), _blk(128)],
        out_shape=[_PACKED, _PACKED],
    )(tl, th, nl, nh, dg, *ws, blo, bhi)


def _layer_head_call(tl, th, nl, nh, dg, ws, blo, bhi, w1a, w1b, b1p, w2bd, b2p):
    return pl.pallas_call(
        _layer_head_body,
        grid=(GRID,),
        in_specs=[_blk(128)] * 5 + [_full((128, 128))] * 8 + [_full((1, 128))] * 2
                 + [_full((128, 128)), _full((128, 128)), _full((1, 128)),
                    _full((128, 4 * ODIM)), _full((1, 4 * ODIM))],
        out_specs=_blk(4 * ODIM),
        out_shape=jax.ShapeDtypeStruct((NPQ, 4 * ODIM), jnp.float32),
    )(tl, th, nl, nh, dg, *ws, blo, bhi, w1a, w1b, b1p, w2bd, b2p)


def kernel(features, edge_index, W_emb, b_emb, W_self, W_neigh, b_sage,
           bn_gamma, bn_beta, bn_mean, bn_var, W1, b1, W2, b2):
    ei = edge_index.astype(jnp.int32)
    srcp = ei[0]
    dstp = ei[1]

    scale = bn_gamma * lax.rsqrt(bn_var + 1e-5)
    bf = (b_sage - bn_mean) * scale + bn_beta
    Wsf = W_self * scale[:, :, None]
    Wnf = W_neigh * scale[:, :, None]
    eye4 = jnp.eye(4, dtype=jnp.float32)
    bd = lambda m: jnp.kron(eye4, m)
    layer_ws = []
    layer_bs = []
    for i in range(NLAYERS):
        ws = [bd(Wsf[i, :HALF, :HALF].T), bd(Wsf[i, :HALF, HALF:].T),
              bd(Wsf[i, HALF:, :HALF].T), bd(Wsf[i, HALF:, HALF:].T),
              bd(Wnf[i, :HALF, :HALF].T), bd(Wnf[i, :HALF, HALF:].T),
              bd(Wnf[i, HALF:, :HALF].T), bd(Wnf[i, HALF:, HALF:].T)]
        layer_ws.append(ws)
        layer_bs.append((jnp.tile(bf[i, :HALF], 4)[None, :],
                         jnp.tile(bf[i, HALF:], 4)[None, :]))
    pbd = bd(W_emb[:HALF, :].T)
    qbd = bd(W_emb[HALF:, :].T)
    eblo = jnp.tile(b_emb[:HALF], 4)[None, :]
    ebhi = jnp.tile(b_emb[HALF:], 4)[None, :]
    w1a = bd(W1[:, :HALF].T)
    w1b = bd(W1[:, HALF:].T)
    b1p = jnp.tile(b1, 4)[None, :]
    w2bd = bd(W2.T)
    b2p = jnp.tile(b2, 4)[None, :]

    fpack = jnp.pad(features.reshape(N // 4, 4 * IN_DIM), ((0, NPQ - N // 4), (0, 0)))

    agg0k, aggk = _sc_kernels()
    hl, hh = _embed_call(fpack, pbd, qbd, eblo, ebhi)
    degrep = None
    for i in range(NLAYERS):
        if i == 0:
            nl, nh, deg = agg0k(hl.reshape(NP, HALF), hh.reshape(NP, HALF),
                                srcp, dstp)
            degrep = jnp.repeat(deg, HALF).reshape(NPQ, 128)
        else:
            nl, nh = aggk(hl.reshape(NP, HALF), hh.reshape(NP, HALF),
                          srcp, dstp)
        nlp = nl.reshape(NPQ, 128)
        nhp = nh.reshape(NPQ, 128)
        if i < NLAYERS - 1:
            hl, hh = _layer_call(i > 0, hl, hh, nlp, nhp,
                                 degrep, layer_ws[i], *layer_bs[i])
        else:
            out = _layer_head_call(hl, hh, nlp, nhp, degrep,
                                   layer_ws[i], *layer_bs[i],
                                   w1a=w1a, w1b=w1b, b1p=b1p, w2bd=w2bd, b2p=b2p)
    return out.reshape(NP, ODIM)[:N]

# --- scband reference (transcript-rebuilt; emitter-appended) ---
"""Pipeline reference for scband-congestion-gcn-72808285602083 (READ-ONLY COPY).

The authoritative reference and input builder live on the scoring server;
editing this copy changes nothing except your own understanding.
"""

import jax, jax.numpy as jnp
import numpy as np

N_NODES = 50000
N_EDGES = 800000
IN_DIM = 12
HID = 64
OUT_DIM = 2
N_LAYERS = 3

def setup_inputs(seed: int = 0) -> dict:
    key = jax.random.key(seed)
    ks = jax.random.split(key, 16)
    features = jax.random.normal(ks[0], (N_NODES, IN_DIM), dtype=jnp.float32)
    edge_index = jax.random.randint(ks[1], (2, N_EDGES), 0, N_NODES, dtype=jnp.int64)
    W_emb = jax.random.normal(ks[2], (HID, IN_DIM), dtype=jnp.float32) * (1.0 / np.sqrt(IN_DIM))
    b_emb = jnp.zeros((HID,), dtype=jnp.float32)
    W_self = jax.random.normal(ks[3], (N_LAYERS, HID, HID), dtype=jnp.float32) * (1.0 / np.sqrt(HID))
    W_neigh = jax.random.normal(ks[4], (N_LAYERS, HID, HID), dtype=jnp.float32) * (1.0 / np.sqrt(HID))
    b_sage = jnp.zeros((N_LAYERS, HID), dtype=jnp.float32)
    bn_gamma = jnp.ones((N_LAYERS, HID), dtype=jnp.float32)
    bn_beta = jnp.zeros((N_LAYERS, HID), dtype=jnp.float32)
    bn_mean = jnp.zeros((N_LAYERS, HID), dtype=jnp.float32)
    bn_var = jnp.ones((N_LAYERS, HID), dtype=jnp.float32)
    W1 = jax.random.normal(ks[5], (HID // 2, HID), dtype=jnp.float32) * (1.0 / np.sqrt(HID))
    b1 = jnp.zeros((HID // 2,), dtype=jnp.float32)
    W2 = jax.random.normal(ks[6], (OUT_DIM, HID // 2), dtype=jnp.float32) * (1.0 / np.sqrt(HID // 2))
    b2 = jnp.zeros((OUT_DIM,), dtype=jnp.float32)
    return {"features": features, "edge_index": edge_index, "W_emb": W_emb, "b_emb": b_emb,
            "W_self": W_self, "W_neigh": W_neigh, "b_sage": b_sage,
            "bn_gamma": bn_gamma, "bn_beta": bn_beta, "bn_mean": bn_mean, "bn_var": bn_var,
            "W1": W1, "b1": b1, "W2": W2, "b2": b2}

def reference(features, edge_index, W_emb, b_emb, W_self, W_neigh, b_sage,
              bn_gamma, bn_beta, bn_mean, bn_var, W1, b1, W2, b2):
    # CongestionGCN forward (eval mode: dropout = identity, BN uses running stats)
    src = edge_index[0]
    dst = edge_index[1]
    deg = jax.ops.segment_sum(jnp.ones((N_EDGES,), dtype=jnp.float32), dst, num_segments=N_NODES)
    deg = jnp.clip(deg, 1.0)[:, None]
    h = features @ W_emb.T + b_emb
    h_last = h
    for i in range(N_LAYERS):
        # DGL SAGEConv 'mean': mean-aggregate neighbor feats, fc_self + fc_neigh + bias
        msgs = h[src]  # gather (memory-bound)
        h_neigh = jax.ops.segment_sum(msgs, dst, num_segments=N_NODES) / deg  # scatter-add
        h = h @ W_self[i].T + h_neigh @ W_neigh[i].T + b_sage[i]
        # BatchNorm1d in eval mode with running stats
        h = (h - bn_mean[i]) / jnp.sqrt(bn_var[i] + 1e-5) * bn_gamma[i] + bn_beta[i]
        h = jax.nn.relu(h)
        # dropout identity in eval
        if i > 0:
            h = h + h_last
        h_last = h
    hidden = jax.nn.relu(h @ W1.T + b1)
    out = hidden @ W2.T + b2
    return out

if __name__ == "__main__":
    import jax
    _d = setup_inputs()
    print(jax.jit(kernel)(*tuple(_d.values())))

</pallas_src>

<mosaic_0001>
#map = affine_map<(d0, d1) -> (0, 0)>
#map1 = affine_map<(d0, d1) -> (0)>
module attributes {stable_mosaic.version = 14 : i64} {
  func.func @_agg_body(%arg0: i32, %arg1: i32, %arg2: memref<51200x32xf32, #tpu.memory_space<hbm>>, %arg3: memref<51200x32xf32, #tpu.memory_space<hbm>>, %arg4: memref<800000xi32, #tpu.memory_space<hbm>>, %arg5: memref<800000xi32, #tpu.memory_space<hbm>>, %arg6: memref<51200x32xf32, #tpu.memory_space<hbm>>, %arg7: memref<51200x32xf32, #tpu.memory_space<hbm>>, %arg8: memref<51200xf32, #tpu.memory_space<hbm>>, %arg9: memref<400xi32, #tpu.memory_space<vmem>>, %arg10: memref<400xi32, #tpu.memory_space<vmem>>, %arg11: memref<400x32xf32, #tpu.memory_space<vmem>>, %arg12: memref<400xi32, #tpu.memory_space<vmem>>, %arg13: memref<400xi32, #tpu.memory_space<vmem>>, %arg14: memref<400x32xf32, #tpu.memory_space<vmem>>, %arg15: memref<400xf32, #tpu.memory_space<vmem>>, %arg16: memref<50000x32xf32, #tpu.memory_space<vmem_shared>>, %arg17: memref<51200xf32, #tpu.memory_space<vmem_shared>>, %arg18: memref<!tpu.dma_semaphore, #tpu.memory_space<semaphore_mem>>, %arg19: memref<!tpu.dma_semaphore, #tpu.memory_space<semaphore_mem>>, %arg20: memref<!tpu.dma_semaphore, #tpu.memory_space<semaphore_mem>>, %arg21: memref<!tpu.dma_semaphore, #tpu.memory_space<semaphore_mem>>, %arg22: memref<!tpu.dma_semaphore, #tpu.memory_space<semaphore_mem>>, %arg23: memref<!tpu.dma_semaphore, #tpu.memory_space<semaphore_mem>>) attributes {dimension_semantics = [#tpu.dimension_semantics<core_parallel>, #tpu.dimension_semantics<subcore_parallel>], iteration_bounds = array<i64: 2, 16>, scalar_prefetch = 0 : i64, scratch_operands = 15 : i64, tpu.core_type = #tpu.core_type<sc_vector_subcore>, window_params = [{transform_indices = #map}, {transform_indices = #map}, {transform_indices = #map1}, {transform_indices = #map1}, {transform_indices = #map}, {transform_indices = #map}, {transform_indices = #map1}]} {
    %broadcast_in_dim3A = arith.constant 0.000000e+00 : f32
    %broadcast_in_dim3A_0 = vector.broadcast %broadcast_in_dim3A : f32 to vector<16xf32>
    %broadcast_in_dim3A_1 = arith.constant 1.000000e+00 : f32
    %broadcast_in_dim3A_2 = vector.broadcast %broadcast_in_dim3A_1 : f32 to vector<16xf32>
    %scan3A = arith.constant 0 : i32
    %scan3A_3 = arith.constant 0 : i32
    %scan3A_4 = arith.constant 400 : i32
    %scan3A_5 = arith.addi %scan3A_3, %scan3A_4 : i32
    %scan3A_6 = arith.constant 1 : i32
    scf.for %scan3A_112 = %scan3A_3 to %scan3A_5 step %scan3A_6  : i32 {
      %swap3A = arith.index_cast %scan3A_112 : i32 to index
      %swap3A_113 = arith.constant 0 : index
      %swap3A_114 = tpu.vector_load %arg11[%swap3A, %swap3A_113] {strides = array<i32>} : memref<400x32xf32, #tpu.memory_space<vmem>>, vector<1x16xf32>,
      %swap3A_115 = vector.shape_cast %swap3A_114 : vector<1x16xf32> to vector<16xf32>
      %swap3A_116 = vector.shape_cast %broadcast_in_dim3A_0 : vector<16xf32> to vector<1x16xf32>
      tpu.vector_store %arg11[%swap3A, %swap3A_113], %swap3A_116 {strides = array<i32>} : memref<400x32xf32, #tpu.memory_space<vmem>>, vector<1x16xf32>,
      %swap3A_117 = arith.index_cast %scan3A_112 : i32 to index
      %swap3A_118 = arith.constant 16 : index
      %swap3A_119 = tpu.vector_load %arg11[%swap3A_117, %swap3A_118] {strides = array<i32>} : memref<400x32xf32, #tpu.memory_space<vmem>>, vector<1x16xf32>,
      %swap3A_120 = vector.shape_cast %swap3A_119 : vector<1x16xf32> to vector<16xf32>
      %swap3A_121 = vector.shape_cast %broadcast_in_dim3A_0 : vector<16xf32> to vector<1x16xf32>
      tpu.vector_store %arg11[%swap3A_117, %swap3A_118], %swap3A_121 {strides = array<i32>} : memref<400x32xf32, #tpu.memory_space<vmem>>, vector<1x16xf32>,
    }
    %scan3A_7 = arith.constant 400 : i32
    %eq3A = arith.constant 15 : i32
    %eq3A_8 = arith.cmpi eq, %arg1, %eq3A : i32
    %mul3A = arith.constant 3128 : i32
    %mul3A_9 = arith.muli %arg1, %mul3A : i32
    %jit3A = arith.constant 46872 : i32
    %select_n3A = arith.select %eq3A_8, %jit3A, %mul3A_9 : i32
    %multiple_of3A = tpu.assume_multiple %select_n3A, 8 : i32
    %scan3A_10 = arith.constant 0 : i32
    %scan3A_11 = arith.constant 0 : i32
    %scan3A_12 = arith.constant 7 : i32
    %scan3A_13 = arith.addi %scan3A_11, %scan3A_12 : i32
    %scan3A_14 = arith.constant 1 : i32
    scf.for %scan3A_112 = %scan3A_11 to %scan3A_13 step %scan3A_14  : i32 {
      %mul3A_113 = arith.constant 400 : i32
      %mul3A_114 = arith.muli %scan3A_112, %mul3A_113 : i32
      %add3A_115 = arith.addi %multiple_of3A, %mul3A_114 : i32
      "tpu.region"() ({
        %run_scoped3A = tpu.sem_alloc : memref<!tpu.dma_semaphore, #tpu.memory_space<semaphore_mem>>
        %dma_start3A_116 = arith.constant 0 : i32
        %dma_start3A_117 = tpu.memref_slice %arg16[%add3A_115, %dma_start3A_116] : memref<50000x32xf32, #tpu.memory_space<vmem_shared>> -> memref<400x32xf32, #tpu.memory_space<vmem_shared>>
        %dma_start3A_118 = arith.constant 0 : i32
        %dma_start3A_119 = tpu.memref_slice %arg16[%add3A_115, %dma_start3A_118] : memref<50000x32xf32, #tpu.memory_space<vmem_shared>> -> memref<400x32xf32, #tpu.memory_space<vmem_shared>>
        tpu.enqueue_dma source(%arg11 : memref<400x32xf32, #tpu.memory_space<vmem>>) target(%dma_start3A_119 : memref<400x32xf32, #tpu.memory_space<vmem_shared>>) target_semaphore(%run_scoped3A : memref<!tpu.dma_semaphore, #tpu.memory_space<semaphore_mem>>)
        %dma_wait3A_120 = arith.constant 0 : i32
        %dma_wait3A_121 = tpu.memref_slice %arg16[%add3A_115, %dma_wait3A_120] : memref<50000x32xf32, #tpu.memory_space<vmem_shared>> -> memref<400x32xf32, #tpu.memory_space<vmem_shared>>
        %dma_wait3A_122 = arith.constant 0 : i32
        %dma_wait3A_123 = tpu.memref_slice %arg16[%add3A_115, %dma_wait3A_122] : memref<50000x32xf32, #tpu.memory_space<vmem_shared>> -> memref<400x32xf32, #tpu.memory_space<vmem_shared>>
        tpu.wait_dma2 semaphore(%run_scoped3A : memref<!tpu.dma_semaphore, #tpu.memory_space<semaphore_mem>>) src(%arg11 : memref<400x32xf32, #tpu.memory_space<vmem>>) dst(%dma_wait3A_123 : memref<400x32xf32, #tpu.memory_space<vmem_shared>>)
        tpu.yield
      }) : () -> ()
    }
    %scan3A_15 = arith.constant 7 : i32
    %add3A = arith.constant 2800 : i32
    %add3A_16 = arith.addi %multiple_of3A, %add3A : i32
    "tpu.region"() ({
      %run_scoped3A = tpu.sem_alloc : memref<!tpu.dma_semaphore, #tpu.memory_space<semaphore_mem>>
      %dma_start3A_112 = arith.constant 0 : i32
      %dma_start3A_113 = arith.constant 0 : i32
      %dma_start3A_114 = tpu.memref_slice %arg11[%dma_start3A_112, %dma_start3A_113] : memref<400x32xf32, #tpu.memory_space<vmem>> -> memref<328x32xf32, #tpu.memory_space<vmem>>
      %dma_start3A_115 = arith.constant 0 : i32
      %dma_start3A_116 = tpu.memref_slice %arg16[%add3A_16, %dma_start3A_115] : memref<50000x32xf32, #tpu.memory_space<vmem_shared>> -> memref<328x32xf32, #tpu.memory_space<vmem_shared>>
      %dma_start3A_117 = arith.constant 0 : i32
      %dma_start3A_118 = tpu.memref_slice %arg16[%add3A_16, %dma_start3A_117] : memref<50000x32xf32, #tpu.memory_space<vmem_shared>> -> memref<328x32xf32, #tpu.memory_space<vmem_shared>>
      %dma_start3A_119 = arith.constant 0 : i32
      %dma_start3A_120 = arith.constant 0 : i32
      %dma_start3A_121 = tpu.memref_slice %arg11[%dma_start3A_119, %dma_start3A_120] : memref<400x32xf32, #tpu.memory_space<vmem>> -> memref<328x32xf32, #tpu.memory_space<vmem>>
      tpu.enqueue_dma source(%dma_start3A_121 : memref<328x32xf32, #tpu.memory_space<vmem>>) target(%dma_start3A_118 : memref<328x32xf32, #tpu.memory_space<vmem_shared>>) target_semaphore(%run_scoped3A : memref<!tpu.dma_semaphore, #tpu.memory_space<semaphore_mem>>)
      %dma_wait3A_122 = arith.constant 0 : i32
      %dma_wait3A_123 = arith.constant 0 : i32
      %dma_wait3A_124 = tpu.memref_slice %arg11[%dma_wait3A_122, %dma_wait3A_123] : memref<400x32xf32, #tpu.memory_space<vmem>> -> memref<328x32xf32, #tpu.memory_space<vmem>>
      %dma_wait3A_125 = arith.constant 0 : i32
      %dma_wait3A_126 = tpu.memref_slice %arg16[%add3A_16, %dma_wait3A_125] : memref<50000x32xf32, #tpu.memory_space<vmem_shared>> -> memref<328x32xf32, #tpu.memory_space<vmem_shared>>
      %dma_wait3A_127 = arith.constant 0 : i32
      %dma_wait3A_128 = tpu.memref_slice %arg16[%add3A_16, %dma_wait3A_127] : memref<50000x32xf32, #tpu.memory_space<vmem_shared>> -> memref<328x32xf32, #tpu.memory_space<vmem_shared>>
      %dma_wait3A_129 = arith.constant 0 : i32
      %dma_wait3A_130 = arith.constant 0 : i32
      %dma_wait3A_131 = tpu.memref_slice %arg11[%dma_wait3A_129, %dma_wait3A_130] : memref<400x32xf32, #tpu.memory_space<vmem>> -> memref<328x32xf32, #tpu.memory_space<vmem>>
      tpu.wait_dma2 semaphore(%run_scoped3A : memref<!tpu.dma_semaphore, #tpu.memory_space<semaphore_mem>>) src(%dma_wait3A_131 : memref<328x32xf32, #tpu.memory_space<vmem>>) dst(%dma_wait3A_128 : memref<328x32xf32, #tpu.memory_space<vmem_shared>>)
      tpu.yield
    }) : () -> ()
    %scan3A_17 = arith.constant 0 : i32
    %scan3A_18 = arith.constant 0 : i32
    %scan3A_19 = arith.constant 25 : i32
    %scan3A_20 = arith.addi %scan3A_18, %scan3A_19 : i32
    %scan3A_21 = arith.constant 1 : i32
    scf.for %scan3A_112 = %scan3A_18 to %scan3A_20 step %scan3A_21  : i32 {
      %mul3A_113 = arith.constant 16 : i32
      %mul3A_114 = arith.muli %scan3A_112, %mul3A_113 : i32
      %swap3A = arith.index_cast %mul3A_114 : i32 to index
      %swap3A_115 = tpu.vector_load %arg15[%swap3A] {strides = array<i32>} : memref<400xf32, #tpu.memory_space<vmem>>, vector<16xf32>,
      %swap3A_116 = vector.shape_cast %swap3A_115 : vector<16xf32> to vector<16xf32>
      %swap3A_117 = vector.shape_cast %broadcast_in_dim3A_0 : vector<16xf32> to vector<16xf32>
      tpu.vector_store %arg15[%swap3A], %swap3A_117 {strides = array<i32>} : memref<400xf32, #tpu.memory_space<vmem>>, vector<16xf32>,
    }
    %scan3A_22 = arith.constant 25 : i32
    %mul3A_23 = arith.constant 3200 : i32
    %mul3A_24 = arith.muli %arg1, %mul3A_23 : i32
    %multiple_of3A_25 = tpu.assume_multiple %mul3A_24, 8 : i32
    %scan3A_26 = arith.constant 0 : i32
    %scan3A_27 = arith.constant 0 : i32
    %scan3A_28 = arith.constant 8 : i32
    %scan3A_29 = arith.addi %scan3A_27, %scan3A_28 : i32
    %scan3A_30 = arith.constant 1 : i32
    scf.for %scan3A_112 = %scan3A_27 to %scan3A_29 step %scan3A_30  : i32 {
      %mul3A_113 = arith.constant 400 : i32
      %mul3A_114 = arith.muli %scan3A_112, %mul3A_113 : i32
      %add3A_115 = arith.addi %multiple_of3A_25, %mul3A_114 : i32
      "tpu.region"() ({
        %run_scoped3A = tpu.sem_alloc : memref<!tpu.dma_semaphore, #tpu.memory_space<semaphore_mem>>
        %dma_start3A_116 = tpu.memref_slice %arg17[%add3A_115] : memref<51200xf32, #tpu.memory_space<vmem_shared>> -> memref<400xf32, #tpu.memory_space<vmem_shared>>
        %dma_start3A_117 = tpu.memref_slice %arg17[%add3A_115] : memref<51200xf32, #tpu.memory_space<vmem_shared>> -> memref<400xf32, #tpu.memory_space<vmem_shared>>
        tpu.enqueue_dma source(%arg15 : memref<400xf32, #tpu.memory_space<vmem>>) target(%dma_start3A_117 : memref<400xf32, #tpu.memory_space<vmem_shared>>) target_semaphore(%run_scoped3A : memref<!tpu.dma_semaphore, #tpu.memory_space<semaphore_mem>>)
        %dma_wait3A_118 = tpu.memref_slice %arg17[%add3A_115] : memref<51200xf32, #tpu.memory_space<vmem_shared>> -> memref<400xf32, #tpu.memory_space<vmem_shared>>
        %dma_wait3A_119 = tpu.memref_slice %arg17[%add3A_115] : memref<51200xf32, #tpu.memory_space<vmem_shared>> -> memref<400xf32, #tpu.memory_space<vmem_shared>>
        tpu.wait_dma2 semaphore(%run_scoped3A : memref<!tpu.dma_semaphore, #tpu.memory_space<semaphore_mem>>) src(%arg15 : memref<400xf32, #tpu.memory_space<vmem>>) dst(%dma_wait3A_119 : memref<400xf32, #tpu.memory_space<vmem_shared>>)
        tpu.yield
      }) : () -> ()
    }
    %scan3A_31 = arith.constant 8 : i32
    %scan3A_32 = arith.constant 0 : i32
    %scan3A_33 = arith.constant 0 : i32
    %scan3A_34 = arith.constant 25 : i32
    %scan3A_35 = arith.addi %scan3A_33, %scan3A_34 : i32
    %scan3A_36 = arith.constant 1 : i32
    scf.for %scan3A_112 = %scan3A_33 to %scan3A_35 step %scan3A_36  : i32 {
      %mul3A_113 = arith.constant 16 : i32
      %mul3A_114 = arith.muli %scan3A_112, %mul3A_113 : i32
      %swap3A = arith.index_cast %mul3A_114 : i32 to index
      %swap3A_115 = tpu.vector_load %arg15[%swap3A] {strides = array<i32>} : memref<400xf32, #tpu.memory_space<vmem>>, vector<16xf32>,
      %swap3A_116 = vector.shape_cast %swap3A_115 : vector<16xf32> to vector<16xf32>
      %swap3A_117 = vector.shape_cast %broadcast_in_dim3A_2 : vector<16xf32> to vector<16xf32>
      tpu.vector_store %arg15[%swap3A], %swap3A_117 {strides = array<i32>} : memref<400xf32, #tpu.memory_space<vmem>>, vector<16xf32>,
    }
    %scan3A_37 = arith.constant 25 : i32
    %barrier3A = arith.constant 0 : index
    tpu.barrier barrier_id(%barrier3A)
    %mul3A_38 = arith.constant 50000 : i32
    %mul3A_39 = arith.muli %arg1, %mul3A_38 : i32
    %add3A_40 = arith.constant 0 : i32
    %add3A_41 = arith.addi %mul3A_39, %add3A_40 : i32
    %multiple_of3A_42 = tpu.assume_multiple %add3A_41, 8 : i32
    %dma_start3A = tpu.memref_slice %arg4[%multiple_of3A_42] : memref<800000xi32, #tpu.memory_space<hbm>> -> memref<400xi32, #tpu.memory_space<hbm>>
    %dma_start3A_43 = tpu.memref_slice %arg4[%multiple_of3A_42] : memref<800000xi32, #tpu.memory_space<hbm>> -> memref<400xi32, #tpu.memory_space<hbm>>
    tpu.enqueue_dma source(%dma_start3A_43 : memref<400xi32, #tpu.memory_space<hbm>>) target(%arg9 : memref<400xi32, #tpu.memory_space<vmem>>) target_semaphore(%arg18 : memref<!tpu.dma_semaphore, #tpu.memory_space<semaphore_mem>>)
    %dma_start3A_44 = tpu.memref_slice %arg5[%multiple_of3A_42] : memref<800000xi32, #tpu.memory_space<hbm>> -> memref<400xi32, #tpu.memory_space<hbm>>
    %dma_start3A_45 = tpu.memref_slice %arg5[%multiple_of3A_42] : memref<800000xi32, #tpu.memory_space<hbm>> -> memref<400xi32, #tpu.memory_space<hbm>>
    tpu.enqueue_dma source(%dma_start3A_45 : memref<400xi32, #tpu.memory_space<hbm>>) target(%arg10 : memref<400xi32, #tpu.memory_space<vmem>>) target_semaphore(%arg18 : memref<!tpu.dma_semaphore, #tpu.memory_space<semaphore_mem>>)
    %dma_wait3A = arith.constant 0 : i32
    %dma_wait3A_46 = tpu.memref_slice %arg4[%dma_wait3A] : memref<800000xi32, #tpu.memory_space<hbm>> -> memref<400xi32, #tpu.memory_space<hbm>>
    %dma_wait3A_47 = arith.constant 0 : i32
    %dma_wait3A_48 = tpu.memref_slice %arg4[%dma_wait3A_47] : memref<800000xi32, #tpu.memory_space<hbm>> -> memref<400xi32, #tpu.memory_space<hbm>>
    tpu.wait_dma2 semaphore(%arg18 : memref<!tpu.dma_semaphore, #tpu.memory_space<semaphore_mem>>) src(%dma_wait3A_48 : memref<400xi32, #tpu.memory_space<hbm>>) dst(%arg9 : memref<400xi32, #tpu.memory_space<vmem>>)
    %dma_wait3A_49 = arith.constant 0 : i32
    %dma_wait3A_50 = tpu.memref_slice %arg5[%dma_wait3A_49] : memref<800000xi32, #tpu.memory_space<hbm>> -> memref<400xi32, #tpu.memory_space<hbm>>
    %dma_wait3A_51 = arith.constant 0 : i32
    %dma_wait3A_52 = tpu.memref_slice %arg5[%dma_wait3A_51] : memref<800000xi32, #tpu.memory_space<hbm>> -> memref<400xi32, #tpu.memory_space<hbm>>
    tpu.wait_dma2 semaphore(%arg18 : memref<!tpu.dma_semaphore, #tpu.memory_space<semaphore_mem>>) src(%dma_wait3A_52 : memref<400xi32, #tpu.memory_space<hbm>>) dst(%arg10 : memref<400xi32, #tpu.memory_space<vmem>>)
    %eq3A_53 = arith.constant 0 : i32
    %eq3A_54 = arith.cmpi eq, %arg0, %eq3A_53 : i32
    %convert_element_type3A = arith.extui %eq3A_54 : i1 to i32
    %cond3A = arith.constant 0 : i32
    %cond3A_55 = arith.cmpi ne, %convert_element_type3A, %cond3A : i32
    scf.if %cond3A_55 {
      %dma_start3A_112 = arith.constant 0 : i32
      %dma_start3A_113 = arith.constant 0 : i32
      %dma_start3A_114 = tpu.memref_slice %arg2[%dma_start3A_112, %dma_start3A_113] : memref<51200x32xf32, #tpu.memory_space<hbm>> -> memref<51200x32xf32, #tpu.memory_space<hbm>>
      tpu.enqueue_indirect_dma source(%dma_start3A_114 : memref<51200x32xf32, #tpu.memory_space<hbm>>) target(%arg11 : memref<400x32xf32, #tpu.memory_space<vmem>>) offsets(%arg9 : memref<400xi32, #tpu.memory_space<vmem>>) semaphore(%arg19 : memref<!tpu.dma_semaphore, #tpu.memory_space<semaphore_mem>>)
    } else {
    }
    %eq3A_56 = arith.constant 1 : i32
    %eq3A_57 = arith.cmpi eq, %arg0, %eq3A_56 : i32
    %convert_element_type3A_58 = arith.extui %eq3A_57 : i1 to i32
    %cond3A_59 = arith.constant 0 : i32
    %cond3A_60 = arith.cmpi ne, %convert_element_type3A_58, %cond3A_59 : i32
    scf.if %cond3A_60 {
      %dma_start3A_112 = arith.constant 0 : i32
      %dma_start3A_113 = arith.constant 0 : i32
      %dma_start3A_114 = tpu.memref_slice %arg3[%dma_start3A_112, %dma_start3A_113] : memref<51200x32xf32, #tpu.memory_space<hbm>> -> memref<51200x32xf32, #tpu.memory_space<hbm>>
      tpu.enqueue_indirect_dma source(%dma_start3A_114 : memref<51200x32xf32, #tpu.memory_space<hbm>>) target(%arg11 : memref<400x32xf32, #tpu.memory_space<vmem>>) offsets(%arg9 : memref<400xi32, #tpu.memory_space<vmem>>) semaphore(%arg19 : memref<!tpu.dma_semaphore, #tpu.memory_space<semaphore_mem>>)
    } else {
    }
    %add3A_61 = arith.constant 400 : i32
    %add3A_62 = arith.addi %mul3A_39, %add3A_61 : i32
    %multiple_of3A_63 = tpu.assume_multiple %add3A_62, 8 : i32
    %dma_start3A_64 = tpu.memref_slice %arg4[%multiple_of3A_63] : memref<800000xi32, #tpu.memory_space<hbm>> -> memref<400xi32, #tpu.memory_space<hbm>>
    %dma_start3A_65 = tpu.memref_slice %arg4[%multiple_of3A_63] : memref<800000xi32, #tpu.memory_space<hbm>> -> memref<400xi32, #tpu.memory_space<hbm>>
    tpu.enqueue_dma source(%dma_start3A_65 : memref<400xi32, #tpu.memory_space<hbm>>) target(%arg12 : memref<400xi32, #tpu.memory_space<vmem>>) target_semaphore(%arg21 : memref<!tpu.dma_semaphore, #tpu.memory_space<semaphore_mem>>)
    %dma_start3A_66 = tpu.memref_slice %arg5[%multiple_of3A_63] : memref<800000xi32, #tpu.memory_space<hbm>> -> memref<400xi32, #tpu.memory_space<hbm>>
    %dma_start3A_67 = tpu.memref_slice %arg5[%multiple_of3A_63] : memref<800000xi32, #tpu.memory_space<hbm>> -> memref<400xi32, #tpu.memory_space<hbm>>
    tpu.enqueue_dma source(%dma_start3A_67 : memref<400xi32, #tpu.memory_space<hbm>>) target(%arg13 : memref<400xi32, #tpu.memory_space<vmem>>) target_semaphore(%arg21 : memref<!tpu.dma_semaphore, #tpu.memory_space<semaphore_mem>>)
    %dma_wait3A_68 = arith.constant 0 : i32
    %dma_wait3A_69 = arith.constant 0 : i32
    %dma_wait3A_70 = tpu.memref_slice %arg2[%dma_wait3A_68, %dma_wait3A_69] : memref<51200x32xf32, #tpu.memory_space<hbm>> -> memref<51200x32xf32, #tpu.memory_space<hbm>>
    tpu.wait_indirect_dma semaphore(%arg19 : memref<!tpu.dma_semaphore, #tpu.memory_space<semaphore_mem>>) src(%dma_wait3A_70 : memref<51200x32xf32, #tpu.memory_space<hbm>>) dst(%arg11 : memref<400x32xf32, #tpu.memory_space<vmem>>)
    %dma_start3A_71 = arith.constant 0 : i32
    %dma_start3A_72 = arith.constant 0 : i32
    %dma_start3A_73 = tpu.memref_slice %arg16[%dma_start3A_71, %dma_start3A_72] : memref<50000x32xf32, #tpu.memory_space<vmem_shared>> -> memref<50000x32xf32, #tpu.memory_space<vmem_shared>>
    tpu.enqueue_indirect_dma source(%arg11 : memref<400x32xf32, #tpu.memory_space<vmem>>) target(%dma_start3A_73 : memref<50000x32xf32, #tpu.memory_space<vmem_shared>>) offsets(%arg10 : memref<400xi32, #tpu.memory_space<vmem>>) semaphore(%arg20 : memref<!tpu.dma_semaphore, #tpu.memory_space<semaphore_mem>>) {add = true}
    %dma_start3A_74 = arith.constant 0 : i32
    %dma_start3A_75 = tpu.memref_slice %arg17[%dma_start3A_74] : memref<51200xf32, #tpu.memory_space<vmem_shared>> -> memref<51200xf32, #tpu.memory_space<vmem_shared>>
    tpu.enqueue_indirect_dma source(%arg15 : memref<400xf32, #tpu.memory_space<vmem>>) target(%dma_start3A_75 : memref<51200xf32, #tpu.memory_space<vmem_shared>>) offsets(%arg10 : memref<400xi32, #tpu.memory_space<vmem>>) semaphore(%arg20 : memref<!tpu.dma_semaphore, #tpu.memory_space<semaphore_mem>>) {add = true}
    %scan3A_76 = arith.constant 0 : i32
    %scan3A_77 = arith.constant 0 : i32
    %scan3A_78 = arith.constant 62 : i32
    %scan3A_79 = arith.addi %scan3A_77, %scan3A_78 : i32
    %scan3A_80 = arith.constant 1 : i32
    scf.for %scan3A_112 = %scan3A_77 to %scan3A_79 step %scan3A_80  : i32 {
      %mul3A_113 = arith.constant 2 : i32
      %mul3A_114 = arith.muli %mul3A_113, %scan3A_112 : i32
      %add3A_115 = arith.constant 1 : i32
      %add3A_116 = arith.addi %mul3A_114, %add3A_115 : i32
      %dma_wait3A_117 = arith.constant 0 : i32
      %dma_wait3A_118 = tpu.memref_slice %arg4[%dma_wait3A_117] : memref<800000xi32, #tpu.memory_space<hbm>> -> memref<400xi32, #tpu.memory_space<hbm>>
      %dma_wait3A_119 = arith.constant 0 : i32
      %dma_wait3A_120 = tpu.memref_slice %arg4[%dma_wait3A_119] : memref<800000xi32, #tpu.memory_space<hbm>> -> memref<400xi32, #tpu.memory_space<hbm>>
      tpu.wait_dma2 semaphore(%arg21 : memref<!tpu.dma_semaphore, #tpu.memory_space<semaphore_mem>>) src(%dma_wait3A_120 : memref<400xi32, #tpu.memory_space<hbm>>) dst(%arg12 : memref<400xi32, #tpu.memory_space<vmem>>)
      %dma_wait3A_121 = arith.constant 0 : i32
      %dma_wait3A_122 = tpu.memref_slice %arg5[%dma_wait3A_121] : memref<800000xi32, #tpu.memory_space<hbm>> -> memref<400xi32, #tpu.memory_space<hbm>>
      %dma_wait3A_123 = arith.constant 0 : i32
      %dma_wait3A_124 = tpu.memref_slice %arg5[%dma_wait3A_123] : memref<800000xi32, #tpu.memory_space<hbm>> -> memref<400xi32, #tpu.memory_space<hbm>>
      tpu.wait_dma2 semaphore(%arg21 : memref<!tpu.dma_semaphore, #tpu.memory_space<semaphore_mem>>) src(%dma_wait3A_124 : memref<400xi32, #tpu.memory_space<hbm>>) dst(%arg13 : memref<400xi32, #tpu.memory_space<vmem>>)
      %eq3A_125 = arith.constant 0 : i32
      %eq3A_126 = arith.cmpi eq, %arg0, %eq3A_125 : i32
      %convert_element_type3A_127 = arith.extui %eq3A_126 : i1 to i32
      %cond3A_128 = arith.constant 0 : i32
      %cond3A_129 = arith.cmpi ne, %convert_element_type3A_127, %cond3A_128 : i32
      scf.if %cond3A_129 {
        %dma_start3A_196 = arith.constant 0 : i32
        %dma_start3A_197 = arith.constant 0 : i32
        %dma_start3A_198 = tpu.memref_slice %arg2[%dma_start3A_196, %dma_start3A_197] : memref<51200x32xf32, #tpu.memory_space<hbm>> -> memref<51200x32xf32, #tpu.memory_space<hbm>>
        tpu.enqueue_indirect_dma source(%dma_start3A_198 : memref<51200x32xf32, #tpu.memory_space<hbm>>) target(%arg14 : memref<400x32xf32, #tpu.memory_space<vmem>>) offsets(%arg12 : memref<400xi32, #tpu.memory_space<vmem>>) semaphore(%arg22 : memref<!tpu.dma_semaphore, #tpu.memory_space<semaphore_mem>>)
      } else {
      }
      %eq3A_130 = arith.constant 1 : i32
      %eq3A_131 = arith.cmpi eq, %arg0, %eq3A_130 : i32
      %convert_element_type3A_132 = arith.extui %eq3A_131 : i1 to i32
      %cond3A_133 = arith.constant 0 : i32
      %cond3A_134 = arith.cmpi ne, %convert_element_type3A_132, %cond3A_133 : i32
      scf.if %cond3A_134 {
        %dma_start3A_196 = arith.constant 0 : i32
        %dma_start3A_197 = arith.constant 0 : i32
        %dma_start3A_198 = tpu.memref_slice %arg3[%dma_start3A_196, %dma_start3A_197] : memref<51200x32xf32, #tpu.memory_space<hbm>> -> memref<51200x32xf32, #tpu.memory_space<hbm>>
        tpu.enqueue_indirect_dma source(%dma_start3A_198 : memref<51200x32xf32, #tpu.memory_space<hbm>>) target(%arg14 : memref<400x32xf32, #tpu.memory_space<vmem>>) offsets(%arg12 : memref<400xi32, #tpu.memory_space<vmem>>) semaphore(%arg22 : memref<!tpu.dma_semaphore, #tpu.memory_space<semaphore_mem>>)
      } else {
      }
      %dma_wait3A_135 = arith.constant 0 : i32
      %dma_wait3A_136 = arith.constant 0 : i32
      %dma_wait3A_137 = tpu.memref_slice %arg16[%dma_wait3A_135, %dma_wait3A_136] : memref<50000x32xf32, #tpu.memory_space<vmem_shared>> -> memref<50000x32xf32, #tpu.memory_space<vmem_shared>>
      tpu.wait_indirect_dma semaphore(%arg20 : memref<!tpu.dma_semaphore, #tpu.memory_space<semaphore_mem>>) src(%arg11 : memref<400x32xf32, #tpu.memory_space<vmem>>) dst(%dma_wait3A_137 : memref<50000x32xf32, #tpu.memory_space<vmem_shared>>)
      %dma_wait3A_138 = arith.constant 0 : i32
      %dma_wait3A_139 = tpu.memref_slice %arg17[%dma_wait3A_138] : memref<51200xf32, #tpu.memory_space<vmem_shared>> -> memref<51200xf32, #tpu.memory_space<vmem_shared>>
      tpu.wait_indirect_dma semaphore(%arg20 : memref<!tpu.dma_semaphore, #tpu.memory_space<semaphore_mem>>) src(%arg15 : memref<400xf32, #tpu.memory_space<vmem>>) dst(%dma_wait3A_139 : memref<51200xf32, #tpu.memory_space<vmem_shared>>)
      %add3A_140 = arith.constant 1 : i32
      %add3A_141 = arith.addi %add3A_116, %add3A_140 : i32
      %lt3A = arith.constant 125 : i32
      %lt3A_142 = arith.cmpi slt, %add3A_141, %lt3A : i32
      %convert_element_type3A_143 = arith.extui %lt3A_142 : i1 to i32
      %cond3A_144 = arith.constant 0 : i32
      %cond3A_145 = arith.cmpi ne, %convert_element_type3A_143, %cond3A_144 : i32
      scf.if %cond3A_145 {
        %add3A_196 = arith.constant 1 : i32
        %add3A_197 = arith.addi %add3A_116, %add3A_196 : i32
        %mul3A_198 = arith.constant 400 : i32
        %mul3A_199 = arith.muli %add3A_197, %mul3A_198 : i32
        %add3A_200 = arith.addi %mul3A_39, %mul3A_199 : i32
        %multiple_of3A_201 = tpu.assume_multiple %add3A_200, 8 : i32
        %dma_start3A_202 = tpu.memref_slice %arg4[%multiple_of3A_201] : memref<800000xi32, #tpu.memory_space<hbm>> -> memref<400xi32, #tpu.memory_space<hbm>>
        %dma_start3A_203 = tpu.memref_slice %arg4[%multiple_of3A_201] : memref<800000xi32, #tpu.memory_space<hbm>> -> memref<400xi32, #tpu.memory_space<hbm>>
        tpu.enqueue_dma source(%dma_start3A_203 : memref<400xi32, #tpu.memory_space<hbm>>) target(%arg9 : memref<400xi32, #tpu.memory_space<vmem>>) target_semaphore(%arg18 : memref<!tpu.dma_semaphore, #tpu.memory_space<semaphore_mem>>)
        %dma_start3A_204 = tpu.memref_slice %arg5[%multiple_of3A_201] : memref<800000xi32, #tpu.memory_space<hbm>> -> memref<400xi32, #tpu.memory_space<hbm>>
        %dma_start3A_205 = tpu.memref_slice %arg5[%multiple_of3A_201] : memref<800000xi32, #tpu.memory_space<hbm>> -> memref<400xi32, #tpu.memory_space<hbm>>
        tpu.enqueue_dma source(%dma_start3A_205 : memref<400xi32, #tpu.memory_space<hbm>>) target(%arg10 : memref<400xi32, #tpu.memory_space<vmem>>) target_semaphore(%arg18 : memref<!tpu.dma_semaphore, #tpu.memory_space<semaphore_mem>>)
      } else {
      }
      %dma_wait3A_146 = arith.constant 0 : i32
      %dma_wait3A_147 = arith.constant 0 : i32
      %dma_wait3A_148 = tpu.memref_slice %arg2[%dma_wait3A_146, %dma_wait3A_147] : memref<51200x32xf32, #tpu.memory_space<hbm>> -> memref<51200x32xf32, #tpu.memory_space<hbm>>
      tpu.wait_indirect_dma semaphore(%arg22 : memref<!tpu.dma_semaphore, #tpu.memory_space<semaphore_mem>>) src(%dma_wait3A_148 : memref<51200x32xf32, #tpu.memory_space<hbm>>) dst(%arg14 : memref<400x32xf32, #tpu.memory_space<vmem>>)
      %dma_start3A_149 = arith.constant 0 : i32
      %dma_start3A_150 = arith.constant 0 : i32
      %dma_start3A_151 = tpu.memref_slice %arg16[%dma_start3A_149, %dma_start3A_150] : memref<50000x32xf32, #tpu.memory_space<vmem_shared>> -> memref<50000x32xf32, #tpu.memory_space<vmem_shared>>
      tpu.enqueue_indirect_dma source(%arg14 : memref<400x32xf32, #tpu.memory_space<vmem>>) target(%dma_start3A_151 : memref<50000x32xf32, #tpu.memory_space<vmem_shared>>) offsets(%arg13 : memref<400xi32, #tpu.memory_space<vmem>>) semaphore(%arg23 : memref<!tpu.dma_semaphore, #tpu.memory_space<semaphore_mem>>) {add = true}
      %dma_start3A_152 = arith.constant 0 : i32
      %dma_start3A_153 = tpu.memref_slice %arg17[%dma_start3A_152] : memref<51200xf32, #tpu.memory_space<vmem_shared>> -> memref<51200xf32, #tpu.memory_space<vmem_shared>>
      tpu.enqueue_indirect_dma source(%arg15 : memref<400xf32, #tpu.memory_space<vmem>>) target(%dma_start3A_153 : memref<51200xf32, #tpu.memory_space<vmem_shared>>) offsets(%arg13 : memref<400xi32, #tpu.memory_space<vmem>>) semaphore(%arg23 : memref<!tpu.dma_semaphore, #tpu.memory_space<semaphore_mem>>) {add = true}
      %mul3A_154 = arith.constant 2 : i32
      %mul3A_155 = arith.muli %mul3A_154, %scan3A_112 : i32
      %add3A_156 = arith.constant 2 : i32
      %add3A_157 = arith.addi %mul3A_155, %add3A_156 : i32
      %dma_wait3A_158 = arith.constant 0 : i32
      %dma_wait3A_159 = tpu.memref_slice %arg4[%dma_wait3A_158] : memref<800000xi32, #tpu.memory_space<hbm>> -> memref<400xi32, #tpu.memory_space<hbm>>
      %dma_wait3A_160 = arith.constant 0 : i32
      %dma_wait3A_161 = tpu.memref_slice %arg4[%dma_wait3A_160] : memref<800000xi32, #tpu.memory_space<hbm>> -> memref<400xi32, #tpu.memory_space<hbm>>
      tpu.wait_dma2 semaphore(%arg18 : memref<!tpu.dma_semaphore, #tpu.memory_space<semaphore_mem>>) src(%dma_wait3A_161 : memref<400xi32, #tpu.memory_space<hbm>>) dst(%arg9 : memref<400xi32, #tpu.memory_space<vmem>>)
      %dma_wait3A_162 = arith.constant 0 : i32
      %dma_wait3A_163 = tpu.memref_slice %arg5[%dma_wait3A_162] : memref<800000xi32, #tpu.memory_space<hbm>> -> memref<400xi32, #tpu.memory_space<hbm>>
      %dma_wait3A_164 = arith.constant 0 : i32
      %dma_wait3A_165 = tpu.memref_slice %arg5[%dma_wait3A_164] : memref<800000xi32, #tpu.memory_space<hbm>> -> memref<400xi32, #tpu.memory_space<hbm>>
      tpu.wait_dma2 semaphore(%arg18 : memref<!tpu.dma_semaphore, #tpu.memory_space<semaphore_mem>>) src(%dma_wait3A_165 : memref<400xi32, #tpu.memory_space<hbm>>) dst(%arg10 : memref<400xi32, #tpu.memory_space<vmem>>)
      %eq3A_166 = arith.constant 0 : i32
      %eq3A_167 = arith.cmpi eq, %arg0, %eq3A_166 : i32
      %convert_element_type3A_168 = arith.extui %eq3A_167 : i1 to i32
      %cond3A_169 = arith.constant 0 : i32
      %cond3A_170 = arith.cmpi ne, %convert_element_type3A_168, %cond3A_169 : i32
      scf.if %cond3A_170 {
        %dma_start3A_196 = arith.constant 0 : i32
        %dma_start3A_197 = arith.constant 0 : i32
        %dma_start3A_198 = tpu.memref_slice %arg2[%dma_start3A_196, %dma_start3A_197] : memref<51200x32xf32, #tpu.memory_space<hbm>> -> memref<51200x32xf32, #tpu.memory_space<hbm>>
        tpu.enqueue_indirect_dma source(%dma_start3A_198 : memref<51200x32xf32, #tpu.memory_space<hbm>>) target(%arg11 : memref<400x32xf32, #tpu.memory_space<vmem>>) offsets(%arg9 : memref<400xi32, #tpu.memory_space<vmem>>) semaphore(%arg19 : memref<!tpu.dma_semaphore, #tpu.memory_space<semaphore_mem>>)
      } else {
      }
      %eq3A_171 = arith.constant 1 : i32
      %eq3A_172 = arith.cmpi eq, %arg0, %eq3A_171 : i32
      %convert_element_type3A_173 = arith.extui %eq3A_172 : i1 to i32
      %cond3A_174 = arith.constant 0 : i32
      %cond3A_175 = arith.cmpi ne, %convert_element_type3A_173, %cond3A_174 : i32
      scf.if %cond3A_175 {
        %dma_start3A_196 = arith.constant 0 : i32
        %dma_start3A_197 = arith.constant 0 : i32
        %dma_start3A_198 = tpu.memref_slice %arg3[%dma_start3A_196, %dma_start3A_197] : memref<51200x32xf32, #tpu.memory_space<hbm>> -> memref<51200x32xf32, #tpu.memory_space<hbm>>
        tpu.enqueue_indirect_dma source(%dma_start3A_198 : memref<51200x32xf32, #tpu.memory_space<hbm>>) target(%arg11 : memref<400x32xf32, #tpu.memory_space<vmem>>) offsets(%arg9 : memref<400xi32, #tpu.memory_space<vmem>>) semaphore(%arg19 : memref<!tpu.dma_semaphore, #tpu.memory_space<semaphore_mem>>)
      } else {
      }
      %dma_wait3A_176 = arith.constant 0 : i32
      %dma_wait3A_177 = arith.constant 0 : i32
      %dma_wait3A_178 = tpu.memref_slice %arg16[%dma_wait3A_176, %dma_wait3A_177] : memref<50000x32xf32, #tpu.memory_space<vmem_shared>> -> memref<50000x32xf32, #tpu.memory_space<vmem_shared>>
      tpu.wait_indirect_dma semaphore(%arg23 : memref<!tpu.dma_semaphore, #tpu.memory_space<semaphore_mem>>) src(%arg14 : memref<400x32xf32, #tpu.memory_space<vmem>>) dst(%dma_wait3A_178 : memref<50000x32xf32, #tpu.memory_space<vmem_shared>>)
      %dma_wait3A_179 = arith.constant 0 : i32
      %dma_wait3A_180 = tpu.memref_slice %arg17[%dma_wait3A_179] : memref<51200xf32, #tpu.memory_space<vmem_shared>> -> memref<51200xf32, #tpu.memory_space<vmem_shared>>
      tpu.wait_indirect_dma semaphore(%arg23 : memref<!tpu.dma_semaphore, #tpu.memory_space<semaphore_mem>>) src(%arg15 : memref<400xf32, #tpu.memory_space<vmem>>) dst(%dma_wait3A_180 : memref<51200xf32, #tpu.memory_space<vmem_shared>>)
      %add3A_181 = arith.constant 1 : i32
      %add3A_182 = arith.addi %add3A_157, %add3A_181 : i32
      %lt3A_183 = arith.constant 125 : i32
      %lt3A_184 = arith.cmpi slt, %add3A_182, %lt3A_183 : i32
      %convert_element_type3A_185 = arith.extui %lt3A_184 : i1 to i32
      %cond3A_186 = arith.constant 0 : i32
      %cond3A_187 = arith.cmpi ne, %convert_element_type3A_185, %cond3A_186 : i32
      scf.if %cond3A_187 {
        %add3A_196 = arith.constant 1 : i32
        %add3A_197 = arith.addi %add3A_157, %add3A_196 : i32
        %mul3A_198 = arith.constant 400 : i32
        %mul3A_199 = arith.muli %add3A_197, %mul3A_198 : i32
        %add3A_200 = arith.addi %mul3A_39, %mul3A_199 : i32
        %multiple_of3A_201 = tpu.assume_multiple %add3A_200, 8 : i32
        %dma_start3A_202 = tpu.memref_slice %arg4[%multiple_of3A_201] : memref<800000xi32, #tpu.memory_space<hbm>> -> memref<400xi32, #tpu.memory_space<hbm>>
        %dma_start3A_203 = tpu.memref_slice %arg4[%multiple_of3A_201] : memref<800000xi32, #tpu.memory_space<hbm>> -> memref<400xi32, #tpu.memory_space<hbm>>
        tpu.enqueue_dma source(%dma_start3A_203 : memref<400xi32, #tpu.memory_space<hbm>>) target(%arg12 : memref<400xi32, #tpu.memory_space<vmem>>) target_semaphore(%arg21 : memref<!tpu.dma_semaphore, #tpu.memory_space<semaphore_mem>>)
        %dma_start3A_204 = tpu.memref_slice %arg5[%multiple_of3A_201] : memref<800000xi32, #tpu.memory_space<hbm>> -> memref<400xi32, #tpu.memory_space<hbm>>
        %dma_start3A_205 = tpu.memref_slice %arg5[%multiple_of3A_201] : memref<800000xi32, #tpu.memory_space<hbm>> -> memref<400xi32, #tpu.memory_space<hbm>>
        tpu.enqueue_dma source(%dma_start3A_205 : memref<400xi32, #tpu.memory_space<hbm>>) target(%arg13 : memref<400xi32, #tpu.memory_space<vmem>>) target_semaphore(%arg21 : memref<!tpu.dma_semaphore, #tpu.memory_space<semaphore_mem>>)
      } else {
      }
      %dma_wait3A_188 = arith.constant 0 : i32
      %dma_wait3A_189 = arith.constant 0 : i32
      %dma_wait3A_190 = tpu.memref_slice %arg2[%dma_wait3A_188, %dma_wait3A_189] : memref<51200x32xf32, #tpu.memory_space<hbm>> -> memref<51200x32xf32, #tpu.memory_space<hbm>>
      tpu.wait_indirect_dma semaphore(%arg19 : memref<!tpu.dma_semaphore, #tpu.memory_space<semaphore_mem>>) src(%dma_wait3A_190 : memref<51200x32xf32, #tpu.memory_space<hbm>>) dst(%arg11 : memref<400x32xf32, #tpu.memory_space<vmem>>)
      %dma_start3A_191 = arith.constant 0 : i32
      %dma_start3A_192 = arith.constant 0 : i32
      %dma_start3A_193 = tpu.memref_slice %arg16[%dma_start3A_191, %dma_start3A_192] : memref<50000x32xf32, #tpu.memory_space<vmem_shared>> -> memref<50000x32xf32, #tpu.memory_space<vmem_shared>>
      tpu.enqueue_indirect_dma source(%arg11 : memref<400x32xf32, #tpu.memory_space<vmem>>) target(%dma_start3A_193 : memref<50000x32xf32, #tpu.memory_space<vmem_shared>>) offsets(%arg10 : memref<400xi32, #tpu.memory_space<vmem>>) semaphore(%arg20 : memref<!tpu.dma_semaphore, #tpu.memory_space<semaphore_mem>>) {add = true}
      %dma_start3A_194 = arith.constant 0 : i32
      %dma_start3A_195 = tpu.memref_slice %arg17[%dma_start3A_194] : memref<51200xf32, #tpu.memory_space<vmem_shared>> -> memref<51200xf32, #tpu.memory_space<vmem_shared>>
      tpu.enqueue_indirect_dma source(%arg15 : memref<400xf32, #tpu.memory_space<vmem>>) target(%dma_start3A_195 : memref<51200xf32, #tpu.memory_space<vmem_shared>>) offsets(%arg10 : memref<400xi32, #tpu.memory_space<vmem>>) semaphore(%arg20 : memref<!tpu.dma_semaphore, #tpu.memory_space<semaphore_mem>>) {add = true}
    }
    %scan3A_81 = arith.constant 62 : i32
    %dma_wait3A_82 = arith.constant 0 : i32
    %dma_wait3A_83 = arith.constant 0 : i32
    %dma_wait3A_84 = tpu.memref_slice %arg16[%dma_wait3A_82, %dma_wait3A_83] : memref<50000x32xf32, #tpu.memory_space<vmem_shared>> -> memref<50000x32xf32, #tpu.memory_space<vmem_shared>>
    tpu.wait_indirect_dma semaphore(%arg20 : memref<!tpu.dma_semaphore, #tpu.memory_space<semaphore_mem>>) src(%arg11 : memref<400x32xf32, #tpu.memory_space<vmem>>) dst(%dma_wait3A_84 : memref<50000x32xf32, #tpu.memory_space<vmem_shared>>)
    %dma_wait3A_85 = arith.constant 0 : i32
    %dma_wait3A_86 = tpu.memref_slice %arg17[%dma_wait3A_85] : memref<51200xf32, #tpu.memory_space<vmem_shared>> -> memref<51200xf32, #tpu.memory_space<vmem_shared>>
    tpu.wait_indirect_dma semaphore(%arg20 : memref<!tpu.dma_semaphore, #tpu.memory_space<semaphore_mem>>) src(%arg15 : memref<400xf32, #tpu.memory_space<vmem>>) dst(%dma_wait3A_86 : memref<51200xf32, #tpu.memory_space<vmem_shared>>)
    %barrier3A_87 = arith.constant 0 : index
    tpu.barrier barrier_id(%barrier3A_87)
    %eq3A_88 = arith.constant 0 : i32
    %eq3A_89 = arith.cmpi eq, %arg0, %eq3A_88 : i32
    %convert_element_type3A_90 = arith.extui %eq3A_89 : i1 to i32
    %cond3A_91 = arith.constant 0 : i32
    %cond3A_92 = arith.cmpi ne, %convert_element_type3A_90, %cond3A_91 : i32
    scf.if %cond3A_92 {
      "tpu.region"() ({
        %run_scoped3A = tpu.sem_alloc : memref<!tpu.dma_semaphore, #tpu.memory_space<semaphore_mem>>
        %dma_start3A_112 = arith.constant 0 : i32
        %dma_start3A_113 = tpu.memref_slice %arg6[%multiple_of3A, %dma_start3A_112] : memref<51200x32xf32, #tpu.memory_space<hbm>> -> memref<3128x32xf32, #tpu.memory_space<hbm>>
        %dma_start3A_114 = arith.constant 0 : i32
        %dma_start3A_115 = tpu.memref_slice %arg16[%multiple_of3A, %dma_start3A_114] : memref<50000x32xf32, #tpu.memory_space<vmem_shared>> -> memref<3128x32xf32, #tpu.memory_space<vmem_shared>>
        tpu.enqueue_dma source(%dma_start3A_115 : memref<3128x32xf32, #tpu.memory_space<vmem_shared>>) target(%dma_start3A_113 : memref<3128x32xf32, #tpu.memory_space<hbm>>) target_semaphore(%run_scoped3A : memref<!tpu.dma_semaphore, #tpu.memory_space<semaphore_mem>>)
        %dma_wait3A_116 = arith.constant 0 : i32
        %dma_wait3A_117 = tpu.memref_slice %arg6[%multiple_of3A, %dma_wait3A_116] : memref<51200x32xf32, #tpu.memory_space<hbm>> -> memref<3128x32xf32, #tpu.memory_space<hbm>>
        %dma_wait3A_118 = arith.constant 0 : i32
        %dma_wait3A_119 = tpu.memref_slice %arg16[%multiple_of3A, %dma_wait3A_118] : memref<50000x32xf32, #tpu.memory_space<vmem_shared>> -> memref<3128x32xf32, #tpu.memory_space<vmem_shared>>
        tpu.wait_dma2 semaphore(%run_scoped3A : memref<!tpu.dma_semaphore, #tpu.memory_space<semaphore_mem>>) src(%dma_wait3A_119 : memref<3128x32xf32, #tpu.memory_space<vmem_shared>>) dst(%dma_wait3A_117 : memref<3128x32xf32, #tpu.memory_space<hbm>>)
        tpu.yield
      }) : () -> ()
    } else {
    }
    %eq3A_93 = arith.constant 1 : i32
    %eq3A_94 = arith.cmpi eq, %arg0, %eq3A_93 : i32
    %convert_element_type3A_95 = arith.extui %eq3A_94 : i1 to i32
    %cond3A_96 = arith.constant 0 : i32
    %cond3A_97 = arith.cmpi ne, %convert_element_type3A_95, %cond3A_96 : i32
    scf.if %cond3A_97 {
      "tpu.region"() ({
        %run_scoped3A = tpu.sem_alloc : memref<!tpu.dma_semaphore, #tpu.memory_space<semaphore_mem>>
        %dma_start3A_112 = arith.constant 0 : i32
        %dma_start3A_113 = tpu.memref_slice %arg7[%multiple_of3A, %dma_start3A_112] : memref<51200x32xf32, #tpu.memory_space<hbm>> -> memref<3128x32xf32, #tpu.memory_space<hbm>>
        %dma_start3A_114 = arith.constant 0 : i32
        %dma_start3A_115 = tpu.memref_slice %arg16[%multiple_of3A, %dma_start3A_114] : memref<50000x32xf32, #tpu.memory_space<vmem_shared>> -> memref<3128x32xf32, #tpu.memory_space<vmem_shared>>
        tpu.enqueue_dma source(%dma_start3A_115 : memref<3128x32xf32, #tpu.memory_space<vmem_shared>>) target(%dma_start3A_113 : memref<3128x32xf32, #tpu.memory_space<hbm>>) target_semaphore(%run_scoped3A : memref<!tpu.dma_semaphore, #tpu.memory_space<semaphore_mem>>)
        %dma_wait3A_116 = arith.constant 0 : i32
        %dma_wait3A_117 = tpu.memref_slice %arg7[%multiple_of3A, %dma_wait3A_116] : memref<51200x32xf32, #tpu.memory_space<hbm>> -> memref<3128x32xf32, #tpu.memory_space<hbm>>
        %dma_wait3A_118 = arith.constant 0 : i32
        %dma_wait3A_119 = tpu.memref_slice %arg16[%multiple_of3A, %dma_wait3A_118] : memref<50000x32xf32, #tpu.memory_space<vmem_shared>> -> memref<3128x32xf32, #tpu.memory_space<vmem_shared>>
        tpu.wait_dma2 semaphore(%run_scoped3A : memref<!tpu.dma_semaphore, #tpu.memory_space<semaphore_mem>>) src(%dma_wait3A_119 : memref<3128x32xf32, #tpu.memory_space<vmem_shared>>) dst(%dma_wait3A_117 : memref<3128x32xf32, #tpu.memory_space<hbm>>)
        tpu.yield
      }) : () -> ()
    } else {
    }
    %mul3A_98 = arith.constant 3200 : i32
    %mul3A_99 = arith.muli %arg1, %mul3A_98 : i32
    %multiple_of3A_100 = tpu.assume_multiple %mul3A_99, 8 : i32
    %scan3A_101 = arith.constant 0 : i32
    %scan3A_102 = arith.constant 0 : i32
    %scan3A_103 = arith.constant 8 : i32
    %scan3A_104 = arith.addi %scan3A_102, %scan3A_103 : i32
    %scan3A_105 = arith.constant 1 : i32
    scf.for %scan3A_112 = %scan3A_102 to %scan3A_104 step %scan3A_105  : i32 {
      %mul3A_113 = arith.constant 400 : i32
      %mul3A_114 = arith.muli %scan3A_112, %mul3A_113 : i32
      %add3A_115 = arith.addi %multiple_of3A_100, %mul3A_114 : i32
      "tpu.region"() ({
        %run_scoped3A = tpu.sem_alloc : memref<!tpu.dma_semaphore, #tpu.memory_space<semaphore_mem>>
        %dma_start3A_119 = tpu.memref_slice %arg17[%add3A_115] : memref<51200xf32, #tpu.memory_space<vmem_shared>> -> memref<400xf32, #tpu.memory_space<vmem_shared>>
        %dma_start3A_120 = tpu.memref_slice %arg17[%add3A_115] : memref<51200xf32, #tpu.memory_space<vmem_shared>> -> memref<400xf32, #tpu.memory_space<vmem_shared>>
        tpu.enqueue_dma source(%dma_start3A_120 : memref<400xf32, #tpu.memory_space<vmem_shared>>) target(%arg15 : memref<400xf32, #tpu.memory_space<vmem>>) target_semaphore(%run_scoped3A : memref<!tpu.dma_semaphore, #tpu.memory_space<semaphore_mem>>)
        %dma_wait3A_121 = tpu.memref_slice %arg17[%add3A_115] : memref<51200xf32, #tpu.memory_space<vmem_shared>> -> memref<400xf32, #tpu.memory_space<vmem_shared>>
        %dma_wait3A_122 = tpu.memref_slice %arg17[%add3A_115] : memref<51200xf32, #tpu.memory_space<vmem_shared>> -> memref<400xf32, #tpu.memory_space<vmem_shared>>
        tpu.wait_dma2 semaphore(%run_scoped3A : memref<!tpu.dma_semaphore, #tpu.memory_space<semaphore_mem>>) src(%dma_wait3A_122 : memref<400xf32, #tpu.memory_space<vmem_shared>>) dst(%arg15 : memref<400xf32, #tpu.memory_space<vmem>>)
        tpu.yield
      }) : () -> ()
      %mul3A_116 = arith.constant 400 : i32
      %mul3A_117 = arith.muli %scan3A_112, %mul3A_116 : i32
      %add3A_118 = arith.addi %multiple_of3A_100, %mul3A_117 : i32
      "tpu.region"() ({
        %run_scoped3A = tpu.sem_alloc : memref<!tpu.dma_semaphore, #tpu.memory_space<semaphore_mem>>
        %dma_start3A_119 = tpu.memref_slice %arg8[%add3A_118] : memref<51200xf32, #tpu.memory_space<hbm>> -> memref<400xf32, #tpu.memory_space<hbm>>
        %dma_start3A_120 = tpu.memref_slice %arg8[%add3A_118] : memref<51200xf32, #tpu.memory_space<hbm>> -> memref<400xf32, #tpu.memory_space<hbm>>
        tpu.enqueue_dma source(%arg15 : memref<400xf32, #tpu.memory_space<vmem>>) target(%dma_start3A_120 : memref<400xf32, #tpu.memory_space<hbm>>) target_semaphore(%run_scoped3A : memref<!tpu.dma_semaphore, #tpu.memory_space<semaphore_mem>>)
        %dma_wait3A_121 = tpu.memref_slice %arg8[%add3A_118] : memref<51200xf32, #tpu.memory_space<hbm>> -> memref<400xf32, #tpu.memory_space<hbm>>
        %dma_wait3A_122 = tpu.memref_slice %arg8[%add3A_118] : memref<51200xf32, #tpu.memory_space<hbm>> -> memref<400xf32, #tpu.memory_space<hbm>>
        tpu.wait_dma2 semaphore(%run_scoped3A : memref<!tpu.dma_semaphore, #tpu.memory_space<semaphore_mem>>) src(%arg15 : memref<400xf32, #tpu.memory_space<vmem>>) dst(%dma_wait3A_122 : memref<400xf32, #tpu.memory_space<hbm>>)
        tpu.yield
      }) : () -> ()
    }
    %scan3A_106 = arith.constant 8 : i32
    %eq3A_107 = arith.constant 0 : i32
    %eq3A_108 = arith.cmpi eq, %arg1, %eq3A_107 : i32
    %convert_element_type3A_109 = arith.extui %eq3A_108 : i1 to i32
    %cond3A_110 = arith.constant 0 : i32
    %cond3A_111 = arith.cmpi ne, %convert_element_type3A_109, %cond3A_110 : i32
    scf.if %cond3A_111 {
      %scan3A_112 = arith.constant 0 : i32
      %scan3A_113 = arith.constant 0 : i32
      %scan3A_114 = arith.constant 400 : i32
      %scan3A_115 = arith.addi %scan3A_113, %scan3A_114 : i32
      %scan3A_116 = arith.constant 1 : i32
      scf.for %scan3A_124 = %scan3A_113 to %scan3A_115 step %scan3A_116  : i32 {
        %swap3A = arith.index_cast %scan3A_124 : i32 to index
        %swap3A_125 = arith.constant 0 : index
        %swap3A_126 = tpu.vector_load %arg11[%swap3A, %swap3A_125] {strides = array<i32>} : memref<400x32xf32, #tpu.memory_space<vmem>>, vector<1x16xf32>,
        %swap3A_127 = vector.shape_cast %swap3A_126 : vector<1x16xf32> to vector<16xf32>
        %swap3A_128 = vector.shape_cast %broadcast_in_dim3A_0 : vector<16xf32> to vector<1x16xf32>
        tpu.vector_store %arg11[%swap3A, %swap3A_125], %swap3A_128 {strides = array<i32>} : memref<400x32xf32, #tpu.memory_space<vmem>>, vector<1x16xf32>,
        %swap3A_129 = arith.index_cast %scan3A_124 : i32 to index
        %swap3A_130 = arith.constant 16 : index
        %swap3A_131 = tpu.vector_load %arg11[%swap3A_129, %swap3A_130] {strides = array<i32>} : memref<400x32xf32, #tpu.memory_space<vmem>>, vector<1x16xf32>,
        %swap3A_132 = vector.shape_cast %swap3A_131 : vector<1x16xf32> to vector<16xf32>
        %swap3A_133 = vector.shape_cast %broadcast_in_dim3A_0 : vector<16xf32> to vector<1x16xf32>
        tpu.vector_store %arg11[%swap3A_129, %swap3A_130], %swap3A_133 {strides = array<i32>} : memref<400x32xf32, #tpu.memory_space<vmem>>, vector<1x16xf32>,
      }
      %scan3A_117 = arith.constant 400 : i32
      %scan3A_118 = arith.constant 0 : i32
      %scan3A_119 = arith.constant 0 : i32
      %scan3A_120 = arith.constant 3 : i32
      %scan3A_121 = arith.addi %scan3A_119, %scan3A_120 : i32
      %scan3A_122 = arith.constant 1 : i32
      scf.for %scan3A_124 = %scan3A_119 to %scan3A_121 step %scan3A_122  : i32 {
        %eq3A_125 = arith.constant 0 : i32
        %eq3A_126 = arith.cmpi eq, %arg0, %eq3A_125 : i32
        %convert_element_type3A_127 = arith.extui %eq3A_126 : i1 to i32
        %cond3A_128 = arith.constant 0 : i32
        %cond3A_129 = arith.cmpi ne, %convert_element_type3A_127, %cond3A_128 : i32
        scf.if %cond3A_129 {
          %mul3A_135 = arith.constant 400 : i32
          %mul3A_136 = arith.muli %scan3A_124, %mul3A_135 : i32
          %add3A_137 = arith.constant 50000 : i32
          %add3A_138 = arith.addi %add3A_137, %mul3A_136 : i32
          "tpu.region"() ({
            %run_scoped3A = tpu.sem_alloc : memref<!tpu.dma_semaphore, #tpu.memory_space<semaphore_mem>>
            %dma_start3A_139 = arith.constant 0 : i32
            %dma_start3A_140 = tpu.memref_slice %arg6[%add3A_138, %dma_start3A_139] : memref<51200x32xf32, #tpu.memory_space<hbm>> -> memref<400x32xf32, #tpu.memory_space<hbm>>
            %dma_start3A_141 = arith.constant 0 : i32
            %dma_start3A_142 = tpu.memref_slice %arg6[%add3A_138, %dma_start3A_141] : memref<51200x32xf32, #tpu.memory_space<hbm>> -> memref<400x32xf32, #tpu.memory_space<hbm>>
            tpu.enqueue_dma source(%arg11 : memref<400x32xf32, #tpu.memory_space<vmem>>) target(%dma_start3A_142 : memref<400x32xf32, #tpu.memory_space<hbm>>) target_semaphore(%run_scoped3A : memref<!tpu.dma_semaphore, #tpu.memory_space<semaphore_mem>>)
            %dma_wait3A_143 = arith.constant 0 : i32
            %dma_wait3A_144 = tpu.memref_slice %arg6[%add3A_138, %dma_wait3A_143] : memref<51200x32xf32, #tpu.memory_space<hbm>> -> memref<400x32xf32, #tpu.memory_space<hbm>>
            %dma_wait3A_145 = arith.constant 0 : i32
            %dma_wait3A_146 = tpu.memref_slice %arg6[%add3A_138, %dma_wait3A_145] : memref<51200x32xf32, #tpu.memory_space<hbm>> -> memref<400x32xf32, #tpu.memory_space<hbm>>
            tpu.wait_dma2 semaphore(%run_scoped3A : memref<!tpu.dma_semaphore, #tpu.memory_space<semaphore_mem>>) src(%arg11 : memref<400x32xf32, #tpu.memory_space<vmem>>) dst(%dma_wait3A_146 : memref<400x32xf32, #tpu.memory_space<hbm>>)
            tpu.yield
          }) : () -> ()
        } else {
        }
        %eq3A_130 = arith.constant 1 : i32
        %eq3A_131 = arith.cmpi eq, %arg0, %eq3A_130 : i32
        %convert_element_type3A_132 = arith.extui %eq3A_131 : i1 to i32
        %cond3A_133 = arith.constant 0 : i32
        %cond3A_134 = arith.cmpi ne, %convert_element_type3A_132, %cond3A_133 : i32
        scf.if %cond3A_134 {
          %mul3A_135 = arith.constant 400 : i32
          %mul3A_136 = arith.muli %scan3A_124, %mul3A_135 : i32
          %add3A_137 = arith.constant 50000 : i32
          %add3A_138 = arith.addi %add3A_137, %mul3A_136 : i32
          "tpu.region"() ({
            %run_scoped3A = tpu.sem_alloc : memref<!tpu.dma_semaphore, #tpu.memory_space<semaphore_mem>>
            %dma_start3A_139 = arith.constant 0 : i32
            %dma_start3A_140 = tpu.memref_slice %arg7[%add3A_138, %dma_start3A_139] : memref<51200x32xf32, #tpu.memory_space<hbm>> -> memref<400x32xf32, #tpu.memory_space<hbm>>
            %dma_start3A_141 = arith.constant 0 : i32
            %dma_start3A_142 = tpu.memref_slice %arg7[%add3A_138, %dma_start3A_141] : memref<51200x32xf32, #tpu.memory_space<hbm>> -> memref<400x32xf32, #tpu.memory_space<hbm>>
            tpu.enqueue_dma source(%arg11 : memref<400x32xf32, #tpu.memory_space<vmem>>) target(%dma_start3A_142 : memref<400x32xf32, #tpu.memory_space<hbm>>) target_semaphore(%run_scoped3A : memref<!tpu.dma_semaphore, #tpu.memory_space<semaphore_mem>>)
            %dma_wait3A_143 = arith.constant 0 : i32
            %dma_wait3A_144 = tpu.memref_slice %arg7[%add3A_138, %dma_wait3A_143] : memref<51200x32xf32, #tpu.memory_space<hbm>> -> memref<400x32xf32, #tpu.memory_space<hbm>>
            %dma_wait3A_145 = arith.constant 0 : i32
            %dma_wait3A_146 = tpu.memref_slice %arg7[%add3A_138, %dma_wait3A_145] : memref<51200x32xf32, #tpu.memory_space<hbm>> -> memref<400x32xf32, #tpu.memory_space<hbm>>
            tpu.wait_dma2 semaphore(%run_scoped3A : memref<!tpu.dma_semaphore, #tpu.memory_space<semaphore_mem>>) src(%arg11 : memref<400x32xf32, #tpu.memory_space<vmem>>) dst(%dma_wait3A_146 : memref<400x32xf32, #tpu.memory_space<hbm>>)
            tpu.yield
          }) : () -> ()
        } else {
        }
      }
      %scan3A_123 = arith.constant 3 : i32
    } else {
    }
    return
  }
}

#map = affine_map<(d0, d1) -> (0, 0)>
#map1 = affine_map<(d0, d1) -> (0)>
module attributes {stable_mosaic.version = 14 : i64} {
  func.func @_agg_body(%arg0: i32, %arg1: i32, %arg2: memref<51200x32xf32, #tpu.memory_space<hbm>>, %arg3: memref<51200x32xf32, #tpu.memory_space<hbm>>, %arg4: memref<800000xi32, #tpu.memory_space<hbm>>, %arg5: memref<800000xi32, #tpu.memory_space<hbm>>, %arg6: memref<51200x32xf32, #tpu.memory_space<hbm>>, %arg7: memref<51200x32xf32, #tpu.memory_space<hbm>>, %arg8: memref<400xi32, #tpu.memory_space<vmem>>, %arg9: memref<400xi32, #tpu.memory_space<vmem>>, %arg10: memref<400x32xf32, #tpu.memory_space<vmem>>, %arg11: memref<400xi32, #tpu.memory_space<vmem>>, %arg12: memref<400xi32, #tpu.memory_space<vmem>>, %arg13: memref<400x32xf32, #tpu.memory_space<vmem>>, %arg14: memref<50000x32xf32, #tpu.memory_space<vmem_shared>>, %arg15: memref<!tpu.dma_semaphore, #tpu.memory_space<semaphore_mem>>, %arg16: memref<!tpu.dma_semaphore, #tpu.memory_space<semaphore_mem>>, %arg17: memref<!tpu.dma_semaphore, #tpu.memory_space<semaphore_mem>>, %arg18: memref<!tpu.dma_semaphore, #tpu.memory_space<semaphore_mem>>, %arg19: memref<!tpu.dma_semaphore, #tpu.memory_space<semaphore_mem>>, %arg20: memref<!tpu.dma_semaphore, #tpu.memory_space<semaphore_mem>>) attributes {dimension_semantics = [#tpu.dimension_semantics<core_parallel>, #tpu.dimension_semantics<subcore_parallel>], iteration_bounds = array<i64: 2, 16>, scalar_prefetch = 0 : i64, scratch_operands = 13 : i64, tpu.core_type = #tpu.core_type<sc_vector_subcore>, window_params = [{transform_indices = #map}, {transform_indices = #map}, {transform_indices = #map1}, {transform_indices = #map1}, {transform_indices = #map}, {transform_indices = #map}]} {
    %broadcast_in_dim3A = arith.constant 0.000000e+00 : f32
    %broadcast_in_dim3A_0 = vector.broadcast %broadcast_in_dim3A : f32 to vector<16xf32>
    %broadcast_in_dim3A_1 = arith.constant 1.000000e+00 : f32
    %broadcast_in_dim3A_2 = vector.broadcast %broadcast_in_dim3A_1 : f32 to vector<16xf32>
    %scan3A = arith.constant 0 : i32
    %scan3A_3 = arith.constant 0 : i32
    %scan3A_4 = arith.constant 400 : i32
    %scan3A_5 = arith.addi %scan3A_3, %scan3A_4 : i32
    %scan3A_6 = arith.constant 1 : i32
    scf.for %scan3A_78 = %scan3A_3 to %scan3A_5 step %scan3A_6  : i32 {
      %swap3A = arith.index_cast %scan3A_78 : i32 to index
      %swap3A_79 = arith.constant 0 : index
      %swap3A_80 = tpu.vector_load %arg10[%swap3A, %swap3A_79] {strides = array<i32>} : memref<400x32xf32, #tpu.memory_space<vmem>>, vector<1x16xf32>,
      %swap3A_81 = vector.shape_cast %swap3A_80 : vector<1x16xf32> to vector<16xf32>
      %swap3A_82 = vector.shape_cast %broadcast_in_dim3A_0 : vector<16xf32> to vector<1x16xf32>
      tpu.vector_store %arg10[%swap3A, %swap3A_79], %swap3A_82 {strides = array<i32>} : memref<400x32xf32, #tpu.memory_space<vmem>>, vector<1x16xf32>,
      %swap3A_83 = arith.index_cast %scan3A_78 : i32 to index
      %swap3A_84 = arith.constant 16 : index
      %swap3A_85 = tpu.vector_load %arg10[%swap3A_83, %swap3A_84] {strides = array<i32>} : memref<400x32xf32, #tpu.memory_space<vmem>>, vector<1x16xf32>,
      %swap3A_86 = vector.shape_cast %swap3A_85 : vector<1x16xf32> to vector<16xf32>
      %swap3A_87 = vector.shape_cast %broadcast_in_dim3A_0 : vector<16xf32> to vector<1x16xf32>
      tpu.vector_store %arg10[%swap3A_83, %swap3A_84], %swap3A_87 {strides = array<i32>} : memref<400x32xf32, #tpu.memory_space<vmem>>, vector<1x16xf32>,
    }
    %scan3A_7 = arith.constant 400 : i32
    %eq3A = arith.constant 15 : i32
    %eq3A_8 = arith.cmpi eq, %arg1, %eq3A : i32
    %mul3A = arith.constant 3128 : i32
    %mul3A_9 = arith.muli %arg1, %mul3A : i32
    %jit3A = arith.constant 46872 : i32
    %select_n3A = arith.select %eq3A_8, %jit3A, %mul3A_9 : i32
    %multiple_of3A = tpu.assume_multiple %select_n3A, 8 : i32
    %scan3A_10 = arith.constant 0 : i32
    %scan3A_11 = arith.constant 0 : i32
    %scan3A_12 = arith.constant 7 : i32
    %scan3A_13 = arith.addi %scan3A_11, %scan3A_12 : i32
    %scan3A_14 = arith.constant 1 : i32
    scf.for %scan3A_78 = %scan3A_11 to %scan3A_13 step %scan3A_14  : i32 {
      %mul3A_79 = arith.constant 400 : i32
      %mul3A_80 = arith.muli %scan3A_78, %mul3A_79 : i32
      %add3A_81 = arith.addi %multiple_of3A, %mul3A_80 : i32
      "tpu.region"() ({
        %run_scoped3A = tpu.sem_alloc : memref<!tpu.dma_semaphore, #tpu.memory_space<semaphore_mem>>
        %dma_start3A_82 = arith.constant 0 : i32
        %dma_start3A_83 = tpu.memref_slice %arg14[%add3A_81, %dma_start3A_82] : memref<50000x32xf32, #tpu.memory_space<vmem_shared>> -> memref<400x32xf32, #tpu.memory_space<vmem_shared>>
        %dma_start3A_84 = arith.constant 0 : i32
        %dma_start3A_85 = tpu.memref_slice %arg14[%add3A_81, %dma_start3A_84] : memref<50000x32xf32, #tpu.memory_space<vmem_shared>> -> memref<400x32xf32, #tpu.memory_space<vmem_shared>>
        tpu.enqueue_dma source(%arg10 : memref<400x32xf32, #tpu.memory_space<vmem>>) target(%dma_start3A_85 : memref<400x32xf32, #tpu.memory_space<vmem_shared>>) target_semaphore(%run_scoped3A : memref<!tpu.dma_semaphore, #tpu.memory_space<semaphore_mem>>)
        %dma_wait3A_86 = arith.constant 0 : i32
        %dma_wait3A_87 = tpu.memref_slice %arg14[%add3A_81, %dma_wait3A_86] : memref<50000x32xf32, #tpu.memory_space<vmem_shared>> -> memref<400x32xf32, #tpu.memory_space<vmem_shared>>
        %dma_wait3A_88 = arith.constant 0 : i32
        %dma_wait3A_89 = tpu.memref_slice %arg14[%add3A_81, %dma_wait3A_88] : memref<50000x32xf32, #tpu.memory_space<vmem_shared>> -> memref<400x32xf32, #tpu.memory_space<vmem_shared>>
        tpu.wait_dma2 semaphore(%run_scoped3A : memref<!tpu.dma_semaphore, #tpu.memory_space<semaphore_mem>>) src(%arg10 : memref<400x32xf32, #tpu.memory_space<vmem>>) dst(%dma_wait3A_89 : memref<400x32xf32, #tpu.memory_space<vmem_shared>>)
        tpu.yield
      }) : () -> ()
    }
    %scan3A_15 = arith.constant 7 : i32
    %add3A = arith.constant 2800 : i32
    %add3A_16 = arith.addi %multiple_of3A, %add3A : i32
    "tpu.region"() ({
      %run_scoped3A = tpu.sem_alloc : memref<!tpu.dma_semaphore, #tpu.memory_space<semaphore_mem>>
      %dma_start3A_78 = arith.constant 0 : i32
      %dma_start3A_79 = arith.constant 0 : i32
      %dma_start3A_80 = tpu.memref_slice %arg10[%dma_start3A_78, %dma_start3A_79] : memref<400x32xf32, #tpu.memory_space<vmem>> -> memref<328x32xf32, #tpu.memory_space<vmem>>
      %dma_start3A_81 = arith.constant 0 : i32
      %dma_start3A_82 = tpu.memref_slice %arg14[%add3A_16, %dma_start3A_81] : memref<50000x32xf32, #tpu.memory_space<vmem_shared>> -> memref<328x32xf32, #tpu.memory_space<vmem_shared>>
      %dma_start3A_83 = arith.constant 0 : i32
      %dma_start3A_84 = tpu.memref_slice %arg14[%add3A_16, %dma_start3A_83] : memref<50000x32xf32, #tpu.memory_space<vmem_shared>> -> memref<328x32xf32, #tpu.memory_space<vmem_shared>>
      %dma_start3A_85 = arith.constant 0 : i32
      %dma_start3A_86 = arith.constant 0 : i32
      %dma_start3A_87 = tpu.memref_slice %arg10[%dma_start3A_85, %dma_start3A_86] : memref<400x32xf32, #tpu.memory_space<vmem>> -> memref<328x32xf32, #tpu.memory_space<vmem>>
      tpu.enqueue_dma source(%dma_start3A_87 : memref<328x32xf32, #tpu.memory_space<vmem>>) target(%dma_start3A_84 : memref<328x32xf32, #tpu.memory_space<vmem_shared>>) target_semaphore(%run_scoped3A : memref<!tpu.dma_semaphore, #tpu.memory_space<semaphore_mem>>)
      %dma_wait3A_88 = arith.constant 0 : i32
      %dma_wait3A_89 = arith.constant 0 : i32
      %dma_wait3A_90 = tpu.memref_slice %arg10[%dma_wait3A_88, %dma_wait3A_89] : memref<400x32xf32, #tpu.memory_space<vmem>> -> memref<328x32xf32, #tpu.memory_space<vmem>>
      %dma_wait3A_91 = arith.constant 0 : i32
      %dma_wait3A_92 = tpu.memref_slice %arg14[%add3A_16, %dma_wait3A_91] : memref<50000x32xf32, #tpu.memory_space<vmem_shared>> -> memref<328x32xf32, #tpu.memory_space<vmem_shared>>
      %dma_wait3A_93 = arith.constant 0 : i32
      %dma_wait3A_94 = tpu.memref_slice %arg14[%add3A_16, %dma_wait3A_93] : memref<50000x32xf32, #tpu.memory_space<vmem_shared>> -> memref<328x32xf32, #tpu.memory_space<vmem_shared>>
      %dma_wait3A_95 = arith.constant 0 : i32
      %dma_wait3A_96 = arith.constant 0 : i32
      %dma_wait3A_97 = tpu.memref_slice %arg10[%dma_wait3A_95, %dma_wait3A_96] : memref<400x32xf32, #tpu.memory_space<vmem>> -> memref<328x32xf32, #tpu.memory_space<vmem>>
      tpu.wait_dma2 semaphore(%run_scoped3A : memref<!tpu.dma_semaphore, #tpu.memory_space<semaphore_mem>>) src(%dma_wait3A_97 : memref<328x32xf32, #tpu.memory_space<vmem>>) dst(%dma_wait3A_94 : memref<328x32xf32, #tpu.memory_space<vmem_shared>>)
      tpu.yield
    }) : () -> ()
    %barrier3A = arith.constant 0 : index
    tpu.barrier barrier_id(%barrier3A)
    %mul3A_17 = arith.constant 50000 : i32
    %mul3A_18 = arith.muli %arg1, %mul3A_17 : i32
    %add3A_19 = arith.constant 0 : i32
    %add3A_20 = arith.addi %mul3A_18, %add3A_19 : i32
    %multiple_of3A_21 = tpu.assume_multiple %add3A_20, 8 : i32
    %dma_start3A = tpu.memref_slice %arg4[%multiple_of3A_21] : memref<800000xi32, #tpu.memory_space<hbm>> -> memref<400xi32, #tpu.memory_space<hbm>>
    %dma_start3A_22 = tpu.memref_slice %arg4[%multiple_of3A_21] : memref<800000xi32, #tpu.memory_space<hbm>> -> memref<400xi32, #tpu.memory_space<hbm>>
    tpu.enqueue_dma source(%dma_start3A_22 : memref<400xi32, #tpu.memory_space<hbm>>) target(%arg8 : memref<400xi32, #tpu.memory_space<vmem>>) target_semaphore(%arg15 : memref<!tpu.dma_semaphore, #tpu.memory_space<semaphore_mem>>)
    %dma_start3A_23 = tpu.memref_slice %arg5[%multiple_of3A_21] : memref<800000xi32, #tpu.memory_space<hbm>> -> memref<400xi32, #tpu.memory_space<hbm>>
    %dma_start3A_24 = tpu.memref_slice %arg5[%multiple_of3A_21] : memref<800000xi32, #tpu.memory_space<hbm>> -> memref<400xi32, #tpu.memory_space<hbm>>
    tpu.enqueue_dma source(%dma_start3A_24 : memref<400xi32, #tpu.memory_space<hbm>>) target(%arg9 : memref<400xi32, #tpu.memory_space<vmem>>) target_semaphore(%arg15 : memref<!tpu.dma_semaphore, #tpu.memory_space<semaphore_mem>>)
    %dma_wait3A = arith.constant 0 : i32
    %dma_wait3A_25 = tpu.memref_slice %arg4[%dma_wait3A] : memref<800000xi32, #tpu.memory_space<hbm>> -> memref<400xi32, #tpu.memory_space<hbm>>
    %dma_wait3A_26 = arith.constant 0 : i32
    %dma_wait3A_27 = tpu.memref_slice %arg4[%dma_wait3A_26] : memref<800000xi32, #tpu.memory_space<hbm>> -> memref<400xi32, #tpu.memory_space<hbm>>
    tpu.wait_dma2 semaphore(%arg15 : memref<!tpu.dma_semaphore, #tpu.memory_space<semaphore_mem>>) src(%dma_wait3A_27 : memref<400xi32, #tpu.memory_space<hbm>>) dst(%arg8 : memref<400xi32, #tpu.memory_space<vmem>>)
    %dma_wait3A_28 = arith.constant 0 : i32
    %dma_wait3A_29 = tpu.memref_slice %arg5[%dma_wait3A_28] : memref<800000xi32, #tpu.memory_space<hbm>> -> memref<400xi32, #tpu.memory_space<hbm>>
    %dma_wait3A_30 = arith.constant 0 : i32
    %dma_wait3A_31 = tpu.memref_slice %arg5[%dma_wait3A_30] : memref<800000xi32, #tpu.memory_space<hbm>> -> memref<400xi32, #tpu.memory_space<hbm>>
    tpu.wait_dma2 semaphore(%arg15 : memref<!tpu.dma_semaphore, #tpu.memory_space<semaphore_mem>>) src(%dma_wait3A_31 : memref<400xi32, #tpu.memory_space<hbm>>) dst(%arg9 : memref<400xi32, #tpu.memory_space<vmem>>)
    %eq3A_32 = arith.constant 0 : i32
    %eq3A_33 = arith.cmpi eq, %arg0, %eq3A_32 : i32
    %convert_element_type3A = arith.extui %eq3A_33 : i1 to i32
    %cond3A = arith.constant 0 : i32
    %cond3A_34 = arith.cmpi ne, %convert_element_type3A, %cond3A : i32
    scf.if %cond3A_34 {
      %dma_start3A_78 = arith.constant 0 : i32
      %dma_start3A_79 = arith.constant 0 : i32
      %dma_start3A_80 = tpu.memref_slice %arg2[%dma_start3A_78, %dma_start3A_79] : memref<51200x32xf32, #tpu.memory_space<hbm>> -> memref<51200x32xf32, #tpu.memory_space<hbm>>
      tpu.enqueue_indirect_dma source(%dma_start3A_80 : memref<51200x32xf32, #tpu.memory_space<hbm>>) target(%arg10 : memref<400x32xf32, #tpu.memory_space<vmem>>) offsets(%arg8 : memref<400xi32, #tpu.memory_space<vmem>>) semaphore(%arg16 : memref<!tpu.dma_semaphore, #tpu.memory_space<semaphore_mem>>)
    } else {
    }
    %eq3A_35 = arith.constant 1 : i32
    %eq3A_36 = arith.cmpi eq, %arg0, %eq3A_35 : i32
    %convert_element_type3A_37 = arith.extui %eq3A_36 : i1 to i32
    %cond3A_38 = arith.constant 0 : i32
    %cond3A_39 = arith.cmpi ne, %convert_element_type3A_37, %cond3A_38 : i32
    scf.if %cond3A_39 {
      %dma_start3A_78 = arith.constant 0 : i32
      %dma_start3A_79 = arith.constant 0 : i32
      %dma_start3A_80 = tpu.memref_slice %arg3[%dma_start3A_78, %dma_start3A_79] : memref<51200x32xf32, #tpu.memory_space<hbm>> -> memref<51200x32xf32, #tpu.memory_space<hbm>>
      tpu.enqueue_indirect_dma source(%dma_start3A_80 : memref<51200x32xf32, #tpu.memory_space<hbm>>) target(%arg10 : memref<400x32xf32, #tpu.memory_space<vmem>>) offsets(%arg8 : memref<400xi32, #tpu.memory_space<vmem>>) semaphore(%arg16 : memref<!tpu.dma_semaphore, #tpu.memory_space<semaphore_mem>>)
    } else {
    }
    %add3A_40 = arith.constant 400 : i32
    %add3A_41 = arith.addi %mul3A_18, %add3A_40 : i32
    %multiple_of3A_42 = tpu.assume_multiple %add3A_41, 8 : i32
    %dma_start3A_43 = tpu.memref_slice %arg4[%multiple_of3A_42] : memref<800000xi32, #tpu.memory_space<hbm>> -> memref<400xi32, #tpu.memory_space<hbm>>
    %dma_start3A_44 = tpu.memref_slice %arg4[%multiple_of3A_42] : memref<800000xi32, #tpu.memory_space<hbm>> -> memref<400xi32, #tpu.memory_space<hbm>>
    tpu.enqueue_dma source(%dma_start3A_44 : memref<400xi32, #tpu.memory_space<hbm>>) target(%arg11 : memref<400xi32, #tpu.memory_space<vmem>>) target_semaphore(%arg18 : memref<!tpu.dma_semaphore, #tpu.memory_space<semaphore_mem>>)
    %dma_start3A_45 = tpu.memref_slice %arg5[%multiple_of3A_42] : memref<800000xi32, #tpu.memory_space<hbm>> -> memref<400xi32, #tpu.memory_space<hbm>>
    %dma_start3A_46 = tpu.memref_slice %arg5[%multiple_of3A_42] : memref<800000xi32, #tpu.memory_space<hbm>> -> memref<400xi32, #tpu.memory_space<hbm>>
    tpu.enqueue_dma source(%dma_start3A_46 : memref<400xi32, #tpu.memory_space<hbm>>) target(%arg12 : memref<400xi32, #tpu.memory_space<vmem>>) target_semaphore(%arg18 : memref<!tpu.dma_semaphore, #tpu.memory_space<semaphore_mem>>)
    %dma_wait3A_47 = arith.constant 0 : i32
    %dma_wait3A_48 = arith.constant 0 : i32
    %dma_wait3A_49 = tpu.memref_slice %arg2[%dma_wait3A_47, %dma_wait3A_48] : memref<51200x32xf32, #tpu.memory_space<hbm>> -> memref<51200x32xf32, #tpu.memory_space<hbm>>
    tpu.wait_indirect_dma semaphore(%arg16 : memref<!tpu.dma_semaphore, #tpu.memory_space<semaphore_mem>>) src(%dma_wait3A_49 : memref<51200x32xf32, #tpu.memory_space<hbm>>) dst(%arg10 : memref<400x32xf32, #tpu.memory_space<vmem>>)
    %dma_start3A_50 = arith.constant 0 : i32
    %dma_start3A_51 = arith.constant 0 : i32
    %dma_start3A_52 = tpu.memref_slice %arg14[%dma_start3A_50, %dma_start3A_51] : memref<50000x32xf32, #tpu.memory_space<vmem_shared>> -> memref<50000x32xf32, #tpu.memory_space<vmem_shared>>
    tpu.enqueue_indirect_dma source(%arg10 : memref<400x32xf32, #tpu.memory_space<vmem>>) target(%dma_start3A_52 : memref<50000x32xf32, #tpu.memory_space<vmem_shared>>) offsets(%arg9 : memref<400xi32, #tpu.memory_space<vmem>>) semaphore(%arg17 : memref<!tpu.dma_semaphore, #tpu.memory_space<semaphore_mem>>) {add = true}
    %scan3A_53 = arith.constant 0 : i32
    %scan3A_54 = arith.constant 0 : i32
    %scan3A_55 = arith.constant 62 : i32
    %scan3A_56 = arith.addi %scan3A_54, %scan3A_55 : i32
    %scan3A_57 = arith.constant 1 : i32
    scf.for %scan3A_78 = %scan3A_54 to %scan3A_56 step %scan3A_57  : i32 {
      %mul3A_79 = arith.constant 2 : i32
      %mul3A_80 = arith.muli %mul3A_79, %scan3A_78 : i32
      %add3A_81 = arith.constant 1 : i32
      %add3A_82 = arith.addi %mul3A_80, %add3A_81 : i32
      %dma_wait3A_83 = arith.constant 0 : i32
      %dma_wait3A_84 = tpu.memref_slice %arg4[%dma_wait3A_83] : memref<800000xi32, #tpu.memory_space<hbm>> -> memref<400xi32, #tpu.memory_space<hbm>>
      %dma_wait3A_85 = arith.constant 0 : i32
      %dma_wait3A_86 = tpu.memref_slice %arg4[%dma_wait3A_85] : memref<800000xi32, #tpu.memory_space<hbm>> -> memref<400xi32, #tpu.memory_space<hbm>>
      tpu.wait_dma2 semaphore(%arg18 : memref<!tpu.dma_semaphore, #tpu.memory_space<semaphore_mem>>) src(%dma_wait3A_86 : memref<400xi32, #tpu.memory_space<hbm>>) dst(%arg11 : memref<400xi32, #tpu.memory_space<vmem>>)
      %dma_wait3A_87 = arith.constant 0 : i32
      %dma_wait3A_88 = tpu.memref_slice %arg5[%dma_wait3A_87] : memref<800000xi32, #tpu.memory_space<hbm>> -> memref<400xi32, #tpu.memory_space<hbm>>
      %dma_wait3A_89 = arith.constant 0 : i32
      %dma_wait3A_90 = tpu.memref_slice %arg5[%dma_wait3A_89] : memref<800000xi32, #tpu.memory_space<hbm>> -> memref<400xi32, #tpu.memory_space<hbm>>
      tpu.wait_dma2 semaphore(%arg18 : memref<!tpu.dma_semaphore, #tpu.memory_space<semaphore_mem>>) src(%dma_wait3A_90 : memref<400xi32, #tpu.memory_space<hbm>>) dst(%arg12 : memref<400xi32, #tpu.memory_space<vmem>>)
      %eq3A_91 = arith.constant 0 : i32
      %eq3A_92 = arith.cmpi eq, %arg0, %eq3A_91 : i32
      %convert_element_type3A_93 = arith.extui %eq3A_92 : i1 to i32
      %cond3A_94 = arith.constant 0 : i32
      %cond3A_95 = arith.cmpi ne, %convert_element_type3A_93, %cond3A_94 : i32
      scf.if %cond3A_95 {
        %dma_start3A_154 = arith.constant 0 : i32
        %dma_start3A_155 = arith.constant 0 : i32
        %dma_start3A_156 = tpu.memref_slice %arg2[%dma_start3A_154, %dma_start3A_155] : memref<51200x32xf32, #tpu.memory_space<hbm>> -> memref<51200x32xf32, #tpu.memory_space<hbm>>
        tpu.enqueue_indirect_dma source(%dma_start3A_156 : memref<51200x32xf32, #tpu.memory_space<hbm>>) target(%arg13 : memref<400x32xf32, #tpu.memory_space<vmem>>) offsets(%arg11 : memref<400xi32, #tpu.memory_space<vmem>>) semaphore(%arg19 : memref<!tpu.dma_semaphore, #tpu.memory_space<semaphore_mem>>)
      } else {
      }
      %eq3A_96 = arith.constant 1 : i32
      %eq3A_97 = arith.cmpi eq, %arg0, %eq3A_96 : i32
      %convert_element_type3A_98 = arith.extui %eq3A_97 : i1 to i32
      %cond3A_99 = arith.constant 0 : i32
      %cond3A_100 = arith.cmpi ne, %convert_element_type3A_98, %cond3A_99 : i32
      scf.if %cond3A_100 {
        %dma_start3A_154 = arith.constant 0 : i32
        %dma_start3A_155 = arith.constant 0 : i32
        %dma_start3A_156 = tpu.memref_slice %arg3[%dma_start3A_154, %dma_start3A_155] : memref<51200x32xf32, #tpu.memory_space<hbm>> -> memref<51200x32xf32, #tpu.memory_space<hbm>>
        tpu.enqueue_indirect_dma source(%dma_start3A_156 : memref<51200x32xf32, #tpu.memory_space<hbm>>) target(%arg13 : memref<400x32xf32, #tpu.memory_space<vmem>>) offsets(%arg11 : memref<400xi32, #tpu.memory_space<vmem>>) semaphore(%arg19 : memref<!tpu.dma_semaphore, #tpu.memory_space<semaphore_mem>>)
      } else {
      }
      %dma_wait3A_101 = arith.constant 0 : i32
      %dma_wait3A_102 = arith.constant 0 : i32
      %dma_wait3A_103 = tpu.memref_slice %arg14[%dma_wait3A_101, %dma_wait3A_102] : memref<50000x32xf32, #tpu.memory_space<vmem_shared>> -> memref<50000x32xf32, #tpu.memory_space<vmem_shared>>
      tpu.wait_indirect_dma semaphore(%arg17 : memref<!tpu.dma_semaphore, #tpu.memory_space<semaphore_mem>>) src(%arg10 : memref<400x32xf32, #tpu.memory_space<vmem>>) dst(%dma_wait3A_103 : memref<50000x32xf32, #tpu.memory_space<vmem_shared>>)
      %add3A_104 = arith.constant 1 : i32
      %add3A_105 = arith.addi %add3A_82, %add3A_104 : i32
      %lt3A = arith.constant 125 : i32
      %lt3A_106 = arith.cmpi slt, %add3A_105, %lt3A : i32
      %convert_element_type3A_107 = arith.extui %lt3A_106 : i1 to i32
      %cond3A_108 = arith.constant 0 : i32
      %cond3A_109 = arith.cmpi ne, %convert_element_type3A_107, %cond3A_108 : i32
      scf.if %cond3A_109 {
        %add3A_154 = arith.constant 1 : i32
        %add3A_155 = arith.addi %add3A_82, %add3A_154 : i32
        %mul3A_156 = arith.constant 400 : i32
        %mul3A_157 = arith.muli %add3A_155, %mul3A_156 : i32
        %add3A_158 = arith.addi %mul3A_18, %mul3A_157 : i32
        %multiple_of3A_159 = tpu.assume_multiple %add3A_158, 8 : i32
        %dma_start3A_160 = tpu.memref_slice %arg4[%multiple_of3A_159] : memref<800000xi32, #tpu.memory_space<hbm>> -> memref<400xi32, #tpu.memory_space<hbm>>
        %dma_start3A_161 = tpu.memref_slice %arg4[%multiple_of3A_159] : memref<800000xi32, #tpu.memory_space<hbm>> -> memref<400xi32, #tpu.memory_space<hbm>>
        tpu.enqueue_dma source(%dma_start3A_161 : memref<400xi32, #tpu.memory_space<hbm>>) target(%arg8 : memref<400xi32, #tpu.memory_space<vmem>>) target_semaphore(%arg15 : memref<!tpu.dma_semaphore, #tpu.memory_space<semaphore_mem>>)
        %dma_start3A_162 = tpu.memref_slice %arg5[%multiple_of3A_159] : memref<800000xi32, #tpu.memory_space<hbm>> -> memref<400xi32, #tpu.memory_space<hbm>>
        %dma_start3A_163 = tpu.memref_slice %arg5[%multiple_of3A_159] : memref<800000xi32, #tpu.memory_space<hbm>> -> memref<400xi32, #tpu.memory_space<hbm>>
        tpu.enqueue_dma source(%dma_start3A_163 : memref<400xi32, #tpu.memory_space<hbm>>) target(%arg9 : memref<400xi32, #tpu.memory_space<vmem>>) target_semaphore(%arg15 : memref<!tpu.dma_semaphore, #tpu.memory_space<semaphore_mem>>)
      } else {
      }
      %dma_wait3A_110 = arith.constant 0 : i32
      %dma_wait3A_111 = arith.constant 0 : i32
      %dma_wait3A_112 = tpu.memref_slice %arg2[%dma_wait3A_110, %dma_wait3A_111] : memref<51200x32xf32, #tpu.memory_space<hbm>> -> memref<51200x32xf32, #tpu.memory_space<hbm>>
      tpu.wait_indirect_dma semaphore(%arg19 : memref<!tpu.dma_semaphore, #tpu.memory_space<semaphore_mem>>) src(%dma_wait3A_112 : memref<51200x32xf32, #tpu.memory_space<hbm>>) dst(%arg13 : memref<400x32xf32, #tpu.memory_space<vmem>>)
      %dma_start3A_113 = arith.constant 0 : i32
      %dma_start3A_114 = arith.constant 0 : i32
      %dma_start3A_115 = tpu.memref_slice %arg14[%dma_start3A_113, %dma_start3A_114] : memref<50000x32xf32, #tpu.memory_space<vmem_shared>> -> memref<50000x32xf32, #tpu.memory_space<vmem_shared>>
      tpu.enqueue_indirect_dma source(%arg13 : memref<400x32xf32, #tpu.memory_space<vmem>>) target(%dma_start3A_115 : memref<50000x32xf32, #tpu.memory_space<vmem_shared>>) offsets(%arg12 : memref<400xi32, #tpu.memory_space<vmem>>) semaphore(%arg20 : memref<!tpu.dma_semaphore, #tpu.memory_space<semaphore_mem>>) {add = true}
      %mul3A_116 = arith.constant 2 : i32
      %mul3A_117 = arith.muli %mul3A_116, %scan3A_78 : i32
      %add3A_118 = arith.constant 2 : i32
      %add3A_119 = arith.addi %mul3A_117, %add3A_118 : i32
      %dma_wait3A_120 = arith.constant 0 : i32
      %dma_wait3A_121 = tpu.memref_slice %arg4[%dma_wait3A_120] : memref<800000xi32, #tpu.memory_space<hbm>> -> memref<400xi32, #tpu.memory_space<hbm>>
      %dma_wait3A_122 = arith.constant 0 : i32
      %dma_wait3A_123 = tpu.memref_slice %arg4[%dma_wait3A_122] : memref<800000xi32, #tpu.memory_space<hbm>> -> memref<400xi32, #tpu.memory_space<hbm>>
      tpu.wait_dma2 semaphore(%arg15 : memref<!tpu.dma_semaphore, #tpu.memory_space<semaphore_mem>>) src(%dma_wait3A_123 : memref<400xi32, #tpu.memory_space<hbm>>) dst(%arg8 : memref<400xi32, #tpu.memory_space<vmem>>)
      %dma_wait3A_124 = arith.constant 0 : i32
      %dma_wait3A_125 = tpu.memref_slice %arg5[%dma_wait3A_124] : memref<800000xi32, #tpu.memory_space<hbm>> -> memref<400xi32, #tpu.memory_space<hbm>>
      %dma_wait3A_126 = arith.constant 0 : i32
      %dma_wait3A_127 = tpu.memref_slice %arg5[%dma_wait3A_126] : memref<800000xi32, #tpu.memory_space<hbm>> -> memref<400xi32, #tpu.memory_space<hbm>>
      tpu.wait_dma2 semaphore(%arg15 : memref<!tpu.dma_semaphore, #tpu.memory_space<semaphore_mem>>) src(%dma_wait3A_127 : memref<400xi32, #tpu.memory_space<hbm>>) dst(%arg9 : memref<400xi32, #tpu.memory_space<vmem>>)
      %eq3A_128 = arith.constant 0 : i32
      %eq3A_129 = arith.cmpi eq, %arg0, %eq3A_128 : i32
      %convert_element_type3A_130 = arith.extui %eq3A_129 : i1 to i32
      %cond3A_131 = arith.constant 0 : i32
      %cond3A_132 = arith.cmpi ne, %convert_element_type3A_130, %cond3A_131 : i32
      scf.if %cond3A_132 {
        %dma_start3A_154 = arith.constant 0 : i32
        %dma_start3A_155 = arith.constant 0 : i32
        %dma_start3A_156 = tpu.memref_slice %arg2[%dma_start3A_154, %dma_start3A_155] : memref<51200x32xf32, #tpu.memory_space<hbm>> -> memref<51200x32xf32, #tpu.memory_space<hbm>>
        tpu.enqueue_indirect_dma source(%dma_start3A_156 : memref<51200x32xf32, #tpu.memory_space<hbm>>) target(%arg10 : memref<400x32xf32, #tpu.memory_space<vmem>>) offsets(%arg8 : memref<400xi32, #tpu.memory_space<vmem>>) semaphore(%arg16 : memref<!tpu.dma_semaphore, #tpu.memory_space<semaphore_mem>>)
      } else {
      }
      %eq3A_133 = arith.constant 1 : i32
      %eq3A_134 = arith.cmpi eq, %arg0, %eq3A_133 : i32
      %convert_element_type3A_135 = arith.extui %eq3A_134 : i1 to i32
      %cond3A_136 = arith.constant 0 : i32
      %cond3A_137 = arith.cmpi ne, %convert_element_type3A_135, %cond3A_136 : i32
      scf.if %cond3A_137 {
        %dma_start3A_154 = arith.constant 0 : i32
        %dma_start3A_155 = arith.constant 0 : i32
        %dma_start3A_156 = tpu.memref_slice %arg3[%dma_start3A_154, %dma_start3A_155] : memref<51200x32xf32, #tpu.memory_space<hbm>> -> memref<51200x32xf32, #tpu.memory_space<hbm>>
        tpu.enqueue_indirect_dma source(%dma_start3A_156 : memref<51200x32xf32, #tpu.memory_space<hbm>>) target(%arg10 : memref<400x32xf32, #tpu.memory_space<vmem>>) offsets(%arg8 : memref<400xi32, #tpu.memory_space<vmem>>) semaphore(%arg16 : memref<!tpu.dma_semaphore, #tpu.memory_space<semaphore_mem>>)
      } else {
      }
      %dma_wait3A_138 = arith.constant 0 : i32
      %dma_wait3A_139 = arith.constant 0 : i32
      %dma_wait3A_140 = tpu.memref_slice %arg14[%dma_wait3A_138, %dma_wait3A_139] : memref<50000x32xf32, #tpu.memory_space<vmem_shared>> -> memref<50000x32xf32, #tpu.memory_space<vmem_shared>>
      tpu.wait_indirect_dma semaphore(%arg20 : memref<!tpu.dma_semaphore, #tpu.memory_space<semaphore_mem>>) src(%arg13 : memref<400x32xf32, #tpu.memory_space<vmem>>) dst(%dma_wait3A_140 : memref<50000x32xf32, #tpu.memory_space<vmem_shared>>)
      %add3A_141 = arith.constant 1 : i32
      %add3A_142 = arith.addi %add3A_119, %add3A_141 : i32
      %lt3A_143 = arith.constant 125 : i32
      %lt3A_144 = arith.cmpi slt, %add3A_142, %lt3A_143 : i32
      %convert_element_type3A_145 = arith.extui %lt3A_144 : i1 to i32
      %cond3A_146 = arith.constant 0 : i32
      %cond3A_147 = arith.cmpi ne, %convert_element_type3A_145, %cond3A_146 : i32
      scf.if %cond3A_147 {
        %add3A_154 = arith.constant 1 : i32
        %add3A_155 = arith.addi %add3A_119, %add3A_154 : i32
        %mul3A_156 = arith.constant 400 : i32
        %mul3A_157 = arith.muli %add3A_155, %mul3A_156 : i32
        %add3A_158 = arith.addi %mul3A_18, %mul3A_157 : i32
        %multiple_of3A_159 = tpu.assume_multiple %add3A_158, 8 : i32
        %dma_start3A_160 = tpu.memref_slice %arg4[%multiple_of3A_159] : memref<800000xi32, #tpu.memory_space<hbm>> -> memref<400xi32, #tpu.memory_space<hbm>>
        %dma_start3A_161 = tpu.memref_slice %arg4[%multiple_of3A_159] : memref<800000xi32, #tpu.memory_space<hbm>> -> memref<400xi32, #tpu.memory_space<hbm>>
        tpu.enqueue_dma source(%dma_start3A_161 : memref<400xi32, #tpu.memory_space<hbm>>) target(%arg11 : memref<400xi32, #tpu.memory_space<vmem>>) target_semaphore(%arg18 : memref<!tpu.dma_semaphore, #tpu.memory_space<semaphore_mem>>)
        %dma_start3A_162 = tpu.memref_slice %arg5[%multiple_of3A_159] : memref<800000xi32, #tpu.memory_space<hbm>> -> memref<400xi32, #tpu.memory_space<hbm>>
        %dma_start3A_163 = tpu.memref_slice %arg5[%multiple_of3A_159] : memref<800000xi32, #tpu.memory_space<hbm>> -> memref<400xi32, #tpu.memory_space<hbm>>
        tpu.enqueue_dma source(%dma_start3A_163 : memref<400xi32, #tpu.memory_space<hbm>>) target(%arg12 : memref<400xi32, #tpu.memory_space<vmem>>) target_semaphore(%arg18 : memref<!tpu.dma_semaphore, #tpu.memory_space<semaphore_mem>>)
      } else {
      }
      %dma_wait3A_148 = arith.constant 0 : i32
      %dma_wait3A_149 = arith.constant 0 : i32
      %dma_wait3A_150 = tpu.memref_slice %arg2[%dma_wait3A_148, %dma_wait3A_149] : memref<51200x32xf32, #tpu.memory_space<hbm>> -> memref<51200x32xf32, #tpu.memory_space<hbm>>
      tpu.wait_indirect_dma semaphore(%arg16 : memref<!tpu.dma_semaphore, #tpu.memory_space<semaphore_mem>>) src(%dma_wait3A_150 : memref<51200x32xf32, #tpu.memory_space<hbm>>) dst(%arg10 : memref<400x32xf32, #tpu.memory_space<vmem>>)
      %dma_start3A_151 = arith.constant 0 : i32
      %dma_start3A_152 = arith.constant 0 : i32
      %dma_start3A_153 = tpu.memref_slice %arg14[%dma_start3A_151, %dma_start3A_152] : memref<50000x32xf32, #tpu.memory_space<vmem_shared>> -> memref<50000x32xf32, #tpu.memory_space<vmem_shared>>
      tpu.enqueue_indirect_dma source(%arg10 : memref<400x32xf32, #tpu.memory_space<vmem>>) target(%dma_start3A_153 : memref<50000x32xf32, #tpu.memory_space<vmem_shared>>) offsets(%arg9 : memref<400xi32, #tpu.memory_space<vmem>>) semaphore(%arg17 : memref<!tpu.dma_semaphore, #tpu.memory_space<semaphore_mem>>) {add = true}
    }
    %scan3A_58 = arith.constant 62 : i32
    %dma_wait3A_59 = arith.constant 0 : i32
    %dma_wait3A_60 = arith.constant 0 : i32
    %dma_wait3A_61 = tpu.memref_slice %arg14[%dma_wait3A_59, %dma_wait3A_60] : memref<50000x32xf32, #tpu.memory_space<vmem_shared>> -> memref<50000x32xf32, #tpu.memory_space<vmem_shared>>
    tpu.wait_indirect_dma semaphore(%arg17 : memref<!tpu.dma_semaphore, #tpu.memory_space<semaphore_mem>>) src(%arg10 : memref<400x32xf32, #tpu.memory_space<vmem>>) dst(%dma_wait3A_61 : memref<50000x32xf32, #tpu.memory_space<vmem_shared>>)
    %barrier3A_62 = arith.constant 0 : index
    tpu.barrier barrier_id(%barrier3A_62)
    %eq3A_63 = arith.constant 0 : i32
    %eq3A_64 = arith.cmpi eq, %arg0, %eq3A_63 : i32
    %convert_element_type3A_65 = arith.extui %eq3A_64 : i1 to i32
    %cond3A_66 = arith.constant 0 : i32
    %cond3A_67 = arith.cmpi ne, %convert_element_type3A_65, %cond3A_66 : i32
    scf.if %cond3A_67 {
      "tpu.region"() ({
        %run_scoped3A = tpu.sem_alloc : memref<!tpu.dma_semaphore, #tpu.memory_space<semaphore_mem>>
        %dma_start3A_78 = arith.constant 0 : i32
        %dma_start3A_79 = tpu.memref_slice %arg6[%multiple_of3A, %dma_start3A_78] : memref<51200x32xf32, #tpu.memory_space<hbm>> -> memref<3128x32xf32, #tpu.memory_space<hbm>>
        %dma_start3A_80 = arith.constant 0 : i32
        %dma_start3A_81 = tpu.memref_slice %arg14[%multiple_of3A, %dma_start3A_80] : memref<50000x32xf32, #tpu.memory_space<vmem_shared>> -> memref<3128x32xf32, #tpu.memory_space<vmem_shared>>
        tpu.enqueue_dma source(%dma_start3A_81 : memref<3128x32xf32, #tpu.memory_space<vmem_shared>>) target(%dma_start3A_79 : memref<3128x32xf32, #tpu.memory_space<hbm>>) target_semaphore(%run_scoped3A : memref<!tpu.dma_semaphore, #tpu.memory_space<semaphore_mem>>)
        %dma_wait3A_82 = arith.constant 0 : i32
        %dma_wait3A_83 = tpu.memref_slice %arg6[%multiple_of3A, %dma_wait3A_82] : memref<51200x32xf32, #tpu.memory_space<hbm>> -> memref<3128x32xf32, #tpu.memory_space<hbm>>
        %dma_wait3A_84 = arith.constant 0 : i32
        %dma_wait3A_85 = tpu.memref_slice %arg14[%multiple_of3A, %dma_wait3A_84] : memref<50000x32xf32, #tpu.memory_space<vmem_shared>> -> memref<3128x32xf32, #tpu.memory_space<vmem_shared>>
        tpu.wait_dma2 semaphore(%run_scoped3A : memref<!tpu.dma_semaphore, #tpu.memory_space<semaphore_mem>>) src(%dma_wait3A_85 : memref<3128x32xf32, #tpu.memory_space<vmem_shared>>) dst(%dma_wait3A_83 : memref<3128x32xf32, #tpu.memory_space<hbm>>)
        tpu.yield
      }) : () -> ()
    } else {
    }
    %eq3A_68 = arith.constant 1 : i32
    %eq3A_69 = arith.cmpi eq, %arg0, %eq3A_68 : i32
    %convert_element_type3A_70 = arith.extui %eq3A_69 : i1 to i32
    %cond3A_71 = arith.constant 0 : i32
    %cond3A_72 = arith.cmpi ne, %convert_element_type3A_70, %cond3A_71 : i32
    scf.if %cond3A_72 {
      "tpu.region"() ({
        %run_scoped3A = tpu.sem_alloc : memref<!tpu.dma_semaphore, #tpu.memory_space<semaphore_mem>>
        %dma_start3A_78 = arith.constant 0 : i32
        %dma_start3A_79 = tpu.memref_slice %arg7[%multiple_of3A, %dma_start3A_78] : memref<51200x32xf32, #tpu.memory_space<hbm>> -> memref<3128x32xf32, #tpu.memory_space<hbm>>
        %dma_start3A_80 = arith.constant 0 : i32
        %dma_start3A_81 = tpu.memref_slice %arg14[%multiple_of3A, %dma_start3A_80] : memref<50000x32xf32, #tpu.memory_space<vmem_shared>> -> memref<3128x32xf32, #tpu.memory_space<vmem_shared>>
        tpu.enqueue_dma source(%dma_start3A_81 : memref<3128x32xf32, #tpu.memory_space<vmem_shared>>) target(%dma_start3A_79 : memref<3128x32xf32, #tpu.memory_space<hbm>>) target_semaphore(%run_scoped3A : memref<!tpu.dma_semaphore, #tpu.memory_space<semaphore_mem>>)
        %dma_wait3A_82 = arith.constant 0 : i32
        %dma_wait3A_83 = tpu.memref_slice %arg7[%multiple_of3A, %dma_wait3A_82] : memref<51200x32xf32, #tpu.memory_space<hbm>> -> memref<3128x32xf32, #tpu.memory_space<hbm>>
        %dma_wait3A_84 = arith.constant 0 : i32
        %dma_wait3A_85 = tpu.memref_slice %arg14[%multiple_of3A, %dma_wait3A_84] : memref<50000x32xf32, #tpu.memory_space<vmem_shared>> -> memref<3128x32xf32, #tpu.memory_space<vmem_shared>>
        tpu.wait_dma2 semaphore(%run_scoped3A : memref<!tpu.dma_semaphore, #tpu.memory_space<semaphore_mem>>) src(%dma_wait3A_85 : memref<3128x32xf32, #tpu.memory_space<vmem_shared>>) dst(%dma_wait3A_83 : memref<3128x32xf32, #tpu.memory_space<hbm>>)
        tpu.yield
      }) : () -> ()
    } else {
    }
    %eq3A_73 = arith.constant 0 : i32
    %eq3A_74 = arith.cmpi eq, %arg1, %eq3A_73 : i32
    %convert_element_type3A_75 = arith.extui %eq3A_74 : i1 to i32
    %cond3A_76 = arith.constant 0 : i32
    %cond3A_77 = arith.cmpi ne, %convert_element_type3A_75, %cond3A_76 : i32
    scf.if %cond3A_77 {
      %scan3A_78 = arith.constant 0 : i32
      %scan3A_79 = arith.constant 0 : i32
      %scan3A_80 = arith.constant 400 : i32
      %scan3A_81 = arith.addi %scan3A_79, %scan3A_80 : i32
      %scan3A_82 = arith.constant 1 : i32
      scf.for %scan3A_90 = %scan3A_79 to %scan3A_81 step %scan3A_82  : i32 {
        %swap3A = arith.index_cast %scan3A_90 : i32 to index
        %swap3A_91 = arith.constant 0 : index
        %swap3A_92 = tpu.vector_load %arg10[%swap3A, %swap3A_91] {strides = array<i32>} : memref<400x32xf32, #tpu.memory_space<vmem>>, vector<1x16xf32>,
        %swap3A_93 = vector.shape_cast %swap3A_92 : vector<1x16xf32> to vector<16xf32>
        %swap3A_94 = vector.shape_cast %broadcast_in_dim3A_0 : vector<16xf32> to vector<1x16xf32>
        tpu.vector_store %arg10[%swap3A, %swap3A_91], %swap3A_94 {strides = array<i32>} : memref<400x32xf32, #tpu.memory_space<vmem>>, vector<1x16xf32>,
        %swap3A_95 = arith.index_cast %scan3A_90 : i32 to index
        %swap3A_96 = arith.constant 16 : index
        %swap3A_97 = tpu.vector_load %arg10[%swap3A_95, %swap3A_96] {strides = array<i32>} : memref<400x32xf32, #tpu.memory_space<vmem>>, vector<1x16xf32>,
        %swap3A_98 = vector.shape_cast %swap3A_97 : vector<1x16xf32> to vector<16xf32>
        %swap3A_99 = vector.shape_cast %broadcast_in_dim3A_0 : vector<16xf32> to vector<1x16xf32>
        tpu.vector_store %arg10[%swap3A_95, %swap3A_96], %swap3A_99 {strides = array<i32>} : memref<400x32xf32, #tpu.memory_space<vmem>>, vector<1x16xf32>,
      }
      %scan3A_83 = arith.constant 400 : i32
      %scan3A_84 = arith.constant 0 : i32
      %scan3A_85 = arith.constant 0 : i32
      %scan3A_86 = arith.constant 3 : i32
      %scan3A_87 = arith.addi %scan3A_85, %scan3A_86 : i32
      %scan3A_88 = arith.constant 1 : i32
      scf.for %scan3A_90 = %scan3A_85 to %scan3A_87 step %scan3A_88  : i32 {
        %eq3A_91 = arith.constant 0 : i32
        %eq3A_92 = arith.cmpi eq, %arg0, %eq3A_91 : i32
        %convert_element_type3A_93 = arith.extui %eq3A_92 : i1 to i32
        %cond3A_94 = arith.constant 0 : i32
        %cond3A_95 = arith.cmpi ne, %convert_element_type3A_93, %cond3A_94 : i32
        scf.if %cond3A_95 {
          %mul3A_101 = arith.constant 400 : i32
          %mul3A_102 = arith.muli %scan3A_90, %mul3A_101 : i32
          %add3A_103 = arith.constant 50000 : i32
          %add3A_104 = arith.addi %add3A_103, %mul3A_102 : i32
          "tpu.region"() ({
            %run_scoped3A = tpu.sem_alloc : memref<!tpu.dma_semaphore, #tpu.memory_space<semaphore_mem>>
            %dma_start3A_105 = arith.constant 0 : i32
            %dma_start3A_106 = tpu.memref_slice %arg6[%add3A_104, %dma_start3A_105] : memref<51200x32xf32, #tpu.memory_space<hbm>> -> memref<400x32xf32, #tpu.memory_space<hbm>>
            %dma_start3A_107 = arith.constant 0 : i32
            %dma_start3A_108 = tpu.memref_slice %arg6[%add3A_104, %dma_start3A_107] : memref<51200x32xf32, #tpu.memory_space<hbm>> -> memref<400x32xf32, #tpu.memory_space<hbm>>
            tpu.enqueue_dma source(%arg10 : memref<400x32xf32, #tpu.memory_space<vmem>>) target(%dma_start3A_108 : memref<400x32xf32, #tpu.memory_space<hbm>>) target_semaphore(%run_scoped3A : memref<!tpu.dma_semaphore, #tpu.memory_space<semaphore_mem>>)
            %dma_wait3A_109 = arith.constant 0 : i32
            %dma_wait3A_110 = tpu.memref_slice %arg6[%add3A_104, %dma_wait3A_109] : memref<51200x32xf32, #tpu.memory_space<hbm>> -> memref<400x32xf32, #tpu.memory_space<hbm>>
            %dma_wait3A_111 = arith.constant 0 : i32
            %dma_wait3A_112 = tpu.memref_slice %arg6[%add3A_104, %dma_wait3A_111] : memref<51200x32xf32, #tpu.memory_space<hbm>> -> memref<400x32xf32, #tpu.memory_space<hbm>>
            tpu.wait_dma2 semaphore(%run_scoped3A : memref<!tpu.dma_semaphore, #tpu.memory_space<semaphore_mem>>) src(%arg10 : memref<400x32xf32, #tpu.memory_space<vmem>>) dst(%dma_wait3A_112 : memref<400x32xf32, #tpu.memory_space<hbm>>)
            tpu.yield
          }) : () -> ()
        } else {
        }
        %eq3A_96 = arith.constant 1 : i32
        %eq3A_97 = arith.cmpi eq, %arg0, %eq3A_96 : i32
        %convert_element_type3A_98 = arith.extui %eq3A_97 : i1 to i32
        %cond3A_99 = arith.constant 0 : i32
        %cond3A_100 = arith.cmpi ne, %convert_element_type3A_98, %cond3A_99 : i32
        scf.if %cond3A_100 {
          %mul3A_101 = arith.constant 400 : i32
          %mul3A_102 = arith.muli %scan3A_90, %mul3A_101 : i32
          %add3A_103 = arith.constant 50000 : i32
          %add3A_104 = arith.addi %add3A_103, %mul3A_102 : i32
          "tpu.region"() ({
            %run_scoped3A = tpu.sem_alloc : memref<!tpu.dma_semaphore, #tpu.memory_space<semaphore_mem>>
            %dma_start3A_105 = arith.constant 0 : i32
            %dma_start3A_106 = tpu.memref_slice %arg7[%add3A_104, %dma_start3A_105] : memref<51200x32xf32, #tpu.memory_space<hbm>> -> memref<400x32xf32, #tpu.memory_space<hbm>>
            %dma_start3A_107 = arith.constant 0 : i32
            %dma_start3A_108 = tpu.memref_slice %arg7[%add3A_104, %dma_start3A_107] : memref<51200x32xf32, #tpu.memory_space<hbm>> -> memref<400x32xf32, #tpu.memory_space<hbm>>
            tpu.enqueue_dma source(%arg10 : memref<400x32xf32, #tpu.memory_space<vmem>>) target(%dma_start3A_108 : memref<400x32xf32, #tpu.memory_space<hbm>>) target_semaphore(%run_scoped3A : memref<!tpu.dma_semaphore, #tpu.memory_space<semaphore_mem>>)
            %dma_wait3A_109 = arith.constant 0 : i32
            %dma_wait3A_110 = tpu.memref_slice %arg7[%add3A_104, %dma_wait3A_109] : memref<51200x32xf32, #tpu.memory_space<hbm>> -> memref<400x32xf32, #tpu.memory_space<hbm>>
            %dma_wait3A_111 = arith.constant 0 : i32
            %dma_wait3A_112 = tpu.memref_slice %arg7[%add3A_104, %dma_wait3A_111] : memref<51200x32xf32, #tpu.memory_space<hbm>> -> memref<400x32xf32, #tpu.memory_space<hbm>>
            tpu.wait_dma2 semaphore(%run_scoped3A : memref<!tpu.dma_semaphore, #tpu.memory_space<semaphore_mem>>) src(%arg10 : memref<400x32xf32, #tpu.memory_space<vmem>>) dst(%dma_wait3A_112 : memref<400x32xf32, #tpu.memory_space<hbm>>)
            tpu.yield
          }) : () -> ()
        } else {
        }
      }
      %scan3A_89 = arith.constant 3 : i32
    } else {
    }
    return
  }
}

#map = affine_map<(d0, d1) -> (0, 0)>
#map1 = affine_map<(d0, d1) -> (0)>
module attributes {stable_mosaic.version = 14 : i64} {
  func.func @_agg_body(%arg0: i32, %arg1: i32, %arg2: memref<51200x32xf32, #tpu.memory_space<hbm>>, %arg3: memref<51200x32xf32, #tpu.memory_space<hbm>>, %arg4: memref<800000xi32, #tpu.memory_space<hbm>>, %arg5: memref<800000xi32, #tpu.memory_space<hbm>>, %arg6: memref<51200x32xf32, #tpu.memory_space<hbm>>, %arg7: memref<51200x32xf32, #tpu.memory_space<hbm>>, %arg8: memref<400xi32, #tpu.memory_space<vmem>>, %arg9: memref<400xi32, #tpu.memory_space<vmem>>, %arg10: memref<400x32xf32, #tpu.memory_space<vmem>>, %arg11: memref<400xi32, #tpu.memory_space<vmem>>, %arg12: memref<400xi32, #tpu.memory_space<vmem>>, %arg13: memref<400x32xf32, #tpu.memory_space<vmem>>, %arg14: memref<50000x32xf32, #tpu.memory_space<vmem_shared>>, %arg15: memref<!tpu.dma_semaphore, #tpu.memory_space<semaphore_mem>>, %arg16: memref<!tpu.dma_semaphore, #tpu.memory_space<semaphore_mem>>, %arg17: memref<!tpu.dma_semaphore, #tpu.memory_space<semaphore_mem>>, %arg18: memref<!tpu.dma_semaphore, #tpu.memory_space<semaphore_mem>>, %arg19: memref<!tpu.dma_semaphore, #tpu.memory_space<semaphore_mem>>, %arg20: memref<!tpu.dma_semaphore, #tpu.memory_space<semaphore_mem>>) attributes {dimension_semantics = [#tpu.dimension_semantics<core_parallel>, #tpu.dimension_semantics<subcore_parallel>], iteration_bounds = array<i64: 2, 16>, scalar_prefetch = 0 : i64, scratch_operands = 13 : i64, tpu.core_type = #tpu.core_type<sc_vector_subcore>, window_params = [{transform_indices = #map}, {transform_indices = #map}, {transform_indices = #map1}, {transform_indices = #map1}, {transform_indices = #map}, {transform_indices = #map}]} {
    %broadcast_in_dim3A = arith.constant 0.000000e+00 : f32
    %broadcast_in_dim3A_0 = vector.broadcast %broadcast_in_dim3A : f32 to vector<16xf32>
    %broadcast_in_dim3A_1 = arith.constant 1.000000e+00 : f32
    %broadcast_in_dim3A_2 = vector.broadcast %broadcast_in_dim3A_1 : f32 to vector<16xf32>
    %scan3A = arith.constant 0 : i32
    %scan3A_3 = arith.constant 0 : i32
    %scan3A_4 = arith.constant 400 : i32
    %scan3A_5 = arith.addi %scan3A_3, %scan3A_4 : i32
    %scan3A_6 = arith.constant 1 : i32
    scf.for %scan3A_78 = %scan3A_3 to %scan3A_5 step %scan3A_6  : i32 {
      %swap3A = arith.index_cast %scan3A_78 : i32 to index
      %swap3A_79 = arith.constant 0 : index
      %swap3A_80 = tpu.vector_load %arg10[%swap3A, %swap3A_79] {strides = array<i32>} : memref<400x32xf32, #tpu.memory_space<vmem>>, vector<1x16xf32>,
      %swap3A_81 = vector.shape_cast %swap3A_80 : vector<1x16xf32> to vector<16xf32>
      %swap3A_82 = vector.shape_cast %broadcast_in_dim3A_0 : vector<16xf32> to vector<1x16xf32>
      tpu.vector_store %arg10[%swap3A, %swap3A_79], %swap3A_82 {strides = array<i32>} : memref<400x32xf32, #tpu.memory_space<vmem>>, vector<1x16xf32>,
      %swap3A_83 = arith.index_cast %scan3A_78 : i32 to index
      %swap3A_84 = arith.constant 16 : index
      %swap3A_85 = tpu.vector_load %arg10[%swap3A_83, %swap3A_84] {strides = array<i32>} : memref<400x32xf32, #tpu.memory_space<vmem>>, vector<1x16xf32>,
      %swap3A_86 = vector.shape_cast %swap3A_85 : vector<1x16xf32> to vector<16xf32>
      %swap3A_87 = vector.shape_cast %broadcast_in_dim3A_0 : vector<16xf32> to vector<1x16xf32>
      tpu.vector_store %arg10[%swap3A_83, %swap3A_84], %swap3A_87 {strides = array<i32>} : memref<400x32xf32, #tpu.memory_space<vmem>>, vector<1x16xf32>,
    }
    %scan3A_7 = arith.constant 400 : i32
    %eq3A = arith.constant 15 : i32
    %eq3A_8 = arith.cmpi eq, %arg1, %eq3A : i32
    %mul3A = arith.constant 3128 : i32
    %mul3A_9 = arith.muli %arg1, %mul3A : i32
    %jit3A = arith.constant 46872 : i32
    %select_n3A = arith.select %eq3A_8, %jit3A, %mul3A_9 : i32
    %multiple_of3A = tpu.assume_multiple %select_n3A, 8 : i32
    %scan3A_10 = arith.constant 0 : i32
    %scan3A_11 = arith.constant 0 : i32
    %scan3A_12 = arith.constant 7 : i32
    %scan3A_13 = arith.addi %scan3A_11, %scan3A_12 : i32
    %scan3A_14 = arith.constant 1 : i32
    scf.for %scan3A_78 = %scan3A_11 to %scan3A_13 step %scan3A_14  : i32 {
      %mul3A_79 = arith.constant 400 : i32
      %mul3A_80 = arith.muli %scan3A_78, %mul3A_79 : i32
      %add3A_81 = arith.addi %multiple_of3A, %mul3A_80 : i32
      "tpu.region"() ({
        %run_scoped3A = tpu.sem_alloc : memref<!tpu.dma_semaphore, #tpu.memory_space<semaphore_mem>>
        %dma_start3A_82 = arith.constant 0 : i32
        %dma_start3A_83 = tpu.memref_slice %arg14[%add3A_81, %dma_start3A_82] : memref<50000x32xf32, #tpu.memory_space<vmem_shared>> -> memref<400x32xf32, #tpu.memory_space<vmem_shared>>
        %dma_start3A_84 = arith.constant 0 : i32
        %dma_start3A_85 = tpu.memref_slice %arg14[%add3A_81, %dma_start3A_84] : memref<50000x32xf32, #tpu.memory_space<vmem_shared>> -> memref<400x32xf32, #tpu.memory_space<vmem_shared>>
        tpu.enqueue_dma source(%arg10 : memref<400x32xf32, #tpu.memory_space<vmem>>) target(%dma_start3A_85 : memref<400x32xf32, #tpu.memory_space<vmem_shared>>) target_semaphore(%run_scoped3A : memref<!tpu.dma_semaphore, #tpu.memory_space<semaphore_mem>>)
        %dma_wait3A_86 = arith.constant 0 : i32
        %dma_wait3A_87 = tpu.memref_slice %arg14[%add3A_81, %dma_wait3A_86] : memref<50000x32xf32, #tpu.memory_space<vmem_shared>> -> memref<400x32xf32, #tpu.memory_space<vmem_shared>>
        %dma_wait3A_88 = arith.constant 0 : i32
        %dma_wait3A_89 = tpu.memref_slice %arg14[%add3A_81, %dma_wait3A_88] : memref<50000x32xf32, #tpu.memory_space<vmem_shared>> -> memref<400x32xf32, #tpu.memory_space<vmem_shared>>
        tpu.wait_dma2 semaphore(%run_scoped3A : memref<!tpu.dma_semaphore, #tpu.memory_space<semaphore_mem>>) src(%arg10 : memref<400x32xf32, #tpu.memory_space<vmem>>) dst(%dma_wait3A_89 : memref<400x32xf32, #tpu.memory_space<vmem_shared>>)
        tpu.yield
      }) : () -> ()
    }
    %scan3A_15 = arith.constant 7 : i32
    %add3A = arith.constant 2800 : i32
    %add3A_16 = arith.addi %multiple_of3A, %add3A : i32
    "tpu.region"() ({
      %run_scoped3A = tpu.sem_alloc : memref<!tpu.dma_semaphore, #tpu.memory_space<semaphore_mem>>
      %dma_start3A_78 = arith.constant 0 : i32
      %dma_start3A_79 = arith.constant 0 : i32
      %dma_start3A_80 = tpu.memref_slice %arg10[%dma_start3A_78, %dma_start3A_79] : memref<400x32xf32, #tpu.memory_space<vmem>> -> memref<328x32xf32, #tpu.memory_space<vmem>>
      %dma_start3A_81 = arith.constant 0 : i32
      %dma_start3A_82 = tpu.memref_slice %arg14[%add3A_16, %dma_start3A_81] : memref<50000x32xf32, #tpu.memory_space<vmem_shared>> -> memref<328x32xf32, #tpu.memory_space<vmem_shared>>
      %dma_start3A_83 = arith.constant 0 : i32
      %dma_start3A_84 = tpu.memref_slice %arg14[%add3A_16, %dma_start3A_83] : memref<50000x32xf32, #tpu.memory_space<vmem_shared>> -> memref<328x32xf32, #tpu.memory_space<vmem_shared>>
      %dma_start3A_85 = arith.constant 0 : i32
      %dma_start3A_86 = arith.constant 0 : i32
      %dma_start3A_87 = tpu.memref_slice %arg10[%dma_start3A_85, %dma_start3A_86] : memref<400x32xf32, #tpu.memory_space<vmem>> -> memref<328x32xf32, #tpu.memory_space<vmem>>
      tpu.enqueue_dma source(%dma_start3A_87 : memref<328x32xf32, #tpu.memory_space<vmem>>) target(%dma_start3A_84 : memref<328x32xf32, #tpu.memory_space<vmem_shared>>) target_semaphore(%run_scoped3A : memref<!tpu.dma_semaphore, #tpu.memory_space<semaphore_mem>>)
      %dma_wait3A_88 = arith.constant 0 : i32
      %dma_wait3A_89 = arith.constant 0 : i32
      %dma_wait3A_90 = tpu.memref_slice %arg10[%dma_wait3A_88, %dma_wait3A_89] : memref<400x32xf32, #tpu.memory_space<vmem>> -> memref<328x32xf32, #tpu.memory_space<vmem>>
      %dma_wait3A_91 = arith.constant 0 : i32
      %dma_wait3A_92 = tpu.memref_slice %arg14[%add3A_16, %dma_wait3A_91] : memref<50000x32xf32, #tpu.memory_space<vmem_shared>> -> memref<328x32xf32, #tpu.memory_space<vmem_shared>>
      %dma_wait3A_93 = arith.constant 0 : i32
      %dma_wait3A_94 = tpu.memref_slice %arg14[%add3A_16, %dma_wait3A_93] : memref<50000x32xf32, #tpu.memory_space<vmem_shared>> -> memref<328x32xf32, #tpu.memory_space<vmem_shared>>
      %dma_wait3A_95 = arith.constant 0 : i32
      %dma_wait3A_96 = arith.constant 0 : i32
      %dma_wait3A_97 = tpu.memref_slice %arg10[%dma_wait3A_95, %dma_wait3A_96] : memref<400x32xf32, #tpu.memory_space<vmem>> -> memref<328x32xf32, #tpu.memory_space<vmem>>
      tpu.wait_dma2 semaphore(%run_scoped3A : memref<!tpu.dma_semaphore, #tpu.memory_space<semaphore_mem>>) src(%dma_wait3A_97 : memref<328x32xf32, #tpu.memory_space<vmem>>) dst(%dma_wait3A_94 : memref<328x32xf32, #tpu.memory_space<vmem_shared>>)
      tpu.yield
    }) : () -> ()
    %barrier3A = arith.constant 0 : index
    tpu.barrier barrier_id(%barrier3A)
    %mul3A_17 = arith.constant 50000 : i32
    %mul3A_18 = arith.muli %arg1, %mul3A_17 : i32
    %add3A_19 = arith.constant 0 : i32
    %add3A_20 = arith.addi %mul3A_18, %add3A_19 : i32
    %multiple_of3A_21 = tpu.assume_multiple %add3A_20, 8 : i32
    %dma_start3A = tpu.memref_slice %arg4[%multiple_of3A_21] : memref<800000xi32, #tpu.memory_space<hbm>> -> memref<400xi32, #tpu.memory_space<hbm>>
    %dma_start3A_22 = tpu.memref_slice %arg4[%multiple_of3A_21] : memref<800000xi32, #tpu.memory_space<hbm>> -> memref<400xi32, #tpu.memory_space<hbm>>
    tpu.enqueue_dma source(%dma_start3A_22 : memref<400xi32, #tpu.memory_space<hbm>>) target(%arg8 : memref<400xi32, #tpu.memory_space<vmem>>) target_semaphore(%arg15 : memref<!tpu.dma_semaphore, #tpu.memory_space<semaphore_mem>>)
    %dma_start3A_23 = tpu.memref_slice %arg5[%multiple_of3A_21] : memref<800000xi32, #tpu.memory_space<hbm>> -> memref<400xi32, #tpu.memory_space<hbm>>
    %dma_start3A_24 = tpu.memref_slice %arg5[%multiple_of3A_21] : memref<800000xi32, #tpu.memory_space<hbm>> -> memref<400xi32, #tpu.memory_space<hbm>>
    tpu.enqueue_dma source(%dma_start3A_24 : memref<400xi32, #tpu.memory_space<hbm>>) target(%arg9 : memref<400xi32, #tpu.memory_space<vmem>>) target_semaphore(%arg15 : memref<!tpu.dma_semaphore, #tpu.memory_space<semaphore_mem>>)
    %dma_wait3A = arith.constant 0 : i32
    %dma_wait3A_25 = tpu.memref_slice %arg4[%dma_wait3A] : memref<800000xi32, #tpu.memory_space<hbm>> -> memref<400xi32, #tpu.memory_space<hbm>>
    %dma_wait3A_26 = arith.constant 0 : i32
    %dma_wait3A_27 = tpu.memref_slice %arg4[%dma_wait3A_26] : memref<800000xi32, #tpu.memory_space<hbm>> -> memref<400xi32, #tpu.memory_space<hbm>>
    tpu.wait_dma2 semaphore(%arg15 : memref<!tpu.dma_semaphore, #tpu.memory_space<semaphore_mem>>) src(%dma_wait3A_27 : memref<400xi32, #tpu.memory_space<hbm>>) dst(%arg8 : memref<400xi32, #tpu.memory_space<vmem>>)
    %dma_wait3A_28 = arith.constant 0 : i32
    %dma_wait3A_29 = tpu.memref_slice %arg5[%dma_wait3A_28] : memref<800000xi32, #tpu.memory_space<hbm>> -> memref<400xi32, #tpu.memory_space<hbm>>
    %dma_wait3A_30 = arith.constant 0 : i32
    %dma_wait3A_31 = tpu.memref_slice %arg5[%dma_wait3A_30] : memref<800000xi32, #tpu.memory_space<hbm>> -> memref<400xi32, #tpu.memory_space<hbm>>
    tpu.wait_dma2 semaphore(%arg15 : memref<!tpu.dma_semaphore, #tpu.memory_space<semaphore_mem>>) src(%dma_wait3A_31 : memref<400xi32, #tpu.memory_space<hbm>>) dst(%arg9 : memref<400xi32, #tpu.memory_space<vmem>>)
    %eq3A_32 = arith.constant 0 : i32
    %eq3A_33 = arith.cmpi eq, %arg0, %eq3A_32 : i32
    %convert_element_type3A = arith.extui %eq3A_33 : i1 to i32
    %cond3A = arith.constant 0 : i32
    %cond3A_34 = arith.cmpi ne, %convert_element_type3A, %cond3A : i32
    scf.if %cond3A_34 {
      %dma_start3A_78 = arith.constant 0 : i32
      %dma_start3A_79 = arith.constant 0 : i32
      %dma_start3A_80 = tpu.memref_slice %arg2[%dma_start3A_78, %dma_start3A_79] : memref<51200x32xf32, #tpu.memory_space<hbm>> -> memref<51200x32xf32, #tpu.memory_space<hbm>>
      tpu.enqueue_indirect_dma source(%dma_start3A_80 : memref<51200x32xf32, #tpu.memory_space<hbm>>) target(%arg10 : memref<400x32xf32, #tpu.memory_space<vmem>>) offsets(%arg8 : memref<400xi32, #tpu.memory_space<vmem>>) semaphore(%arg16 : memref<!tpu.dma_semaphore, #tpu.memory_space<semaphore_mem>>)
    } else {
    }
    %eq3A_35 = arith.constant 1 : i32
    %eq3A_36 = arith.cmpi eq, %arg0, %eq3A_35 : i32
    %convert_element_type3A_37 = arith.extui %eq3A_36 : i1 to i32
    %cond3A_38 = arith.constant 0 : i32
    %cond3A_39 = arith.cmpi ne, %convert_element_type3A_37, %cond3A_38 : i32
    scf.if %cond3A_39 {
      %dma_start3A_78 = arith.constant 0 : i32
      %dma_start3A_79 = arith.constant 0 : i32
      %dma_start3A_80 = tpu.memref_slice %arg3[%dma_start3A_78, %dma_start3A_79] : memref<51200x32xf32, #tpu.memory_space<hbm>> -> memref<51200x32xf32, #tpu.memory_space<hbm>>
      tpu.enqueue_indirect_dma source(%dma_start3A_80 : memref<51200x32xf32, #tpu.memory_space<hbm>>) target(%arg10 : memref<400x32xf32, #tpu.memory_space<vmem>>) offsets(%arg8 : memref<400xi32, #tpu.memory_space<vmem>>) semaphore(%arg16 : memref<!tpu.dma_semaphore, #tpu.memory_space<semaphore_mem>>)
    } else {
    }
    %add3A_40 = arith.constant 400 : i32
    %add3A_41 = arith.addi %mul3A_18, %add3A_40 : i32
    %multiple_of3A_42 = tpu.assume_multiple %add3A_41, 8 : i32
    %dma_start3A_43 = tpu.memref_slice %arg4[%multiple_of3A_42] : memref<800000xi32, #tpu.memory_space<hbm>> -> memref<400xi32, #tpu.memory_space<hbm>>
    %dma_start3A_44 = tpu.memref_slice %arg4[%multiple_of3A_42] : memref<800000xi32, #tpu.memory_space<hbm>> -> memref<400xi32, #tpu.memory_space<hbm>>
    tpu.enqueue_dma source(%dma_start3A_44 : memref<400xi32, #tpu.memory_space<hbm>>) target(%arg11 : memref<400xi32, #tpu.memory_space<vmem>>) target_semaphore(%arg18 : memref<!tpu.dma_semaphore, #tpu.memory_space<semaphore_mem>>)
    %dma_start3A_45 = tpu.memref_slice %arg5[%multiple_of3A_42] : memref<800000xi32, #tpu.memory_space<hbm>> -> memref<400xi32, #tpu.memory_space<hbm>>
    %dma_start3A_46 = tpu.memref_slice %arg5[%multiple_of3A_42] : memref<800000xi32, #tpu.memory_space<hbm>> -> memref<400xi32, #tpu.memory_space<hbm>>
    tpu.enqueue_dma source(%dma_start3A_46 : memref<400xi32, #tpu.memory_space<hbm>>) target(%arg12 : memref<400xi32, #tpu.memory_space<vmem>>) target_semaphore(%arg18 : memref<!tpu.dma_semaphore, #tpu.memory_space<semaphore_mem>>)
    %dma_wait3A_47 = arith.constant 0 : i32
    %dma_wait3A_48 = arith.constant 0 : i32
    %dma_wait3A_49 = tpu.memref_slice %arg2[%dma_wait3A_47, %dma_wait3A_48] : memref<51200x32xf32, #tpu.memory_space<hbm>> -> memref<51200x32xf32, #tpu.memory_space<hbm>>
    tpu.wait_indirect_dma semaphore(%arg16 : memref<!tpu.dma_semaphore, #tpu.memory_space<semaphore_mem>>) src(%dma_wait3A_49 : memref<51200x32xf32, #tpu.memory_space<hbm>>) dst(%arg10 : memref<400x32xf32, #tpu.memory_space<vmem>>)
    %dma_start3A_50 = arith.constant 0 : i32
    %dma_start3A_51 = arith.constant 0 : i32
    %dma_start3A_52 = tpu.memref_slice %arg14[%dma_start3A_50, %dma_start3A_51] : memref<50000x32xf32, #tpu.memory_space<vmem_shared>> -> memref<50000x32xf32, #tpu.memory_space<vmem_shared>>
    tpu.enqueue_indirect_dma source(%arg10 : memref<400x32xf32, #tpu.memory_space<vmem>>) target(%dma_start3A_52 : memref<50000x32xf32, #tpu.memory_space<vmem_shared>>) offsets(%arg9 : memref<400xi32, #tpu.memory_space<vmem>>) semaphore(%arg17 : memref<!tpu.dma_semaphore, #tpu.memory_space<semaphore_mem>>) {add = true}
    %scan3A_53 = arith.constant 0 : i32
    %scan3A_54 = arith.constant 0 : i32
    %scan3A_55 = arith.constant 62 : i32
    %scan3A_56 = arith.addi %scan3A_54, %scan3A_55 : i32
    %scan3A_57 = arith.constant 1 : i32
    scf.for %scan3A_78 = %scan3A_54 to %scan3A_56 step %scan3A_57  : i32 {
      %mul3A_79 = arith.constant 2 : i32
      %mul3A_80 = arith.muli %mul3A_79, %scan3A_78 : i32
      %add3A_81 = arith.constant 1 : i32
      %add3A_82 = arith.addi %mul3A_80, %add3A_81 : i32
      %dma_wait3A_83 = arith.constant 0 : i32
      %dma_wait3A_84 = tpu.memref_slice %arg4[%dma_wait3A_83] : memref<800000xi32, #tpu.memory_space<hbm>> -> memref<400xi32, #tpu.memory_space<hbm>>
      %dma_wait3A_85 = arith.constant 0 : i32
      %dma_wait3A_86 = tpu.memref_slice %arg4[%dma_wait3A_85] : memref<800000xi32, #tpu.memory_space<hbm>> -> memref<400xi32, #tpu.memory_space<hbm>>
      tpu.wait_dma2 semaphore(%arg18 : memref<!tpu.dma_semaphore, #tpu.memory_space<semaphore_mem>>) src(%dma_wait3A_86 : memref<400xi32, #tpu.memory_space<hbm>>) dst(%arg11 : memref<400xi32, #tpu.memory_space<vmem>>)
      %dma_wait3A_87 = arith.constant 0 : i32
      %dma_wait3A_88 = tpu.memref_slice %arg5[%dma_wait3A_87] : memref<800000xi32, #tpu.memory_space<hbm>> -> memref<400xi32, #tpu.memory_space<hbm>>
      %dma_wait3A_89 = arith.constant 0 : i32
      %dma_wait3A_90 = tpu.memref_slice %arg5[%dma_wait3A_89] : memref<800000xi32, #tpu.memory_space<hbm>> -> memref<400xi32, #tpu.memory_space<hbm>>
      tpu.wait_dma2 semaphore(%arg18 : memref<!tpu.dma_semaphore, #tpu.memory_space<semaphore_mem>>) src(%dma_wait3A_90 : memref<400xi32, #tpu.memory_space<hbm>>) dst(%arg12 : memref<400xi32, #tpu.memory_space<vmem>>)
      %eq3A_91 = arith.constant 0 : i32
      %eq3A_92 = arith.cmpi eq, %arg0, %eq3A_91 : i32
      %convert_element_type3A_93 = arith.extui %eq3A_92 : i1 to i32
      %cond3A_94 = arith.constant 0 : i32
      %cond3A_95 = arith.cmpi ne, %convert_element_type3A_93, %cond3A_94 : i32
      scf.if %cond3A_95 {
        %dma_start3A_154 = arith.constant 0 : i32
        %dma_start3A_155 = arith.constant 0 : i32
        %dma_start3A_156 = tpu.memref_slice %arg2[%dma_start3A_154, %dma_start3A_155] : memref<51200x32xf32, #tpu.memory_space<hbm>> -> memref<51200x32xf32, #tpu.memory_space<hbm>>
        tpu.enqueue_indirect_dma source(%dma_start3A_156 : memref<51200x32xf32, #tpu.memory_space<hbm>>) target(%arg13 : memref<400x32xf32, #tpu.memory_space<vmem>>) offsets(%arg11 : memref<400xi32, #tpu.memory_space<vmem>>) semaphore(%arg19 : memref<!tpu.dma_semaphore, #tpu.memory_space<semaphore_mem>>)
      } else {
      }
      %eq3A_96 = arith.constant 1 : i32
      %eq3A_97 = arith.cmpi eq, %arg0, %eq3A_96 : i32
      %convert_element_type3A_98 = arith.extui %eq3A_97 : i1 to i32
      %cond3A_99 = arith.constant 0 : i32
      %cond3A_100 = arith.cmpi ne, %convert_element_type3A_98, %cond3A_99 : i32
      scf.if %cond3A_100 {
        %dma_start3A_154 = arith.constant 0 : i32
        %dma_start3A_155 = arith.constant 0 : i32
        %dma_start3A_156 = tpu.memref_slice %arg3[%dma_start3A_154, %dma_start3A_155] : memref<51200x32xf32, #tpu.memory_space<hbm>> -> memref<51200x32xf32, #tpu.memory_space<hbm>>
        tpu.enqueue_indirect_dma source(%dma_start3A_156 : memref<51200x32xf32, #tpu.memory_space<hbm>>) target(%arg13 : memref<400x32xf32, #tpu.memory_space<vmem>>) offsets(%arg11 : memref<400xi32, #tpu.memory_space<vmem>>) semaphore(%arg19 : memref<!tpu.dma_semaphore, #tpu.memory_space<semaphore_mem>>)
      } else {
      }
      %dma_wait3A_101 = arith.constant 0 : i32
      %dma_wait3A_102 = arith.constant 0 : i32
      %dma_wait3A_103 = tpu.memref_slice %arg14[%dma_wait3A_101, %dma_wait3A_102] : memref<50000x32xf32, #tpu.memory_space<vmem_shared>> -> memref<50000x32xf32, #tpu.memory_space<vmem_shared>>
      tpu.wait_indirect_dma semaphore(%arg17 : memref<!tpu.dma_semaphore, #tpu.memory_space<semaphore_mem>>) src(%arg10 : memref<400x32xf32, #tpu.memory_space<vmem>>) dst(%dma_wait3A_103 : memref<50000x32xf32, #tpu.memory_space<vmem_shared>>)
      %add3A_104 = arith.constant 1 : i32
      %add3A_105 = arith.addi %add3A_82, %add3A_104 : i32
      %lt3A = arith.constant 125 : i32
      %lt3A_106 = arith.cmpi slt, %add3A_105, %lt3A : i32
      %convert_element_type3A_107 = arith.extui %lt3A_106 : i1 to i32
      %cond3A_108 = arith.constant 0 : i32
      %cond3A_109 = arith.cmpi ne, %convert_element_type3A_107, %cond3A_108 : i32
      scf.if %cond3A_109 {
        %add3A_154 = arith.constant 1 : i32
        %add3A_155 = arith.addi %add3A_82, %add3A_154 : i32
        %mul3A_156 = arith.constant 400 : i32
        %mul3A_157 = arith.muli %add3A_155, %mul3A_156 : i32
        %add3A_158 = arith.addi %mul3A_18, %mul3A_157 : i32
        %multiple_of3A_159 = tpu.assume_multiple %add3A_158, 8 : i32
        %dma_start3A_160 = tpu.memref_slice %arg4[%multiple_of3A_159] : memref<800000xi32, #tpu.memory_space<hbm>> -> memref<400xi32, #tpu.memory_space<hbm>>
        %dma_start3A_161 = tpu.memref_slice %arg4[%multiple_of3A_159] : memref<800000xi32, #tpu.memory_space<hbm>> -> memref<400xi32, #tpu.memory_space<hbm>>
        tpu.enqueue_dma source(%dma_start3A_161 : memref<400xi32, #tpu.memory_space<hbm>>) target(%arg8 : memref<400xi32, #tpu.memory_space<vmem>>) target_semaphore(%arg15 : memref<!tpu.dma_semaphore, #tpu.memory_space<semaphore_mem>>)
        %dma_start3A_162 = tpu.memref_slice %arg5[%multiple_of3A_159] : memref<800000xi32, #tpu.memory_space<hbm>> -> memref<400xi32, #tpu.memory_space<hbm>>
        %dma_start3A_163 = tpu.memref_slice %arg5[%multiple_of3A_159] : memref<800000xi32, #tpu.memory_space<hbm>> -> memref<400xi32, #tpu.memory_space<hbm>>
        tpu.enqueue_dma source(%dma_start3A_163 : memref<400xi32, #tpu.memory_space<hbm>>) target(%arg9 : memref<400xi32, #tpu.memory_space<vmem>>) target_semaphore(%arg15 : memref<!tpu.dma_semaphore, #tpu.memory_space<semaphore_mem>>)
      } else {
      }
      %dma_wait3A_110 = arith.constant 0 : i32
      %dma_wait3A_111 = arith.constant 0 : i32
      %dma_wait3A_112 = tpu.memref_slice %arg2[%dma_wait3A_110, %dma_wait3A_111] : memref<51200x32xf32, #tpu.memory_space<hbm>> -> memref<51200x32xf32, #tpu.memory_space<hbm>>
      tpu.wait_indirect_dma semaphore(%arg19 : memref<!tpu.dma_semaphore, #tpu.memory_space<semaphore_mem>>) src(%dma_wait3A_112 : memref<51200x32xf32, #tpu.memory_space<hbm>>) dst(%arg13 : memref<400x32xf32, #tpu.memory_space<vmem>>)
      %dma_start3A_113 = arith.constant 0 : i32
      %dma_start3A_114 = arith.constant 0 : i32
      %dma_start3A_115 = tpu.memref_slice %arg14[%dma_start3A_113, %dma_start3A_114] : memref<50000x32xf32, #tpu.memory_space<vmem_shared>> -> memref<50000x32xf32, #tpu.memory_space<vmem_shared>>
      tpu.enqueue_indirect_dma source(%arg13 : memref<400x32xf32, #tpu.memory_space<vmem>>) target(%dma_start3A_115 : memref<50000x32xf32, #tpu.memory_space<vmem_shared>>) offsets(%arg12 : memref<400xi32, #tpu.memory_space<vmem>>) semaphore(%arg20 : memref<!tpu.dma_semaphore, #tpu.memory_space<semaphore_mem>>) {add = true}
      %mul3A_116 = arith.constant 2 : i32
      %mul3A_117 = arith.muli %mul3A_116, %scan3A_78 : i32
      %add3A_118 = arith.constant 2 : i32
      %add3A_119 = arith.addi %mul3A_117, %add3A_118 : i32
      %dma_wait3A_120 = arith.constant 0 : i32
      %dma_wait3A_121 = tpu.memref_slice %arg4[%dma_wait3A_120] : memref<800000xi32, #tpu.memory_space<hbm>> -> memref<400xi32, #tpu.memory_space<hbm>>
      %dma_wait3A_122 = arith.constant 0 : i32
      %dma_wait3A_123 = tpu.memref_slice %arg4[%dma_wait3A_122] : memref<800000xi32, #tpu.memory_space<hbm>> -> memref<400xi32, #tpu.memory_space<hbm>>
      tpu.wait_dma2 semaphore(%arg15 : memref<!tpu.dma_semaphore, #tpu.memory_space<semaphore_mem>>) src(%dma_wait3A_123 : memref<400xi32, #tpu.memory_space<hbm>>) dst(%arg8 : memref<400xi32, #tpu.memory_space<vmem>>)
      %dma_wait3A_124 = arith.constant 0 : i32
      %dma_wait3A_125 = tpu.memref_slice %arg5[%dma_wait3A_124] : memref<800000xi32, #tpu.memory_space<hbm>> -> memref<400xi32, #tpu.memory_space<hbm>>
      %dma_wait3A_126 = arith.constant 0 : i32
      %dma_wait3A_127 = tpu.memref_slice %arg5[%dma_wait3A_126] : memref<800000xi32, #tpu.memory_space<hbm>> -> memref<400xi32, #tpu.memory_space<hbm>>
      tpu.wait_dma2 semaphore(%arg15 : memref<!tpu.dma_semaphore, #tpu.memory_space<semaphore_mem>>) src(%dma_wait3A_127 : memref<400xi32, #tpu.memory_space<hbm>>) dst(%arg9 : memref<400xi32, #tpu.memory_space<vmem>>)
      %eq3A_128 = arith.constant 0 : i32
      %eq3A_129 = arith.cmpi eq, %arg0, %eq3A_128 : i32
      %convert_element_type3A_130 = arith.extui %eq3A_129 : i1 to i32
      %cond3A_131 = arith.constant 0 : i32
      %cond3A_132 = arith.cmpi ne, %convert_element_type3A_130, %cond3A_131 : i32
      scf.if %cond3A_132 {
        %dma_start3A_154 = arith.constant 0 : i32
        %dma_start3A_155 = arith.constant 0 : i32
        %dma_start3A_156 = tpu.memref_slice %arg2[%dma_start3A_154, %dma_start3A_155] : memref<51200x32xf32, #tpu.memory_space<hbm>> -> memref<51200x32xf32, #tpu.memory_space<hbm>>
        tpu.enqueue_indirect_dma source(%dma_start3A_156 : memref<51200x32xf32, #tpu.memory_space<hbm>>) target(%arg10 : memref<400x32xf32, #tpu.memory_space<vmem>>) offsets(%arg8 : memref<400xi32, #tpu.memory_space<vmem>>) semaphore(%arg16 : memref<!tpu.dma_semaphore, #tpu.memory_space<semaphore_mem>>)
      } else {
      }
      %eq3A_133 = arith.constant 1 : i32
      %eq3A_134 = arith.cmpi eq, %arg0, %eq3A_133 : i32
      %convert_element_type3A_135 = arith.extui %eq3A_134 : i1 to i32
      %cond3A_136 = arith.constant 0 : i32
      %cond3A_137 = arith.cmpi ne, %convert_element_type3A_135, %cond3A_136 : i32
      scf.if %cond3A_137 {
        %dma_start3A_154 = arith.constant 0 : i32
        %dma_start3A_155 = arith.constant 0 : i32
        %dma_start3A_156 = tpu.memref_slice %arg3[%dma_start3A_154, %dma_start3A_155] : memref<51200x32xf32, #tpu.memory_space<hbm>> -> memref<51200x32xf32, #tpu.memory_space<hbm>>
        tpu.enqueue_indirect_dma source(%dma_start3A_156 : memref<51200x32xf32, #tpu.memory_space<hbm>>) target(%arg10 : memref<400x32xf32, #tpu.memory_space<vmem>>) offsets(%arg8 : memref<400xi32, #tpu.memory_space<vmem>>) semaphore(%arg16 : memref<!tpu.dma_semaphore, #tpu.memory_space<semaphore_mem>>)
      } else {
      }
      %dma_wait3A_138 = arith.constant 0 : i32
      %dma_wait3A_139 = arith.constant 0 : i32
      %dma_wait3A_140 = tpu.memref_slice %arg14[%dma_wait3A_138, %dma_wait3A_139] : memref<50000x32xf32, #tpu.memory_space<vmem_shared>> -> memref<50000x32xf32, #tpu.memory_space<vmem_shared>>
      tpu.wait_indirect_dma semaphore(%arg20 : memref<!tpu.dma_semaphore, #tpu.memory_space<semaphore_mem>>) src(%arg13 : memref<400x32xf32, #tpu.memory_space<vmem>>) dst(%dma_wait3A_140 : memref<50000x32xf32, #tpu.memory_space<vmem_shared>>)
      %add3A_141 = arith.constant 1 : i32
      %add3A_142 = arith.addi %add3A_119, %add3A_141 : i32
      %lt3A_143 = arith.constant 125 : i32
      %lt3A_144 = arith.cmpi slt, %add3A_142, %lt3A_143 : i32
      %convert_element_type3A_145 = arith.extui %lt3A_144 : i1 to i32
      %cond3A_146 = arith.constant 0 : i32
      %cond3A_147 = arith.cmpi ne, %convert_element_type3A_145, %cond3A_146 : i32
      scf.if %cond3A_147 {
        %add3A_154 = arith.constant 1 : i32
        %add3A_155 = arith.addi %add3A_119, %add3A_154 : i32
        %mul3A_156 = arith.constant 400 : i32
        %mul3A_157 = arith.muli %add3A_155, %mul3A_156 : i32
        %add3A_158 = arith.addi %mul3A_18, %mul3A_157 : i32
        %multiple_of3A_159 = tpu.assume_multiple %add3A_158, 8 : i32
        %dma_start3A_160 = tpu.memref_slice %arg4[%multiple_of3A_159] : memref<800000xi32, #tpu.memory_space<hbm>> -> memref<400xi32, #tpu.memory_space<hbm>>
        %dma_start3A_161 = tpu.memref_slice %arg4[%multiple_of3A_159] : memref<800000xi32, #tpu.memory_space<hbm>> -> memref<400xi32, #tpu.memory_space<hbm>>
        tpu.enqueue_dma source(%dma_start3A_161 : memref<400xi32, #tpu.memory_space<hbm>>) target(%arg11 : memref<400xi32, #tpu.memory_space<vmem>>) target_semaphore(%arg18 : memref<!tpu.dma_semaphore, #tpu.memory_space<semaphore_mem>>)
        %dma_start3A_162 = tpu.memref_slice %arg5[%multiple_of3A_159] : memref<800000xi32, #tpu.memory_space<hbm>> -> memref<400xi32, #tpu.memory_space<hbm>>
        %dma_start3A_163 = tpu.memref_slice %arg5[%multiple_of3A_159] : memref<800000xi32, #tpu.memory_space<hbm>> -> memref<400xi32, #tpu.memory_space<hbm>>
        tpu.enqueue_dma source(%dma_start3A_163 : memref<400xi32, #tpu.memory_space<hbm>>) target(%arg12 : memref<400xi32, #tpu.memory_space<vmem>>) target_semaphore(%arg18 : memref<!tpu.dma_semaphore, #tpu.memory_space<semaphore_mem>>)
      } else {
      }
      %dma_wait3A_148 = arith.constant 0 : i32
      %dma_wait3A_149 = arith.constant 0 : i32
      %dma_wait3A_150 = tpu.memref_slice %arg2[%dma_wait3A_148, %dma_wait3A_149] : memref<51200x32xf32, #tpu.memory_space<hbm>> -> memref<51200x32xf32, #tpu.memory_space<hbm>>
      tpu.wait_indirect_dma semaphore(%arg16 : memref<!tpu.dma_semaphore, #tpu.memory_space<semaphore_mem>>) src(%dma_wait3A_150 : memref<51200x32xf32, #tpu.memory_space<hbm>>) dst(%arg10 : memref<400x32xf32, #tpu.memory_space<vmem>>)
      %dma_start3A_151 = arith.constant 0 : i32
      %dma_start3A_152 = arith.constant 0 : i32
      %dma_start3A_153 = tpu.memref_slice %arg14[%dma_start3A_151, %dma_start3A_152] : memref<50000x32xf32, #tpu.memory_space<vmem_shared>> -> memref<50000x32xf32, #tpu.memory_space<vmem_shared>>
      tpu.enqueue_indirect_dma source(%arg10 : memref<400x32xf32, #tpu.memory_space<vmem>>) target(%dma_start3A_153 : memref<50000x32xf32, #tpu.memory_space<vmem_shared>>) offsets(%arg9 : memref<400xi32, #tpu.memory_space<vmem>>) semaphore(%arg17 : memref<!tpu.dma_semaphore, #tpu.memory_space<semaphore_mem>>) {add = true}
    }
    %scan3A_58 = arith.constant 62 : i32
    %dma_wait3A_59 = arith.constant 0 : i32
    %dma_wait3A_60 = arith.constant 0 : i32
    %dma_wait3A_61 = tpu.memref_slice %arg14[%dma_wait3A_59, %dma_wait3A_60] : memref<50000x32xf32, #tpu.memory_space<vmem_shared>> -> memref<50000x32xf32, #tpu.memory_space<vmem_shared>>
    tpu.wait_indirect_dma semaphore(%arg17 : memref<!tpu.dma_semaphore, #tpu.memory_space<semaphore_mem>>) src(%arg10 : memref<400x32xf32, #tpu.memory_space<vmem>>) dst(%dma_wait3A_61 : memref<50000x32xf32, #tpu.memory_space<vmem_shared>>)
    %barrier3A_62 = arith.constant 0 : index
    tpu.barrier barrier_id(%barrier3A_62)
    %eq3A_63 = arith.constant 0 : i32
    %eq3A_64 = arith.cmpi eq, %arg0, %eq3A_63 : i32
    %convert_element_type3A_65 = arith.extui %eq3A_64 : i1 to i32
    %cond3A_66 = arith.constant 0 : i32
    %cond3A_67 = arith.cmpi ne, %convert_element_type3A_65, %cond3A_66 : i32
    scf.if %cond3A_67 {
      "tpu.region"() ({
        %run_scoped3A = tpu.sem_alloc : memref<!tpu.dma_semaphore, #tpu.memory_space<semaphore_mem>>
        %dma_start3A_78 = arith.constant 0 : i32
        %dma_start3A_79 = tpu.memref_slice %arg6[%multiple_of3A, %dma_start3A_78] : memref<51200x32xf32, #tpu.memory_space<hbm>> -> memref<3128x32xf32, #tpu.memory_space<hbm>>
        %dma_start3A_80 = arith.constant 0 : i32
        %dma_start3A_81 = tpu.memref_slice %arg14[%multiple_of3A, %dma_start3A_80] : memref<50000x32xf32, #tpu.memory_space<vmem_shared>> -> memref<3128x32xf32, #tpu.memory_space<vmem_shared>>
        tpu.enqueue_dma source(%dma_start3A_81 : memref<3128x32xf32, #tpu.memory_space<vmem_shared>>) target(%dma_start3A_79 : memref<3128x32xf32, #tpu.memory_space<hbm>>) target_semaphore(%run_scoped3A : memref<!tpu.dma_semaphore, #tpu.memory_space<semaphore_mem>>)
        %dma_wait3A_82 = arith.constant 0 : i32
        %dma_wait3A_83 = tpu.memref_slice %arg6[%multiple_of3A, %dma_wait3A_82] : memref<51200x32xf32, #tpu.memory_space<hbm>> -> memref<3128x32xf32, #tpu.memory_space<hbm>>
        %dma_wait3A_84 = arith.constant 0 : i32
        %dma_wait3A_85 = tpu.memref_slice %arg14[%multiple_of3A, %dma_wait3A_84] : memref<50000x32xf32, #tpu.memory_space<vmem_shared>> -> memref<3128x32xf32, #tpu.memory_space<vmem_shared>>
        tpu.wait_dma2 semaphore(%run_scoped3A : memref<!tpu.dma_semaphore, #tpu.memory_space<semaphore_mem>>) src(%dma_wait3A_85 : memref<3128x32xf32, #tpu.memory_space<vmem_shared>>) dst(%dma_wait3A_83 : memref<3128x32xf32, #tpu.memory_space<hbm>>)
        tpu.yield
      }) : () -> ()
    } else {
    }
    %eq3A_68 = arith.constant 1 : i32
    %eq3A_69 = arith.cmpi eq, %arg0, %eq3A_68 : i32
    %convert_element_type3A_70 = arith.extui %eq3A_69 : i1 to i32
    %cond3A_71 = arith.constant 0 : i32
    %cond3A_72 = arith.cmpi ne, %convert_element_type3A_70, %cond3A_71 : i32
    scf.if %cond3A_72 {
      "tpu.region"() ({
        %run_scoped3A = tpu.sem_alloc : memref<!tpu.dma_semaphore, #tpu.memory_space<semaphore_mem>>
        %dma_start3A_78 = arith.constant 0 : i32
        %dma_start3A_79 = tpu.memref_slice %arg7[%multiple_of3A, %dma_start3A_78] : memref<51200x32xf32, #tpu.memory_space<hbm>> -> memref<3128x32xf32, #tpu.memory_space<hbm>>
        %dma_start3A_80 = arith.constant 0 : i32
        %dma_start3A_81 = tpu.memref_slice %arg14[%multiple_of3A, %dma_start3A_80] : memref<50000x32xf32, #tpu.memory_space<vmem_shared>> -> memref<3128x32xf32, #tpu.memory_space<vmem_shared>>
        tpu.enqueue_dma source(%dma_start3A_81 : memref<3128x32xf32, #tpu.memory_space<vmem_shared>>) target(%dma_start3A_79 : memref<3128x32xf32, #tpu.memory_space<hbm>>) target_semaphore(%run_scoped3A : memref<!tpu.dma_semaphore, #tpu.memory_space<semaphore_mem>>)
        %dma_wait3A_82 = arith.constant 0 : i32
        %dma_wait3A_83 = tpu.memref_slice %arg7[%multiple_of3A, %dma_wait3A_82] : memref<51200x32xf32, #tpu.memory_space<hbm>> -> memref<3128x32xf32, #tpu.memory_space<hbm>>
        %dma_wait3A_84 = arith.constant 0 : i32
        %dma_wait3A_85 = tpu.memref_slice %arg14[%multiple_of3A, %dma_wait3A_84] : memref<50000x32xf32, #tpu.memory_space<vmem_shared>> -> memref<3128x32xf32, #tpu.memory_space<vmem_shared>>
        tpu.wait_dma2 semaphore(%run_scoped3A : memref<!tpu.dma_semaphore, #tpu.memory_space<semaphore_mem>>) src(%dma_wait3A_85 : memref<3128x32xf32, #tpu.memory_space<vmem_shared>>) dst(%dma_wait3A_83 : memref<3128x32xf32, #tpu.memory_space<hbm>>)
        tpu.yield
      }) : () -> ()
    } else {
    }
    %eq3A_73 = arith.constant 0 : i32
    %eq3A_74 = arith.cmpi eq, %arg1, %eq3A_73 : i32
    %convert_element_type3A_75 = arith.extui %eq3A_74 : i1 to i32
    %cond3A_76 = arith.constant 0 : i32
    %cond3A_77 = arith.cmpi ne, %convert_element_type3A_75, %cond3A_76 : i32
    scf.if %cond3A_77 {
      %scan3A_78 = arith.constant 0 : i32
      %scan3A_79 = arith.constant 0 : i32
      %scan3A_80 = arith.constant 400 : i32
      %scan3A_81 = arith.addi %scan3A_79, %scan3A_80 : i32
      %scan3A_82 = arith.constant 1 : i32
      scf.for %scan3A_90 = %scan3A_79 to %scan3A_81 step %scan3A_82  : i32 {
        %swap3A = arith.index_cast %scan3A_90 : i32 to index
        %swap3A_91 = arith.constant 0 : index
        %swap3A_92 = tpu.vector_load %arg10[%swap3A, %swap3A_91] {strides = array<i32>} : memref<400x32xf32, #tpu.memory_space<vmem>>, vector<1x16xf32>,
        %swap3A_93 = vector.shape_cast %swap3A_92 : vector<1x16xf32> to vector<16xf32>
        %swap3A_94 = vector.shape_cast %broadcast_in_dim3A_0 : vector<16xf32> to vector<1x16xf32>
        tpu.vector_store %arg10[%swap3A, %swap3A_91], %swap3A_94 {strides = array<i32>} : memref<400x32xf32, #tpu.memory_space<vmem>>, vector<1x16xf32>,
        %swap3A_95 = arith.index_cast %scan3A_90 : i32 to index
        %swap3A_96 = arith.constant 16 : index
        %swap3A_97 = tpu.vector_load %arg10[%swap3A_95, %swap3A_96] {strides = array<i32>} : memref<400x32xf32, #tpu.memory_space<vmem>>, vector<1x16xf32>,
        %swap3A_98 = vector.shape_cast %swap3A_97 : vector<1x16xf32> to vector<16xf32>
        %swap3A_99 = vector.shape_cast %broadcast_in_dim3A_0 : vector<16xf32> to vector<1x16xf32>
        tpu.vector_store %arg10[%swap3A_95, %swap3A_96], %swap3A_99 {strides = array<i32>} : memref<400x32xf32, #tpu.memory_space<vmem>>, vector<1x16xf32>,
      }
      %scan3A_83 = arith.constant 400 : i32
      %scan3A_84 = arith.constant 0 : i32
      %scan3A_85 = arith.constant 0 : i32
      %scan3A_86 = arith.constant 3 : i32
      %scan3A_87 = arith.addi %scan3A_85, %scan3A_86 : i32
      %scan3A_88 = arith.constant 1 : i32
      scf.for %scan3A_90 = %scan3A_85 to %scan3A_87 step %scan3A_88  : i32 {
        %eq3A_91 = arith.constant 0 : i32
        %eq3A_92 = arith.cmpi eq, %arg0, %eq3A_91 : i32
        %convert_element_type3A_93 = arith.extui %eq3A_92 : i1 to i32
        %cond3A_94 = arith.constant 0 : i32
        %cond3A_95 = arith.cmpi ne, %convert_element_type3A_93, %cond3A_94 : i32
        scf.if %cond3A_95 {
          %mul3A_101 = arith.constant 400 : i32
          %mul3A_102 = arith.muli %scan3A_90, %mul3A_101 : i32
          %add3A_103 = arith.constant 50000 : i32
          %add3A_104 = arith.addi %add3A_103, %mul3A_102 : i32
          "tpu.region"() ({
            %run_scoped3A = tpu.sem_alloc : memref<!tpu.dma_semaphore, #tpu.memory_space<semaphore_mem>>
            %dma_start3A_105 = arith.constant 0 : i32
            %dma_start3A_106 = tpu.memref_slice %arg6[%add3A_104, %dma_start3A_105] : memref<51200x32xf32, #tpu.memory_space<hbm>> -> memref<400x32xf32, #tpu.memory_space<hbm>>
            %dma_start3A_107 = arith.constant 0 : i32
            %dma_start3A_108 = tpu.memref_slice %arg6[%add3A_104, %dma_start3A_107] : memref<51200x32xf32, #tpu.memory_space<hbm>> -> memref<400x32xf32, #tpu.memory_space<hbm>>
            tpu.enqueue_dma source(%arg10 : memref<400x32xf32, #tpu.memory_space<vmem>>) target(%dma_start3A_108 : memref<400x32xf32, #tpu.memory_space<hbm>>) target_semaphore(%run_scoped3A : memref<!tpu.dma_semaphore, #tpu.memory_space<semaphore_mem>>)
            %dma_wait3A_109 = arith.constant 0 : i32
            %dma_wait3A_110 = tpu.memref_slice %arg6[%add3A_104, %dma_wait3A_109] : memref<51200x32xf32, #tpu.memory_space<hbm>> -> memref<400x32xf32, #tpu.memory_space<hbm>>
            %dma_wait3A_111 = arith.constant 0 : i32
            %dma_wait3A_112 = tpu.memref_slice %arg6[%add3A_104, %dma_wait3A_111] : memref<51200x32xf32, #tpu.memory_space<hbm>> -> memref<400x32xf32, #tpu.memory_space<hbm>>
            tpu.wait_dma2 semaphore(%run_scoped3A : memref<!tpu.dma_semaphore, #tpu.memory_space<semaphore_mem>>) src(%arg10 : memref<400x32xf32, #tpu.memory_space<vmem>>) dst(%dma_wait3A_112 : memref<400x32xf32, #tpu.memory_space<hbm>>)
            tpu.yield
          }) : () -> ()
        } else {
        }
        %eq3A_96 = arith.constant 1 : i32
        %eq3A_97 = arith.cmpi eq, %arg0, %eq3A_96 : i32
        %convert_element_type3A_98 = arith.extui %eq3A_97 : i1 to i32
        %cond3A_99 = arith.constant 0 : i32
        %cond3A_100 = arith.cmpi ne, %convert_element_type3A_98, %cond3A_99 : i32
        scf.if %cond3A_100 {
          %mul3A_101 = arith.constant 400 : i32
          %mul3A_102 = arith.muli %scan3A_90, %mul3A_101 : i32
          %add3A_103 = arith.constant 50000 : i32
          %add3A_104 = arith.addi %add3A_103, %mul3A_102 : i32
          "tpu.region"() ({
            %run_scoped3A = tpu.sem_alloc : memref<!tpu.dma_semaphore, #tpu.memory_space<semaphore_mem>>
            %dma_start3A_105 = arith.constant 0 : i32
            %dma_start3A_106 = tpu.memref_slice %arg7[%add3A_104, %dma_start3A_105] : memref<51200x32xf32, #tpu.memory_space<hbm>> -> memref<400x32xf32, #tpu.memory_space<hbm>>
            %dma_start3A_107 = arith.constant 0 : i32
            %dma_start3A_108 = tpu.memref_slice %arg7[%add3A_104, %dma_start3A_107] : memref<51200x32xf32, #tpu.memory_space<hbm>> -> memref<400x32xf32, #tpu.memory_space<hbm>>
            tpu.enqueue_dma source(%arg10 : memref<400x32xf32, #tpu.memory_space<vmem>>) target(%dma_start3A_108 : memref<400x32xf32, #tpu.memory_space<hbm>>) target_semaphore(%run_scoped3A : memref<!tpu.dma_semaphore, #tpu.memory_space<semaphore_mem>>)
            %dma_wait3A_109 = arith.constant 0 : i32
            %dma_wait3A_110 = tpu.memref_slice %arg7[%add3A_104, %dma_wait3A_109] : memref<51200x32xf32, #tpu.memory_space<hbm>> -> memref<400x32xf32, #tpu.memory_space<hbm>>
            %dma_wait3A_111 = arith.constant 0 : i32
            %dma_wait3A_112 = tpu.memref_slice %arg7[%add3A_104, %dma_wait3A_111] : memref<51200x32xf32, #tpu.memory_space<hbm>> -> memref<400x32xf32, #tpu.memory_space<hbm>>
            tpu.wait_dma2 semaphore(%run_scoped3A : memref<!tpu.dma_semaphore, #tpu.memory_space<semaphore_mem>>) src(%arg10 : memref<400x32xf32, #tpu.memory_space<vmem>>) dst(%dma_wait3A_112 : memref<400x32xf32, #tpu.memory_space<hbm>>)
            tpu.yield
          }) : () -> ()
        } else {
        }
      }
      %scan3A_89 = arith.constant 3 : i32
    } else {
    }
    return
  }
}

module attributes {stable_mosaic.version = 14 : i64} {
  func.func @_embed_body(%arg0: i32, %arg1: memref<640x48xf32, #tpu.memory_space<vmem>>, %arg2: memref<48x128xf32, #tpu.memory_space<vmem>>, %arg3: memref<48x128xf32, #tpu.memory_space<vmem>>, %arg4: memref<1x128xf32, #tpu.memory_space<vmem>>, %arg5: memref<1x128xf32, #tpu.memory_space<vmem>>, %arg6: memref<640x128xf32, #tpu.memory_space<vmem>>, %arg7: memref<640x128xf32, #tpu.memory_space<vmem>>) attributes {dimension_semantics = [#tpu.dimension_semantics<arbitrary>], iteration_bounds = array<i64: 20>, scalar_prefetch = 0 : i64, scratch_operands = 0 : i64, tpu.core_type = #tpu.core_type<tc>, window_params = [{transform_indices = @transform_0, window_bounds = array<i64: 640, 48>}, {pipeline_mode = #tpu.pipeline_mode<synchronous>, transform_indices = @transform_1, window_bounds = array<i64: 48, 128>}, {pipeline_mode = #tpu.pipeline_mode<synchronous>, transform_indices = @transform_2, window_bounds = array<i64: 48, 128>}, {pipeline_mode = #tpu.pipeline_mode<synchronous>, transform_indices = @transform_3, window_bounds = array<i64: 1, 128>}, {pipeline_mode = #tpu.pipeline_mode<synchronous>, transform_indices = @transform_4, window_bounds = array<i64: 1, 128>}, {transform_indices = @transform_5, window_bounds = array<i64: 640, 128>}, {transform_indices = @transform_6, window_bounds = array<i64: 640, 128>}]} {
    %get3A = arith.constant 0 : index
    %get3A_0 = arith.constant 0 : index
    %get3A_1 = vector.load %arg1[%get3A, %get3A_0] : memref<640x48xf32, #tpu.memory_space<vmem>>, vector<640x48xf32>
    %get3A_2 = arith.constant 0 : index
    %get3A_3 = arith.constant 0 : index
    %get3A_4 = vector.load %arg2[%get3A_2, %get3A_3] : memref<48x128xf32, #tpu.memory_space<vmem>>, vector<48x128xf32>
    %dot_general3A = arith.constant dense<0.000000e+00> : vector<640x128xf32>
    %dot_general3A_5 = tpu.matmul %get3A_1, %get3A_4, %dot_general3A {dimension_numbers = #tpu.dot_dimension_numbers<[1], [0], [0], [1], [0, 0, 1, 1], [], []>, transpose_lhs_hint = false} : vector<640x48xf32>, vector<48x128xf32>, vector<640x128xf32> -> vector<640x128xf32>
    %get3A_6 = arith.constant 0 : index
    %get3A_7 = arith.constant 0 : index
    %get3A_8 = vector.load %arg4[%get3A_6, %get3A_7] : memref<1x128xf32, #tpu.memory_space<vmem>>, vector<1x128xf32>
    %add3A = vector.broadcast %get3A_8 : vector<1x128xf32> to vector<640x128xf32>
    %add3A_9 = arith.addf %dot_general3A_5, %add3A : vector<640x128xf32>
    %swap3A = arith.constant 0 : index
    %swap3A_10 = arith.constant 0 : index
    %swap3A_11 = vector.load %arg6[%swap3A, %swap3A_10] : memref<640x128xf32, #tpu.memory_space<vmem>>, vector<640x128xf32>
    tpu.vector_store %arg6[%swap3A, %swap3A_10], %add3A_9 {strides = array<i32>} : memref<640x128xf32, #tpu.memory_space<vmem>>, vector<640x128xf32>,
    %get3A_12 = arith.constant 0 : index
    %get3A_13 = arith.constant 0 : index
    %get3A_14 = vector.load %arg3[%get3A_12, %get3A_13] : memref<48x128xf32, #tpu.memory_space<vmem>>, vector<48x128xf32>
    %dot_general3A_15 = arith.constant dense<0.000000e+00> : vector<640x128xf32>
    %dot_general3A_16 = tpu.matmul %get3A_1, %get3A_14, %dot_general3A_15 {dimension_numbers = #tpu.dot_dimension_numbers<[1], [0], [0], [1], [0, 0, 1, 1], [], []>, transpose_lhs_hint = false} : vector<640x48xf32>, vector<48x128xf32>, vector<640x128xf32> -> vector<640x128xf32>
    %get3A_17 = arith.constant 0 : index
    %get3A_18 = arith.constant 0 : index
    %get3A_19 = vector.load %arg5[%get3A_17, %get3A_18] : memref<1x128xf32, #tpu.memory_space<vmem>>, vector<1x128xf32>
    %add3A_20 = vector.broadcast %get3A_19 : vector<1x128xf32> to vector<640x128xf32>
    %add3A_21 = arith.addf %dot_general3A_16, %add3A_20 : vector<640x128xf32>
    %swap3A_22 = arith.constant 0 : index
    %swap3A_23 = arith.constant 0 : index
    %swap3A_24 = vector.load %arg7[%swap3A_22, %swap3A_23] : memref<640x128xf32, #tpu.memory_space<vmem>>, vector<640x128xf32>
    tpu.vector_store %arg7[%swap3A_22, %swap3A_23], %add3A_21 {strides = array<i32>} : memref<640x128xf32, #tpu.memory_space<vmem>>, vector<640x128xf32>,
    return
  }
  func.func @transform_0(%arg0: i32) -> (i32, i32) {
    %c0_i32 = arith.constant 0 : i32
    %c0_i32_0 = arith.constant 0 : i32
    return %arg0, %c0_i32 : i32, i32
  }
  func.func @transform_1(%arg0: i32) -> (i32, i32) {
    %c0_i32 = arith.constant 0 : i32
    %c0_i32_0 = arith.constant 0 : i32
    %c0_i32_1 = arith.constant 0 : i32
    return %c0_i32, %c0_i32_0 : i32, i32
  }
  func.func @transform_2(%arg0: i32) -> (i32, i32) {
    %c0_i32 = arith.constant 0 : i32
    %c0_i32_0 = arith.constant 0 : i32
    %c0_i32_1 = arith.constant 0 : i32
    return %c0_i32, %c0_i32_0 : i32, i32
  }
  func.func @transform_3(%arg0: i32) -> (i32, i32) {
    %c0_i32 = arith.constant 0 : i32
    %c0_i32_0 = arith.constant 0 : i32
    %c0_i32_1 = arith.constant 0 : i32
    return %c0_i32, %c0_i32_0 : i32, i32
  }
  func.func @transform_4(%arg0: i32) -> (i32, i32) {
    %c0_i32 = arith.constant 0 : i32
    %c0_i32_0 = arith.constant 0 : i32
    %c0_i32_1 = arith.constant 0 : i32
    return %c0_i32, %c0_i32_0 : i32, i32
  }
  func.func @transform_5(%arg0: i32) -> (i32, i32) {
    %c0_i32 = arith.constant 0 : i32
    %c0_i32_0 = arith.constant 0 : i32
    return %arg0, %c0_i32 : i32, i32
  }
  func.func @transform_6(%arg0: i32) -> (i32, i32) {
    %c0_i32 = arith.constant 0 : i32
    %c0_i32_0 = arith.constant 0 : i32
    return %arg0, %c0_i32 : i32, i32
  }
}

module attributes {stable_mosaic.version = 14 : i64} {
  func.func @_layer_body(%arg0: i32, %arg1: memref<640x128xf32, #tpu.memory_space<vmem>>, %arg2: memref<640x128xf32, #tpu.memory_space<vmem>>, %arg3: memref<640x128xf32, #tpu.memory_space<vmem>>, %arg4: memref<640x128xf32, #tpu.memory_space<vmem>>, %arg5: memref<640x128xf32, #tpu.memory_space<vmem>>, %arg6: memref<128x128xf32, #tpu.memory_space<vmem>>, %arg7: memref<128x128xf32, #tpu.memory_space<vmem>>, %arg8: memref<128x128xf32, #tpu.memory_space<vmem>>, %arg9: memref<128x128xf32, #tpu.memory_space<vmem>>, %arg10: memref<128x128xf32, #tpu.memory_space<vmem>>, %arg11: memref<128x128xf32, #tpu.memory_space<vmem>>, %arg12: memref<128x128xf32, #tpu.memory_space<vmem>>, %arg13: memref<128x128xf32, #tpu.memory_space<vmem>>, %arg14: memref<1x128xf32, #tpu.memory_space<vmem>>, %arg15: memref<1x128xf32, #tpu.memory_space<vmem>>, %arg16: memref<640x128xf32, #tpu.memory_space<vmem>>, %arg17: memref<640x128xf32, #tpu.memory_space<vmem>>) attributes {dimension_semantics = [#tpu.dimension_semantics<arbitrary>], iteration_bounds = array<i64: 20>, scalar_prefetch = 0 : i64, scratch_operands = 0 : i64, tpu.core_type = #tpu.core_type<tc>, window_params = [{transform_indices = @transform_0, window_bounds = array<i64: 640, 128>}, {transform_indices = @transform_1, window_bounds = array<i64: 640, 128>}, {transform_indices = @transform_2, window_bounds = array<i64: 640, 128>}, {transform_indices = @transform_3, window_bounds = array<i64: 640, 128>}, {transform_indices = @transform_4, window_bounds = array<i64: 640, 128>}, {pipeline_mode = #tpu.pipeline_mode<synchronous>, transform_indices = @transform_5, window_bounds = array<i64: 128, 128>}, {pipeline_mode = #tpu.pipeline_mode<synchronous>, transform_indices = @transform_6, window_bounds = array<i64: 128, 128>}, {pipeline_mode = #tpu.pipeline_mode<synchronous>, transform_indices = @transform_7, window_bounds = array<i64: 128, 128>}, {pipeline_mode = #tpu.pipeline_mode<synchronous>, transform_indices = @transform_8, window_bounds = array<i64: 128, 128>}, {pipeline_mode = #tpu.pipeline_mode<synchronous>, transform_indices = @transform_9, window_bounds = array<i64: 128, 128>}, {pipeline_mode = #tpu.pipeline_mode<synchronous>, transform_indices = @transform_10, window_bounds = array<i64: 128, 128>}, {pipeline_mode = #tpu.pipeline_mode<synchronous>, transform_indices = @transform_11, window_bounds = array<i64: 128, 128>}, {pipeline_mode = #tpu.pipeline_mode<synchronous>, transform_indices = @transform_12, window_bounds = array<i64: 128, 128>}, {pipeline_mode = #tpu.pipeline_mode<synchronous>, transform_indices = @transform_13, window_bounds = array<i64: 1, 128>}, {pipeline_mode = #tpu.pipeline_mode<synchronous>, transform_indices = @transform_14, window_bounds = array<i64: 1, 128>}, {transform_indices = @transform_15, window_bounds = array<i64: 640, 128>}, {transform_indices = @transform_16, window_bounds = array<i64: 640, 128>}]} {
    %get3A = arith.constant 0 : index
    %get3A_0 = arith.constant 0 : index
    %get3A_1 = vector.load %arg1[%get3A, %get3A_0] : memref<640x128xf32, #tpu.memory_space<vmem>>, vector<640x128xf32>
    %get3A_2 = arith.constant 0 : index
    %get3A_3 = arith.constant 0 : index
    %get3A_4 = vector.load %arg2[%get3A_2, %get3A_3] : memref<640x128xf32, #tpu.memory_space<vmem>>, vector<640x128xf32>
    %get3A_5 = arith.constant 0 : index
    %get3A_6 = arith.constant 0 : index
    %get3A_7 = vector.load %arg3[%get3A_5, %get3A_6] : memref<640x128xf32, #tpu.memory_space<vmem>>, vector<640x128xf32>
    %get3A_8 = arith.constant 0 : index
    %get3A_9 = arith.constant 0 : index
    %get3A_10 = vector.load %arg4[%get3A_8, %get3A_9] : memref<640x128xf32, #tpu.memory_space<vmem>>, vector<640x128xf32>
    %get3A_11 = arith.constant 0 : index
    %get3A_12 = arith.constant 0 : index
    %get3A_13 = vector.load %arg5[%get3A_11, %get3A_12] : memref<640x128xf32, #tpu.memory_space<vmem>>, vector<640x128xf32>
    %max3A = arith.constant 1.000000e+00 : f32
    %max3A_14 = vector.broadcast %max3A : f32 to vector<640x128xf32>
    %max3A_15 = arith.maximumf %get3A_13, %max3A_14 : vector<640x128xf32>
    %div3A = arith.constant 1.000000e+00 : f32
    %div3A_16 = vector.broadcast %div3A : f32 to vector<640x128xf32>
    %div3A_17 = arith.divf %div3A_16, %max3A_15 : vector<640x128xf32>
    %get3A_18 = arith.constant 0 : index
    %get3A_19 = arith.constant 0 : index
    %get3A_20 = vector.load %arg6[%get3A_18, %get3A_19] : memref<128x128xf32, #tpu.memory_space<vmem>>, vector<128x128xf32>
    %dot_general3A = arith.constant dense<0.000000e+00> : vector<640x128xf32>
    %dot_general3A_21 = tpu.matmul %get3A_1, %get3A_20, %dot_general3A {dimension_numbers = #tpu.dot_dimension_numbers<[1], [0], [0], [1], [0, 0, 1, 1], [], []>, transpose_lhs_hint = false} : vector<640x128xf32>, vector<128x128xf32>, vector<640x128xf32> -> vector<640x128xf32>
    %get3A_22 = arith.constant 0 : index
    %get3A_23 = arith.constant 0 : index
    %get3A_24 = vector.load %arg7[%get3A_22, %get3A_23] : memref<128x128xf32, #tpu.memory_space<vmem>>, vector<128x128xf32>
    %dot_general3A_25 = arith.constant dense<0.000000e+00> : vector<640x128xf32>
    %dot_general3A_26 = tpu.matmul %get3A_4, %get3A_24, %dot_general3A_25 {dimension_numbers = #tpu.dot_dimension_numbers<[1], [0], [0], [1], [0, 0, 1, 1], [], []>, transpose_lhs_hint = false} : vector<640x128xf32>, vector<128x128xf32>, vector<640x128xf32> -> vector<640x128xf32>
    %add3A = arith.addf %dot_general3A_21, %dot_general3A_26 : vector<640x128xf32>
    %get3A_27 = arith.constant 0 : index
    %get3A_28 = arith.constant 0 : index
    %get3A_29 = vector.load %arg10[%get3A_27, %get3A_28] : memref<128x128xf32, #tpu.memory_space<vmem>>, vector<128x128xf32>
    %dot_general3A_30 = arith.constant dense<0.000000e+00> : vector<640x128xf32>
    %dot_general3A_31 = tpu.matmul %get3A_7, %get3A_29, %dot_general3A_30 {dimension_numbers = #tpu.dot_dimension_numbers<[1], [0], [0], [1], [0, 0, 1, 1], [], []>, transpose_lhs_hint = false} : vector<640x128xf32>, vector<128x128xf32>, vector<640x128xf32> -> vector<640x128xf32>
    %get3A_32 = arith.constant 0 : index
    %get3A_33 = arith.constant 0 : index
    %get3A_34 = vector.load %arg11[%get3A_32, %get3A_33] : memref<128x128xf32, #tpu.memory_space<vmem>>, vector<128x128xf32>
    %dot_general3A_35 = arith.constant dense<0.000000e+00> : vector<640x128xf32>
    %dot_general3A_36 = tpu.matmul %get3A_10, %get3A_34, %dot_general3A_35 {dimension_numbers = #tpu.dot_dimension_numbers<[1], [0], [0], [1], [0, 0, 1, 1], [], []>, transpose_lhs_hint = false} : vector<640x128xf32>, vector<128x128xf32>, vector<640x128xf32> -> vector<640x128xf32>
    %add3A_37 = arith.addf %dot_general3A_31, %dot_general3A_36 : vector<640x128xf32>
    %mul3A = arith.mulf %add3A_37, %div3A_17 : vector<640x128xf32>
    %add3A_38 = arith.addf %add3A, %mul3A : vector<640x128xf32>
    %get3A_39 = arith.constant 0 : index
    %get3A_40 = arith.constant 0 : index
    %get3A_41 = vector.load %arg14[%get3A_39, %get3A_40] : memref<1x128xf32, #tpu.memory_space<vmem>>, vector<1x128xf32>
    %add3A_42 = vector.broadcast %get3A_41 : vector<1x128xf32> to vector<640x128xf32>
    %add3A_43 = arith.addf %add3A_38, %add3A_42 : vector<640x128xf32>
    %get3A_44 = arith.constant 0 : index
    %get3A_45 = arith.constant 0 : index
    %get3A_46 = vector.load %arg8[%get3A_44, %get3A_45] : memref<128x128xf32, #tpu.memory_space<vmem>>, vector<128x128xf32>
    %dot_general3A_47 = arith.constant dense<0.000000e+00> : vector<640x128xf32>
    %dot_general3A_48 = tpu.matmul %get3A_1, %get3A_46, %dot_general3A_47 {dimension_numbers = #tpu.dot_dimension_numbers<[1], [0], [0], [1], [0, 0, 1, 1], [], []>, transpose_lhs_hint = false} : vector<640x128xf32>, vector<128x128xf32>, vector<640x128xf32> -> vector<640x128xf32>
    %get3A_49 = arith.constant 0 : index
    %get3A_50 = arith.constant 0 : index
    %get3A_51 = vector.load %arg9[%get3A_49, %get3A_50] : memref<128x128xf32, #tpu.memory_space<vmem>>, vector<128x128xf32>
    %dot_general3A_52 = arith.constant dense<0.000000e+00> : vector<640x128xf32>
    %dot_general3A_53 = tpu.matmul %get3A_4, %get3A_51, %dot_general3A_52 {dimension_numbers = #tpu.dot_dimension_numbers<[1], [0], [0], [1], [0, 0, 1, 1], [], []>, transpose_lhs_hint = false} : vector<640x128xf32>, vector<128x128xf32>, vector<640x128xf32> -> vector<640x128xf32>
    %add3A_54 = arith.addf %dot_general3A_48, %dot_general3A_53 : vector<640x128xf32>
    %get3A_55 = arith.constant 0 : index
    %get3A_56 = arith.constant 0 : index
    %get3A_57 = vector.load %arg12[%get3A_55, %get3A_56] : memref<128x128xf32, #tpu.memory_space<vmem>>, vector<128x128xf32>
    %dot_general3A_58 = arith.constant dense<0.000000e+00> : vector<640x128xf32>
    %dot_general3A_59 = tpu.matmul %get3A_7, %get3A_57, %dot_general3A_58 {dimension_numbers = #tpu.dot_dimension_numbers<[1], [0], [0], [1], [0, 0, 1, 1], [], []>, transpose_lhs_hint = false} : vector<640x128xf32>, vector<128x128xf32>, vector<640x128xf32> -> vector<640x128xf32>
    %get3A_60 = arith.constant 0 : index
    %get3A_61 = arith.constant 0 : index
    %get3A_62 = vector.load %arg13[%get3A_60, %get3A_61] : memref<128x128xf32, #tpu.memory_space<vmem>>, vector<128x128xf32>
    %dot_general3A_63 = arith.constant dense<0.000000e+00> : vector<640x128xf32>
    %dot_general3A_64 = tpu.matmul %get3A_10, %get3A_62, %dot_general3A_63 {dimension_numbers = #tpu.dot_dimension_numbers<[1], [0], [0], [1], [0, 0, 1, 1], [], []>, transpose_lhs_hint = false} : vector<640x128xf32>, vector<128x128xf32>, vector<640x128xf32> -> vector<640x128xf32>
    %add3A_65 = arith.addf %dot_general3A_59, %dot_general3A_64 : vector<640x128xf32>
    %mul3A_66 = arith.mulf %add3A_65, %div3A_17 : vector<640x128xf32>
    %add3A_67 = arith.addf %add3A_54, %mul3A_66 : vector<640x128xf32>
    %get3A_68 = arith.constant 0 : index
    %get3A_69 = arith.constant 0 : index
    %get3A_70 = vector.load %arg15[%get3A_68, %get3A_69] : memref<1x128xf32, #tpu.memory_space<vmem>>, vector<1x128xf32>
    %add3A_71 = vector.broadcast %get3A_70 : vector<1x128xf32> to vector<640x128xf32>
    %add3A_72 = arith.addf %add3A_67, %add3A_71 : vector<640x128xf32>
    %max3A_73 = arith.constant 0.000000e+00 : f32
    %max3A_74 = vector.broadcast %max3A_73 : f32 to vector<640x128xf32>
    %max3A_75 = arith.maximumf %add3A_43, %max3A_74 : vector<640x128xf32>
    %max3A_76 = arith.constant 0.000000e+00 : f32
    %max3A_77 = vector.broadcast %max3A_76 : f32 to vector<640x128xf32>
    %max3A_78 = arith.maximumf %add3A_72, %max3A_77 : vector<640x128xf32>
    %swap3A = arith.constant 0 : index
    %swap3A_79 = arith.constant 0 : index
    %swap3A_80 = vector.load %arg16[%swap3A, %swap3A_79] : memref<640x128xf32, #tpu.memory_space<vmem>>, vector<640x128xf32>
    tpu.vector_store %arg16[%swap3A, %swap3A_79], %max3A_75 {strides = array<i32>} : memref<640x128xf32, #tpu.memory_space<vmem>>, vector<640x128xf32>,
    %swap3A_81 = arith.constant 0 : index
    %swap3A_82 = arith.constant 0 : index
    %swap3A_83 = vector.load %arg17[%swap3A_81, %swap3A_82] : memref<640x128xf32, #tpu.memory_space<vmem>>, vector<640x128xf32>
    tpu.vector_store %arg17[%swap3A_81, %swap3A_82], %max3A_78 {strides = array<i32>} : memref<640x128xf32, #tpu.memory_space<vmem>>, vector<640x128xf32>,
    return
  }
  func.func @transform_0(%arg0: i32) -> (i32, i32) {
    %c0_i32 = arith.constant 0 : i32
    %c0_i32_0 = arith.constant 0 : i32
    return %arg0, %c0_i32 : i32, i32
  }
  func.func @transform_1(%arg0: i32) -> (i32, i32) {
    %c0_i32 = arith.constant 0 : i32
    %c0_i32_0 = arith.constant 0 : i32
    return %arg0, %c0_i32 : i32, i32
  }
  func.func @transform_2(%arg0: i32) -> (i32, i32) {
    %c0_i32 = arith.constant 0 : i32
    %c0_i32_0 = arith.constant 0 : i32
    return %arg0, %c0_i32 : i32, i32
  }
  func.func @transform_3(%arg0: i32) -> (i32, i32) {
    %c0_i32 = arith.constant 0 : i32
    %c0_i32_0 = arith.constant 0 : i32
    return %arg0, %c0_i32 : i32, i32
  }
  func.func @transform_4(%arg0: i32) -> (i32, i32) {
    %c0_i32 = arith.constant 0 : i32
    %c0_i32_0 = arith.constant 0 : i32
    return %arg0, %c0_i32 : i32, i32
  }
  func.func @transform_5(%arg0: i32) -> (i32, i32) {
    %c0_i32 = arith.constant 0 : i32
    %c0_i32_0 = arith.constant 0 : i32
    %c0_i32_1 = arith.constant 0 : i32
    return %c0_i32, %c0_i32_0 : i32, i32
  }
  func.func @transform_6(%arg0: i32) -> (i32, i32) {
    %c0_i32 = arith.constant 0 : i32
    %c0_i32_0 = arith.constant 0 : i32
    %c0_i32_1 = arith.constant 0 : i32
    return %c0_i32, %c0_i32_0 : i32, i32
  }
  func.func @transform_7(%arg0: i32) -> (i32, i32) {
    %c0_i32 = arith.constant 0 : i32
    %c0_i32_0 = arith.constant 0 : i32
    %c0_i32_1 = arith.constant 0 : i32
    return %c0_i32, %c0_i32_0 : i32, i32
  }
  func.func @transform_8(%arg0: i32) -> (i32, i32) {
    %c0_i32 = arith.constant 0 : i32
    %c0_i32_0 = arith.constant 0 : i32
    %c0_i32_1 = arith.constant 0 : i32
    return %c0_i32, %c0_i32_0 : i32, i32
  }
  func.func @transform_9(%arg0: i32) -> (i32, i32) {
    %c0_i32 = arith.constant 0 : i32
    %c0_i32_0 = arith.constant 0 : i32
    %c0_i32_1 = arith.constant 0 : i32
    return %c0_i32, %c0_i32_0 : i32, i32
  }
  func.func @transform_10(%arg0: i32) -> (i32, i32) {
    %c0_i32 = arith.constant 0 : i32
    %c0_i32_0 = arith.constant 0 : i32
    %c0_i32_1 = arith.constant 0 : i32
    return %c0_i32, %c0_i32_0 : i32, i32
  }
  func.func @transform_11(%arg0: i32) -> (i32, i32) {
    %c0_i32 = arith.constant 0 : i32
    %c0_i32_0 = arith.constant 0 : i32
    %c0_i32_1 = arith.constant 0 : i32
    return %c0_i32, %c0_i32_0 : i32, i32
  }
  func.func @transform_12(%arg0: i32) -> (i32, i32) {
    %c0_i32 = arith.constant 0 : i32
    %c0_i32_0 = arith.constant 0 : i32
    %c0_i32_1 = arith.constant 0 : i32
    return %c0_i32, %c0_i32_0 : i32, i32
  }
  func.func @transform_13(%arg0: i32) -> (i32, i32) {
    %c0_i32 = arith.constant 0 : i32
    %c0_i32_0 = arith.constant 0 : i32
    %c0_i32_1 = arith.constant 0 : i32
    return %c0_i32, %c0_i32_0 : i32, i32
  }
  func.func @transform_14(%arg0: i32) -> (i32, i32) {
    %c0_i32 = arith.constant 0 : i32
    %c0_i32_0 = arith.constant 0 : i32
    %c0_i32_1 = arith.constant 0 : i32
    return %c0_i32, %c0_i32_0 : i32, i32
  }
  func.func @transform_15(%arg0: i32) -> (i32, i32) {
    %c0_i32 = arith.constant 0 : i32
    %c0_i32_0 = arith.constant 0 : i32
    return %arg0, %c0_i32 : i32, i32
  }
  func.func @transform_16(%arg0: i32) -> (i32, i32) {
    %c0_i32 = arith.constant 0 : i32
    %c0_i32_0 = arith.constant 0 : i32
    return %arg0, %c0_i32 : i32, i32
  }
}

module attributes {stable_mosaic.version = 14 : i64} {
  func.func @_layer_body(%arg0: i32, %arg1: memref<640x128xf32, #tpu.memory_space<vmem>>, %arg2: memref<640x128xf32, #tpu.memory_space<vmem>>, %arg3: memref<640x128xf32, #tpu.memory_space<vmem>>, %arg4: memref<640x128xf32, #tpu.memory_space<vmem>>, %arg5: memref<640x128xf32, #tpu.memory_space<vmem>>, %arg6: memref<128x128xf32, #tpu.memory_space<vmem>>, %arg7: memref<128x128xf32, #tpu.memory_space<vmem>>, %arg8: memref<128x128xf32, #tpu.memory_space<vmem>>, %arg9: memref<128x128xf32, #tpu.memory_space<vmem>>, %arg10: memref<128x128xf32, #tpu.memory_space<vmem>>, %arg11: memref<128x128xf32, #tpu.memory_space<vmem>>, %arg12: memref<128x128xf32, #tpu.memory_space<vmem>>, %arg13: memref<128x128xf32, #tpu.memory_space<vmem>>, %arg14: memref<1x128xf32, #tpu.memory_space<vmem>>, %arg15: memref<1x128xf32, #tpu.memory_space<vmem>>, %arg16: memref<640x128xf32, #tpu.memory_space<vmem>>, %arg17: memref<640x128xf32, #tpu.memory_space<vmem>>) attributes {dimension_semantics = [#tpu.dimension_semantics<arbitrary>], iteration_bounds = array<i64: 20>, scalar_prefetch = 0 : i64, scratch_operands = 0 : i64, tpu.core_type = #tpu.core_type<tc>, window_params = [{transform_indices = @transform_0, window_bounds = array<i64: 640, 128>}, {transform_indices = @transform_1, window_bounds = array<i64: 640, 128>}, {transform_indices = @transform_2, window_bounds = array<i64: 640, 128>}, {transform_indices = @transform_3, window_bounds = array<i64: 640, 128>}, {transform_indices = @transform_4, window_bounds = array<i64: 640, 128>}, {pipeline_mode = #tpu.pipeline_mode<synchronous>, transform_indices = @transform_5, window_bounds = array<i64: 128, 128>}, {pipeline_mode = #tpu.pipeline_mode<synchronous>, transform_indices = @transform_6, window_bounds = array<i64: 128, 128>}, {pipeline_mode = #tpu.pipeline_mode<synchronous>, transform_indices = @transform_7, window_bounds = array<i64: 128, 128>}, {pipeline_mode = #tpu.pipeline_mode<synchronous>, transform_indices = @transform_8, window_bounds = array<i64: 128, 128>}, {pipeline_mode = #tpu.pipeline_mode<synchronous>, transform_indices = @transform_9, window_bounds = array<i64: 128, 128>}, {pipeline_mode = #tpu.pipeline_mode<synchronous>, transform_indices = @transform_10, window_bounds = array<i64: 128, 128>}, {pipeline_mode = #tpu.pipeline_mode<synchronous>, transform_indices = @transform_11, window_bounds = array<i64: 128, 128>}, {pipeline_mode = #tpu.pipeline_mode<synchronous>, transform_indices = @transform_12, window_bounds = array<i64: 128, 128>}, {pipeline_mode = #tpu.pipeline_mode<synchronous>, transform_indices = @transform_13, window_bounds = array<i64: 1, 128>}, {pipeline_mode = #tpu.pipeline_mode<synchronous>, transform_indices = @transform_14, window_bounds = array<i64: 1, 128>}, {transform_indices = @transform_15, window_bounds = array<i64: 640, 128>}, {transform_indices = @transform_16, window_bounds = array<i64: 640, 128>}]} {
    %get3A = arith.constant 0 : index
    %get3A_0 = arith.constant 0 : index
    %get3A_1 = vector.load %arg1[%get3A, %get3A_0] : memref<640x128xf32, #tpu.memory_space<vmem>>, vector<640x128xf32>
    %get3A_2 = arith.constant 0 : index
    %get3A_3 = arith.constant 0 : index
    %get3A_4 = vector.load %arg2[%get3A_2, %get3A_3] : memref<640x128xf32, #tpu.memory_space<vmem>>, vector<640x128xf32>
    %get3A_5 = arith.constant 0 : index
    %get3A_6 = arith.constant 0 : index
    %get3A_7 = vector.load %arg3[%get3A_5, %get3A_6] : memref<640x128xf32, #tpu.memory_space<vmem>>, vector<640x128xf32>
    %get3A_8 = arith.constant 0 : index
    %get3A_9 = arith.constant 0 : index
    %get3A_10 = vector.load %arg4[%get3A_8, %get3A_9] : memref<640x128xf32, #tpu.memory_space<vmem>>, vector<640x128xf32>
    %get3A_11 = arith.constant 0 : index
    %get3A_12 = arith.constant 0 : index
    %get3A_13 = vector.load %arg5[%get3A_11, %get3A_12] : memref<640x128xf32, #tpu.memory_space<vmem>>, vector<640x128xf32>
    %max3A = arith.constant 1.000000e+00 : f32
    %max3A_14 = vector.broadcast %max3A : f32 to vector<640x128xf32>
    %max3A_15 = arith.maximumf %get3A_13, %max3A_14 : vector<640x128xf32>
    %div3A = arith.constant 1.000000e+00 : f32
    %div3A_16 = vector.broadcast %div3A : f32 to vector<640x128xf32>
    %div3A_17 = arith.divf %div3A_16, %max3A_15 : vector<640x128xf32>
    %get3A_18 = arith.constant 0 : index
    %get3A_19 = arith.constant 0 : index
    %get3A_20 = vector.load %arg6[%get3A_18, %get3A_19] : memref<128x128xf32, #tpu.memory_space<vmem>>, vector<128x128xf32>
    %dot_general3A = arith.constant dense<0.000000e+00> : vector<640x128xf32>
    %dot_general3A_21 = tpu.matmul %get3A_1, %get3A_20, %dot_general3A {dimension_numbers = #tpu.dot_dimension_numbers<[1], [0], [0], [1], [0, 0, 1, 1], [], []>, transpose_lhs_hint = false} : vector<640x128xf32>, vector<128x128xf32>, vector<640x128xf32> -> vector<640x128xf32>
    %get3A_22 = arith.constant 0 : index
    %get3A_23 = arith.constant 0 : index
    %get3A_24 = vector.load %arg7[%get3A_22, %get3A_23] : memref<128x128xf32, #tpu.memory_space<vmem>>, vector<128x128xf32>
    %dot_general3A_25 = arith.constant dense<0.000000e+00> : vector<640x128xf32>
    %dot_general3A_26 = tpu.matmul %get3A_4, %get3A_24, %dot_general3A_25 {dimension_numbers = #tpu.dot_dimension_numbers<[1], [0], [0], [1], [0, 0, 1, 1], [], []>, transpose_lhs_hint = false} : vector<640x128xf32>, vector<128x128xf32>, vector<640x128xf32> -> vector<640x128xf32>
    %add3A = arith.addf %dot_general3A_21, %dot_general3A_26 : vector<640x128xf32>
    %get3A_27 = arith.constant 0 : index
    %get3A_28 = arith.constant 0 : index
    %get3A_29 = vector.load %arg10[%get3A_27, %get3A_28] : memref<128x128xf32, #tpu.memory_space<vmem>>, vector<128x128xf32>
    %dot_general3A_30 = arith.constant dense<0.000000e+00> : vector<640x128xf32>
    %dot_general3A_31 = tpu.matmul %get3A_7, %get3A_29, %dot_general3A_30 {dimension_numbers = #tpu.dot_dimension_numbers<[1], [0], [0], [1], [0, 0, 1, 1], [], []>, transpose_lhs_hint = false} : vector<640x128xf32>, vector<128x128xf32>, vector<640x128xf32> -> vector<640x128xf32>
    %get3A_32 = arith.constant 0 : index
    %get3A_33 = arith.constant 0 : index
    %get3A_34 = vector.load %arg11[%get3A_32, %get3A_33] : memref<128x128xf32, #tpu.memory_space<vmem>>, vector<128x128xf32>
    %dot_general3A_35 = arith.constant dense<0.000000e+00> : vector<640x128xf32>
    %dot_general3A_36 = tpu.matmul %get3A_10, %get3A_34, %dot_general3A_35 {dimension_numbers = #tpu.dot_dimension_numbers<[1], [0], [0], [1], [0, 0, 1, 1], [], []>, transpose_lhs_hint = false} : vector<640x128xf32>, vector<128x128xf32>, vector<640x128xf32> -> vector<640x128xf32>
    %add3A_37 = arith.addf %dot_general3A_31, %dot_general3A_36 : vector<640x128xf32>
    %mul3A = arith.mulf %add3A_37, %div3A_17 : vector<640x128xf32>
    %add3A_38 = arith.addf %add3A, %mul3A : vector<640x128xf32>
    %get3A_39 = arith.constant 0 : index
    %get3A_40 = arith.constant 0 : index
    %get3A_41 = vector.load %arg14[%get3A_39, %get3A_40] : memref<1x128xf32, #tpu.memory_space<vmem>>, vector<1x128xf32>
    %add3A_42 = vector.broadcast %get3A_41 : vector<1x128xf32> to vector<640x128xf32>
    %add3A_43 = arith.addf %add3A_38, %add3A_42 : vector<640x128xf32>
    %get3A_44 = arith.constant 0 : index
    %get3A_45 = arith.constant 0 : index
    %get3A_46 = vector.load %arg8[%get3A_44, %get3A_45] : memref<128x128xf32, #tpu.memory_space<vmem>>, vector<128x128xf32>
    %dot_general3A_47 = arith.constant dense<0.000000e+00> : vector<640x128xf32>
    %dot_general3A_48 = tpu.matmul %get3A_1, %get3A_46, %dot_general3A_47 {dimension_numbers = #tpu.dot_dimension_numbers<[1], [0], [0], [1], [0, 0, 1, 1], [], []>, transpose_lhs_hint = false} : vector<640x128xf32>, vector<128x128xf32>, vector<640x128xf32> -> vector<640x128xf32>
    %get3A_49 = arith.constant 0 : index
    %get3A_50 = arith.constant 0 : index
    %get3A_51 = vector.load %arg9[%get3A_49, %get3A_50] : memref<128x128xf32, #tpu.memory_space<vmem>>, vector<128x128xf32>
    %dot_general3A_52 = arith.constant dense<0.000000e+00> : vector<640x128xf32>
    %dot_general3A_53 = tpu.matmul %get3A_4, %get3A_51, %dot_general3A_52 {dimension_numbers = #tpu.dot_dimension_numbers<[1], [0], [0], [1], [0, 0, 1, 1], [], []>, transpose_lhs_hint = false} : vector<640x128xf32>, vector<128x128xf32>, vector<640x128xf32> -> vector<640x128xf32>
    %add3A_54 = arith.addf %dot_general3A_48, %dot_general3A_53 : vector<640x128xf32>
    %get3A_55 = arith.constant 0 : index
    %get3A_56 = arith.constant 0 : index
    %get3A_57 = vector.load %arg12[%get3A_55, %get3A_56] : memref<128x128xf32, #tpu.memory_space<vmem>>, vector<128x128xf32>
    %dot_general3A_58 = arith.constant dense<0.000000e+00> : vector<640x128xf32>
    %dot_general3A_59 = tpu.matmul %get3A_7, %get3A_57, %dot_general3A_58 {dimension_numbers = #tpu.dot_dimension_numbers<[1], [0], [0], [1], [0, 0, 1, 1], [], []>, transpose_lhs_hint = false} : vector<640x128xf32>, vector<128x128xf32>, vector<640x128xf32> -> vector<640x128xf32>
    %get3A_60 = arith.constant 0 : index
    %get3A_61 = arith.constant 0 : index
    %get3A_62 = vector.load %arg13[%get3A_60, %get3A_61] : memref<128x128xf32, #tpu.memory_space<vmem>>, vector<128x128xf32>
    %dot_general3A_63 = arith.constant dense<0.000000e+00> : vector<640x128xf32>
    %dot_general3A_64 = tpu.matmul %get3A_10, %get3A_62, %dot_general3A_63 {dimension_numbers = #tpu.dot_dimension_numbers<[1], [0], [0], [1], [0, 0, 1, 1], [], []>, transpose_lhs_hint = false} : vector<640x128xf32>, vector<128x128xf32>, vector<640x128xf32> -> vector<640x128xf32>
    %add3A_65 = arith.addf %dot_general3A_59, %dot_general3A_64 : vector<640x128xf32>
    %mul3A_66 = arith.mulf %add3A_65, %div3A_17 : vector<640x128xf32>
    %add3A_67 = arith.addf %add3A_54, %mul3A_66 : vector<640x128xf32>
    %get3A_68 = arith.constant 0 : index
    %get3A_69 = arith.constant 0 : index
    %get3A_70 = vector.load %arg15[%get3A_68, %get3A_69] : memref<1x128xf32, #tpu.memory_space<vmem>>, vector<1x128xf32>
    %add3A_71 = vector.broadcast %get3A_70 : vector<1x128xf32> to vector<640x128xf32>
    %add3A_72 = arith.addf %add3A_67, %add3A_71 : vector<640x128xf32>
    %max3A_73 = arith.constant 0.000000e+00 : f32
    %max3A_74 = vector.broadcast %max3A_73 : f32 to vector<640x128xf32>
    %max3A_75 = arith.maximumf %add3A_43, %max3A_74 : vector<640x128xf32>
    %max3A_76 = arith.constant 0.000000e+00 : f32
    %max3A_77 = vector.broadcast %max3A_76 : f32 to vector<640x128xf32>
    %max3A_78 = arith.maximumf %add3A_72, %max3A_77 : vector<640x128xf32>
    %add3A_79 = arith.addf %max3A_75, %get3A_1 : vector<640x128xf32>
    %add3A_80 = arith.addf %max3A_78, %get3A_4 : vector<640x128xf32>
    %swap3A = arith.constant 0 : index
    %swap3A_81 = arith.constant 0 : index
    %swap3A_82 = vector.load %arg16[%swap3A, %swap3A_81] : memref<640x128xf32, #tpu.memory_space<vmem>>, vector<640x128xf32>
    tpu.vector_store %arg16[%swap3A, %swap3A_81], %add3A_79 {strides = array<i32>} : memref<640x128xf32, #tpu.memory_space<vmem>>, vector<640x128xf32>,
    %swap3A_83 = arith.constant 0 : index
    %swap3A_84 = arith.constant 0 : index
    %swap3A_85 = vector.load %arg17[%swap3A_83, %swap3A_84] : memref<640x128xf32, #tpu.memory_space<vmem>>, vector<640x128xf32>
    tpu.vector_store %arg17[%swap3A_83, %swap3A_84], %add3A_80 {strides = array<i32>} : memref<640x128xf32, #tpu.memory_space<vmem>>, vector<640x128xf32>,
    return
  }
  func.func @transform_0(%arg0: i32) -> (i32, i32) {
    %c0_i32 = arith.constant 0 : i32
    %c0_i32_0 = arith.constant 0 : i32
    return %arg0, %c0_i32 : i32, i32
  }
  func.func @transform_1(%arg0: i32) -> (i32, i32) {
    %c0_i32 = arith.constant 0 : i32
    %c0_i32_0 = arith.constant 0 : i32
    return %arg0, %c0_i32 : i32, i32
  }
  func.func @transform_2(%arg0: i32) -> (i32, i32) {
    %c0_i32 = arith.constant 0 : i32
    %c0_i32_0 = arith.constant 0 : i32
    return %arg0, %c0_i32 : i32, i32
  }
  func.func @transform_3(%arg0: i32) -> (i32, i32) {
    %c0_i32 = arith.constant 0 : i32
    %c0_i32_0 = arith.constant 0 : i32
    return %arg0, %c0_i32 : i32, i32
  }
  func.func @transform_4(%arg0: i32) -> (i32, i32) {
    %c0_i32 = arith.constant 0 : i32
    %c0_i32_0 = arith.constant 0 : i32
    return %arg0, %c0_i32 : i32, i32
  }
  func.func @transform_5(%arg0: i32) -> (i32, i32) {
    %c0_i32 = arith.constant 0 : i32
    %c0_i32_0 = arith.constant 0 : i32
    %c0_i32_1 = arith.constant 0 : i32
    return %c0_i32, %c0_i32_0 : i32, i32
  }
  func.func @transform_6(%arg0: i32) -> (i32, i32) {
    %c0_i32 = arith.constant 0 : i32
    %c0_i32_0 = arith.constant 0 : i32
    %c0_i32_1 = arith.constant 0 : i32
    return %c0_i32, %c0_i32_0 : i32, i32
  }
  func.func @transform_7(%arg0: i32) -> (i32, i32) {
    %c0_i32 = arith.constant 0 : i32
    %c0_i32_0 = arith.constant 0 : i32
    %c0_i32_1 = arith.constant 0 : i32
    return %c0_i32, %c0_i32_0 : i32, i32
  }
  func.func @transform_8(%arg0: i32) -> (i32, i32) {
    %c0_i32 = arith.constant 0 : i32
    %c0_i32_0 = arith.constant 0 : i32
    %c0_i32_1 = arith.constant 0 : i32
    return %c0_i32, %c0_i32_0 : i32, i32
  }
  func.func @transform_9(%arg0: i32) -> (i32, i32) {
    %c0_i32 = arith.constant 0 : i32
    %c0_i32_0 = arith.constant 0 : i32
    %c0_i32_1 = arith.constant 0 : i32
    return %c0_i32, %c0_i32_0 : i32, i32
  }
  func.func @transform_10(%arg0: i32) -> (i32, i32) {
    %c0_i32 = arith.constant 0 : i32
    %c0_i32_0 = arith.constant 0 : i32
    %c0_i32_1 = arith.constant 0 : i32
    return %c0_i32, %c0_i32_0 : i32, i32
  }
  func.func @transform_11(%arg0: i32) -> (i32, i32) {
    %c0_i32 = arith.constant 0 : i32
    %c0_i32_0 = arith.constant 0 : i32
    %c0_i32_1 = arith.constant 0 : i32
    return %c0_i32, %c0_i32_0 : i32, i32
  }
  func.func @transform_12(%arg0: i32) -> (i32, i32) {
    %c0_i32 = arith.constant 0 : i32
    %c0_i32_0 = arith.constant 0 : i32
    %c0_i32_1 = arith.constant 0 : i32
    return %c0_i32, %c0_i32_0 : i32, i32
  }
  func.func @transform_13(%arg0: i32) -> (i32, i32) {
    %c0_i32 = arith.constant 0 : i32
    %c0_i32_0 = arith.constant 0 : i32
    %c0_i32_1 = arith.constant 0 : i32
    return %c0_i32, %c0_i32_0 : i32, i32
  }
  func.func @transform_14(%arg0: i32) -> (i32, i32) {
    %c0_i32 = arith.constant 0 : i32
    %c0_i32_0 = arith.constant 0 : i32
    %c0_i32_1 = arith.constant 0 : i32
    return %c0_i32, %c0_i32_0 : i32, i32
  }
  func.func @transform_15(%arg0: i32) -> (i32, i32) {
    %c0_i32 = arith.constant 0 : i32
    %c0_i32_0 = arith.constant 0 : i32
    return %arg0, %c0_i32 : i32, i32
  }
  func.func @transform_16(%arg0: i32) -> (i32, i32) {
    %c0_i32 = arith.constant 0 : i32
    %c0_i32_0 = arith.constant 0 : i32
    return %arg0, %c0_i32 : i32, i32
  }
}

module attributes {stable_mosaic.version = 14 : i64} {
  func.func @_layer_head_body(%arg0: i32, %arg1: memref<640x128xf32, #tpu.memory_space<vmem>>, %arg2: memref<640x128xf32, #tpu.memory_space<vmem>>, %arg3: memref<640x128xf32, #tpu.memory_space<vmem>>, %arg4: memref<640x128xf32, #tpu.memory_space<vmem>>, %arg5: memref<640x128xf32, #tpu.memory_space<vmem>>, %arg6: memref<128x128xf32, #tpu.memory_space<vmem>>, %arg7: memref<128x128xf32, #tpu.memory_space<vmem>>, %arg8: memref<128x128xf32, #tpu.memory_space<vmem>>, %arg9: memref<128x128xf32, #tpu.memory_space<vmem>>, %arg10: memref<128x128xf32, #tpu.memory_space<vmem>>, %arg11: memref<128x128xf32, #tpu.memory_space<vmem>>, %arg12: memref<128x128xf32, #tpu.memory_space<vmem>>, %arg13: memref<128x128xf32, #tpu.memory_space<vmem>>, %arg14: memref<1x128xf32, #tpu.memory_space<vmem>>, %arg15: memref<1x128xf32, #tpu.memory_space<vmem>>, %arg16: memref<128x128xf32, #tpu.memory_space<vmem>>, %arg17: memref<128x128xf32, #tpu.memory_space<vmem>>, %arg18: memref<1x128xf32, #tpu.memory_space<vmem>>, %arg19: memref<128x8xf32, #tpu.memory_space<vmem>>, %arg20: memref<1x8xf32, #tpu.memory_space<vmem>>, %arg21: memref<640x8xf32, #tpu.memory_space<vmem>>) attributes {dimension_semantics = [#tpu.dimension_semantics<arbitrary>], iteration_bounds = array<i64: 20>, scalar_prefetch = 0 : i64, scratch_operands = 0 : i64, tpu.core_type = #tpu.core_type<tc>, window_params = [{transform_indices = @transform_0, window_bounds = array<i64: 640, 128>}, {transform_indices = @transform_1, window_bounds = array<i64: 640, 128>}, {transform_indices = @transform_2, window_bounds = array<i64: 640, 128>}, {transform_indices = @transform_3, window_bounds = array<i64: 640, 128>}, {transform_indices = @transform_4, window_bounds = array<i64: 640, 128>}, {pipeline_mode = #tpu.pipeline_mode<synchronous>, transform_indices = @transform_5, window_bounds = array<i64: 128, 128>}, {pipeline_mode = #tpu.pipeline_mode<synchronous>, transform_indices = @transform_6, window_bounds = array<i64: 128, 128>}, {pipeline_mode = #tpu.pipeline_mode<synchronous>, transform_indices = @transform_7, window_bounds = array<i64: 128, 128>}, {pipeline_mode = #tpu.pipeline_mode<synchronous>, transform_indices = @transform_8, window_bounds = array<i64: 128, 128>}, {pipeline_mode = #tpu.pipeline_mode<synchronous>, transform_indices = @transform_9, window_bounds = array<i64: 128, 128>}, {pipeline_mode = #tpu.pipeline_mode<synchronous>, transform_indices = @transform_10, window_bounds = array<i64: 128, 128>}, {pipeline_mode = #tpu.pipeline_mode<synchronous>, transform_indices = @transform_11, window_bounds = array<i64: 128, 128>}, {pipeline_mode = #tpu.pipeline_mode<synchronous>, transform_indices = @transform_12, window_bounds = array<i64: 128, 128>}, {pipeline_mode = #tpu.pipeline_mode<synchronous>, transform_indices = @transform_13, window_bounds = array<i64: 1, 128>}, {pipeline_mode = #tpu.pipeline_mode<synchronous>, transform_indices = @transform_14, window_bounds = array<i64: 1, 128>}, {pipeline_mode = #tpu.pipeline_mode<synchronous>, transform_indices = @transform_15, window_bounds = array<i64: 128, 128>}, {pipeline_mode = #tpu.pipeline_mode<synchronous>, transform_indices = @transform_16, window_bounds = array<i64: 128, 128>}, {pipeline_mode = #tpu.pipeline_mode<synchronous>, transform_indices = @transform_17, window_bounds = array<i64: 1, 128>}, {pipeline_mode = #tpu.pipeline_mode<synchronous>, transform_indices = @transform_18, window_bounds = array<i64: 128, 8>}, {pipeline_mode = #tpu.pipeline_mode<synchronous>, transform_indices = @transform_19, window_bounds = array<i64: 1, 8>}, {transform_indices = @transform_20, window_bounds = array<i64: 640, 8>}]} {
    %get3A = arith.constant 0 : index
    %get3A_0 = arith.constant 0 : index
    %get3A_1 = vector.load %arg1[%get3A, %get3A_0] : memref<640x128xf32, #tpu.memory_space<vmem>>, vector<640x128xf32>
    %get3A_2 = arith.constant 0 : index
    %get3A_3 = arith.constant 0 : index
    %get3A_4 = vector.load %arg2[%get3A_2, %get3A_3] : memref<640x128xf32, #tpu.memory_space<vmem>>, vector<640x128xf32>
    %get3A_5 = arith.constant 0 : index
    %get3A_6 = arith.constant 0 : index
    %get3A_7 = vector.load %arg3[%get3A_5, %get3A_6] : memref<640x128xf32, #tpu.memory_space<vmem>>, vector<640x128xf32>
    %get3A_8 = arith.constant 0 : index
    %get3A_9 = arith.constant 0 : index
    %get3A_10 = vector.load %arg4[%get3A_8, %get3A_9] : memref<640x128xf32, #tpu.memory_space<vmem>>, vector<640x128xf32>
    %get3A_11 = arith.constant 0 : index
    %get3A_12 = arith.constant 0 : index
    %get3A_13 = vector.load %arg5[%get3A_11, %get3A_12] : memref<640x128xf32, #tpu.memory_space<vmem>>, vector<640x128xf32>
    %max3A = arith.constant 1.000000e+00 : f32
    %max3A_14 = vector.broadcast %max3A : f32 to vector<640x128xf32>
    %max3A_15 = arith.maximumf %get3A_13, %max3A_14 : vector<640x128xf32>
    %div3A = arith.constant 1.000000e+00 : f32
    %div3A_16 = vector.broadcast %div3A : f32 to vector<640x128xf32>
    %div3A_17 = arith.divf %div3A_16, %max3A_15 : vector<640x128xf32>
    %get3A_18 = arith.constant 0 : index
    %get3A_19 = arith.constant 0 : index
    %get3A_20 = vector.load %arg6[%get3A_18, %get3A_19] : memref<128x128xf32, #tpu.memory_space<vmem>>, vector<128x128xf32>
    %dot_general3A = arith.constant dense<0.000000e+00> : vector<640x128xf32>
    %dot_general3A_21 = tpu.matmul %get3A_1, %get3A_20, %dot_general3A {dimension_numbers = #tpu.dot_dimension_numbers<[1], [0], [0], [1], [0, 0, 1, 1], [], []>, transpose_lhs_hint = false} : vector<640x128xf32>, vector<128x128xf32>, vector<640x128xf32> -> vector<640x128xf32>
    %get3A_22 = arith.constant 0 : index
    %get3A_23 = arith.constant 0 : index
    %get3A_24 = vector.load %arg7[%get3A_22, %get3A_23] : memref<128x128xf32, #tpu.memory_space<vmem>>, vector<128x128xf32>
    %dot_general3A_25 = arith.constant dense<0.000000e+00> : vector<640x128xf32>
    %dot_general3A_26 = tpu.matmul %get3A_4, %get3A_24, %dot_general3A_25 {dimension_numbers = #tpu.dot_dimension_numbers<[1], [0], [0], [1], [0, 0, 1, 1], [], []>, transpose_lhs_hint = false} : vector<640x128xf32>, vector<128x128xf32>, vector<640x128xf32> -> vector<640x128xf32>
    %add3A = arith.addf %dot_general3A_21, %dot_general3A_26 : vector<640x128xf32>
    %get3A_27 = arith.constant 0 : index
    %get3A_28 = arith.constant 0 : index
    %get3A_29 = vector.load %arg10[%get3A_27, %get3A_28] : memref<128x128xf32, #tpu.memory_space<vmem>>, vector<128x128xf32>
    %dot_general3A_30 = arith.constant dense<0.000000e+00> : vector<640x128xf32>
    %dot_general3A_31 = tpu.matmul %get3A_7, %get3A_29, %dot_general3A_30 {dimension_numbers = #tpu.dot_dimension_numbers<[1], [0], [0], [1], [0, 0, 1, 1], [], []>, transpose_lhs_hint = false} : vector<640x128xf32>, vector<128x128xf32>, vector<640x128xf32> -> vector<640x128xf32>
    %get3A_32 = arith.constant 0 : index
    %get3A_33 = arith.constant 0 : index
    %get3A_34 = vector.load %arg11[%get3A_32, %get3A_33] : memref<128x128xf32, #tpu.memory_space<vmem>>, vector<128x128xf32>
    %dot_general3A_35 = arith.constant dense<0.000000e+00> : vector<640x128xf32>
    %dot_general3A_36 = tpu.matmul %get3A_10, %get3A_34, %dot_general3A_35 {dimension_numbers = #tpu.dot_dimension_numbers<[1], [0], [0], [1], [0, 0, 1, 1], [], []>, transpose_lhs_hint = false} : vector<640x128xf32>, vector<128x128xf32>, vector<640x128xf32> -> vector<640x128xf32>
    %add3A_37 = arith.addf %dot_general3A_31, %dot_general3A_36 : vector<640x128xf32>
    %mul3A = arith.mulf %add3A_37, %div3A_17 : vector<640x128xf32>
    %add3A_38 = arith.addf %add3A, %mul3A : vector<640x128xf32>
    %get3A_39 = arith.constant 0 : index
    %get3A_40 = arith.constant 0 : index
    %get3A_41 = vector.load %arg14[%get3A_39, %get3A_40] : memref<1x128xf32, #tpu.memory_space<vmem>>, vector<1x128xf32>
    %add3A_42 = vector.broadcast %get3A_41 : vector<1x128xf32> to vector<640x128xf32>
    %add3A_43 = arith.addf %add3A_38, %add3A_42 : vector<640x128xf32>
    %get3A_44 = arith.constant 0 : index
    %get3A_45 = arith.constant 0 : index
    %get3A_46 = vector.load %arg8[%get3A_44, %get3A_45] : memref<128x128xf32, #tpu.memory_space<vmem>>, vector<128x128xf32>
    %dot_general3A_47 = arith.constant dense<0.000000e+00> : vector<640x128xf32>
    %dot_general3A_48 = tpu.matmul %get3A_1, %get3A_46, %dot_general3A_47 {dimension_numbers = #tpu.dot_dimension_numbers<[1], [0], [0], [1], [0, 0, 1, 1], [], []>, transpose_lhs_hint = false} : vector<640x128xf32>, vector<128x128xf32>, vector<640x128xf32> -> vector<640x128xf32>
    %get3A_49 = arith.constant 0 : index
    %get3A_50 = arith.constant 0 : index
    %get3A_51 = vector.load %arg9[%get3A_49, %get3A_50] : memref<128x128xf32, #tpu.memory_space<vmem>>, vector<128x128xf32>
    %dot_general3A_52 = arith.constant dense<0.000000e+00> : vector<640x128xf32>
    %dot_general3A_53 = tpu.matmul %get3A_4, %get3A_51, %dot_general3A_52 {dimension_numbers = #tpu.dot_dimension_numbers<[1], [0], [0], [1], [0, 0, 1, 1], [], []>, transpose_lhs_hint = false} : vector<640x128xf32>, vector<128x128xf32>, vector<640x128xf32> -> vector<640x128xf32>
    %add3A_54 = arith.addf %dot_general3A_48, %dot_general3A_53 : vector<640x128xf32>
    %get3A_55 = arith.constant 0 : index
    %get3A_56 = arith.constant 0 : index
    %get3A_57 = vector.load %arg12[%get3A_55, %get3A_56] : memref<128x128xf32, #tpu.memory_space<vmem>>, vector<128x128xf32>
    %dot_general3A_58 = arith.constant dense<0.000000e+00> : vector<640x128xf32>
    %dot_general3A_59 = tpu.matmul %get3A_7, %get3A_57, %dot_general3A_58 {dimension_numbers = #tpu.dot_dimension_numbers<[1], [0], [0], [1], [0, 0, 1, 1], [], []>, transpose_lhs_hint = false} : vector<640x128xf32>, vector<128x128xf32>, vector<640x128xf32> -> vector<640x128xf32>
    %get3A_60 = arith.constant 0 : index
    %get3A_61 = arith.constant 0 : index
    %get3A_62 = vector.load %arg13[%get3A_60, %get3A_61] : memref<128x128xf32, #tpu.memory_space<vmem>>, vector<128x128xf32>
    %dot_general3A_63 = arith.constant dense<0.000000e+00> : vector<640x128xf32>
    %dot_general3A_64 = tpu.matmul %get3A_10, %get3A_62, %dot_general3A_63 {dimension_numbers = #tpu.dot_dimension_numbers<[1], [0], [0], [1], [0, 0, 1, 1], [], []>, transpose_lhs_hint = false} : vector<640x128xf32>, vector<128x128xf32>, vector<640x128xf32> -> vector<640x128xf32>
    %add3A_65 = arith.addf %dot_general3A_59, %dot_general3A_64 : vector<640x128xf32>
    %mul3A_66 = arith.mulf %add3A_65, %div3A_17 : vector<640x128xf32>
    %add3A_67 = arith.addf %add3A_54, %mul3A_66 : vector<640x128xf32>
    %get3A_68 = arith.constant 0 : index
    %get3A_69 = arith.constant 0 : index
    %get3A_70 = vector.load %arg15[%get3A_68, %get3A_69] : memref<1x128xf32, #tpu.memory_space<vmem>>, vector<1x128xf32>
    %add3A_71 = vector.broadcast %get3A_70 : vector<1x128xf32> to vector<640x128xf32>
    %add3A_72 = arith.addf %add3A_67, %add3A_71 : vector<640x128xf32>
    %max3A_73 = arith.constant 0.000000e+00 : f32
    %max3A_74 = vector.broadcast %max3A_73 : f32 to vector<640x128xf32>
    %max3A_75 = arith.maximumf %add3A_43, %max3A_74 : vector<640x128xf32>
    %add3A_76 = arith.addf %max3A_75, %get3A_1 : vector<640x128xf32>
    %max3A_77 = arith.constant 0.000000e+00 : f32
    %max3A_78 = vector.broadcast %max3A_77 : f32 to vector<640x128xf32>
    %max3A_79 = arith.maximumf %add3A_72, %max3A_78 : vector<640x128xf32>
    %add3A_80 = arith.addf %max3A_79, %get3A_4 : vector<640x128xf32>
    %get3A_81 = arith.constant 0 : index
    %get3A_82 = arith.constant 0 : index
    %get3A_83 = vector.load %arg16[%get3A_81, %get3A_82] : memref<128x128xf32, #tpu.memory_space<vmem>>, vector<128x128xf32>
    %dot_general3A_84 = arith.constant dense<0.000000e+00> : vector<640x128xf32>
    %dot_general3A_85 = tpu.matmul %add3A_76, %get3A_83, %dot_general3A_84 {dimension_numbers = #tpu.dot_dimension_numbers<[1], [0], [0], [1], [0, 0, 1, 1], [], []>, transpose_lhs_hint = false} : vector<640x128xf32>, vector<128x128xf32>, vector<640x128xf32> -> vector<640x128xf32>
    %get3A_86 = arith.constant 0 : index
    %get3A_87 = arith.constant 0 : index
    %get3A_88 = vector.load %arg17[%get3A_86, %get3A_87] : memref<128x128xf32, #tpu.memory_space<vmem>>, vector<128x128xf32>
    %dot_general3A_89 = arith.constant dense<0.000000e+00> : vector<640x128xf32>
    %dot_general3A_90 = tpu.matmul %add3A_80, %get3A_88, %dot_general3A_89 {dimension_numbers = #tpu.dot_dimension_numbers<[1], [0], [0], [1], [0, 0, 1, 1], [], []>, transpose_lhs_hint = false} : vector<640x128xf32>, vector<128x128xf32>, vector<640x128xf32> -> vector<640x128xf32>
    %add3A_91 = arith.addf %dot_general3A_85, %dot_general3A_90 : vector<640x128xf32>
    %get3A_92 = arith.constant 0 : index
    %get3A_93 = arith.constant 0 : index
    %get3A_94 = vector.load %arg18[%get3A_92, %get3A_93] : memref<1x128xf32, #tpu.memory_space<vmem>>, vector<1x128xf32>
    %add3A_95 = vector.broadcast %get3A_94 : vector<1x128xf32> to vector<640x128xf32>
    %add3A_96 = arith.addf %add3A_91, %add3A_95 : vector<640x128xf32>
    %max3A_97 = arith.constant 0.000000e+00 : f32
    %max3A_98 = vector.broadcast %max3A_97 : f32 to vector<640x128xf32>
    %max3A_99 = arith.maximumf %add3A_96, %max3A_98 : vector<640x128xf32>
    %get3A_100 = arith.constant 0 : index
    %get3A_101 = arith.constant 0 : index
    %get3A_102 = vector.load %arg19[%get3A_100, %get3A_101] : memref<128x8xf32, #tpu.memory_space<vmem>>, vector<128x8xf32>
    %dot_general3A_103 = arith.constant dense<0.000000e+00> : vector<640x8xf32>
    %dot_general3A_104 = tpu.matmul %max3A_99, %get3A_102, %dot_general3A_103 {dimension_numbers = #tpu.dot_dimension_numbers<[1], [0], [0], [1], [0, 0, 1, 1], [], []>, transpose_lhs_hint = false} : vector<640x128xf32>, vector<128x8xf32>, vector<640x8xf32> -> vector<640x8xf32>
    %get3A_105 = arith.constant 0 : index
    %get3A_106 = arith.constant 0 : index
    %get3A_107 = vector.load %arg20[%get3A_105, %get3A_106] : memref<1x8xf32, #tpu.memory_space<vmem>>, vector<1x8xf32>
    %add3A_108 = vector.broadcast %get3A_107 : vector<1x8xf32> to vector<640x8xf32>
    %add3A_109 = arith.addf %dot_general3A_104, %add3A_108 : vector<640x8xf32>
    %swap3A = arith.constant 0 : index
    %swap3A_110 = arith.constant 0 : index
    %swap3A_111 = vector.load %arg21[%swap3A, %swap3A_110] : memref<640x8xf32, #tpu.memory_space<vmem>>, vector<640x8xf32>
    tpu.vector_store %arg21[%swap3A, %swap3A_110], %add3A_109 {strides = array<i32>} : memref<640x8xf32, #tpu.memory_space<vmem>>, vector<640x8xf32>,
    return
  }
  func.func @transform_0(%arg0: i32) -> (i32, i32) {
    %c0_i32 = arith.constant 0 : i32
    %c0_i32_0 = arith.constant 0 : i32
    return %arg0, %c0_i32 : i32, i32
  }
  func.func @transform_1(%arg0: i32) -> (i32, i32) {
    %c0_i32 = arith.constant 0 : i32
    %c0_i32_0 = arith.constant 0 : i32
    return %arg0, %c0_i32 : i32, i32
  }
  func.func @transform_2(%arg0: i32) -> (i32, i32) {
    %c0_i32 = arith.constant 0 : i32
    %c0_i32_0 = arith.constant 0 : i32
    return %arg0, %c0_i32 : i32, i32
  }
  func.func @transform_3(%arg0: i32) -> (i32, i32) {
    %c0_i32 = arith.constant 0 : i32
    %c0_i32_0 = arith.constant 0 : i32
    return %arg0, %c0_i32 : i32, i32
  }
  func.func @transform_4(%arg0: i32) -> (i32, i32) {
    %c0_i32 = arith.constant 0 : i32
    %c0_i32_0 = arith.constant 0 : i32
    return %arg0, %c0_i32 : i32, i32
  }
  func.func @transform_5(%arg0: i32) -> (i32, i32) {
    %c0_i32 = arith.constant 0 : i32
    %c0_i32_0 = arith.constant 0 : i32
    %c0_i32_1 = arith.constant 0 : i32
    return %c0_i32, %c0_i32_0 : i32, i32
  }
  func.func @transform_6(%arg0: i32) -> (i32, i32) {
    %c0_i32 = arith.constant 0 : i32
    %c0_i32_0 = arith.constant 0 : i32
    %c0_i32_1 = arith.constant 0 : i32
    return %c0_i32, %c0_i32_0 : i32, i32
  }
  func.func @transform_7(%arg0: i32) -> (i32, i32) {
    %c0_i32 = arith.constant 0 : i32
    %c0_i32_0 = arith.constant 0 : i32
    %c0_i32_1 = arith.constant 0 : i32
    return %c0_i32, %c0_i32_0 : i32, i32
  }
  func.func @transform_8(%arg0: i32) -> (i32, i32) {
    %c0_i32 = arith.constant 0 : i32
    %c0_i32_0 = arith.constant 0 : i32
    %c0_i32_1 = arith.constant 0 : i32
    return %c0_i32, %c0_i32_0 : i32, i32
  }
  func.func @transform_9(%arg0: i32) -> (i32, i32) {
    %c0_i32 = arith.constant 0 : i32
    %c0_i32_0 = arith.constant 0 : i32
    %c0_i32_1 = arith.constant 0 : i32
    return %c0_i32, %c0_i32_0 : i32, i32
  }
  func.func @transform_10(%arg0: i32) -> (i32, i32) {
    %c0_i32 = arith.constant 0 : i32
    %c0_i32_0 = arith.constant 0 : i32
    %c0_i32_1 = arith.constant 0 : i32
    return %c0_i32, %c0_i32_0 : i32, i32
  }
  func.func @transform_11(%arg0: i32) -> (i32, i32) {
    %c0_i32 = arith.constant 0 : i32
    %c0_i32_0 = arith.constant 0 : i32
    %c0_i32_1 = arith.constant 0 : i32
    return %c0_i32, %c0_i32_0 : i32, i32
  }
  func.func @transform_12(%arg0: i32) -> (i32, i32) {
    %c0_i32 = arith.constant 0 : i32
    %c0_i32_0 = arith.constant 0 : i32
    %c0_i32_1 = arith.constant 0 : i32
    return %c0_i32, %c0_i32_0 : i32, i32
  }
  func.func @transform_13(%arg0: i32) -> (i32, i32) {
    %c0_i32 = arith.constant 0 : i32
    %c0_i32_0 = arith.constant 0 : i32
    %c0_i32_1 = arith.constant 0 : i32
    return %c0_i32, %c0_i32_0 : i32, i32
  }
  func.func @transform_14(%arg0: i32) -> (i32, i32) {
    %c0_i32 = arith.constant 0 : i32
    %c0_i32_0 = arith.constant 0 : i32
    %c0_i32_1 = arith.constant 0 : i32
    return %c0_i32, %c0_i32_0 : i32, i32
  }
  func.func @transform_15(%arg0: i32) -> (i32, i32) {
    %c0_i32 = arith.constant 0 : i32
    %c0_i32_0 = arith.constant 0 : i32
    %c0_i32_1 = arith.constant 0 : i32
    return %c0_i32, %c0_i32_0 : i32, i32
  }
  func.func @transform_16(%arg0: i32) -> (i32, i32) {
    %c0_i32 = arith.constant 0 : i32
    %c0_i32_0 = arith.constant 0 : i32
    %c0_i32_1 = arith.constant 0 : i32
    return %c0_i32, %c0_i32_0 : i32, i32
  }
  func.func @transform_17(%arg0: i32) -> (i32, i32) {
    %c0_i32 = arith.constant 0 : i32
    %c0_i32_0 = arith.constant 0 : i32
    %c0_i32_1 = arith.constant 0 : i32
    return %c0_i32, %c0_i32_0 : i32, i32
  }
  func.func @transform_18(%arg0: i32) -> (i32, i32) {
    %c0_i32 = arith.constant 0 : i32
    %c0_i32_0 = arith.constant 0 : i32
    %c0_i32_1 = arith.constant 0 : i32
    return %c0_i32, %c0_i32_0 : i32, i32
  }
  func.func @transform_19(%arg0: i32) -> (i32, i32) {
    %c0_i32 = arith.constant 0 : i32
    %c0_i32_0 = arith.constant 0 : i32
    %c0_i32_1 = arith.constant 0 : i32
    return %c0_i32, %c0_i32_0 : i32, i32
  }
  func.func @transform_20(%arg0: i32) -> (i32, i32) {
    %c0_i32 = arith.constant 0 : i32
    %c0_i32_0 = arith.constant 0 : i32
    return %arg0, %c0_i32 : i32, i32
  }
}

</mosaic_0001>

<sc_bundles>
// kernel: kernel.12.cloned.1.call-start
scs
__scs_entry_jumppad:
0x0: {  	(pc) =	sbr.rel $0x88, $3  }
0x1: {  	(tag) =	ssettag $0x0;
	lr =	simm.s32 $0x1  }
0x2: {  	[smem:$0x3F92] =	sst lr;
	_ =	strace $0xD0000000  }
0x3: {  	_ = 	snop  }
0x4: {  	_ = 	snop  }
0x5: {  	_ = 	snop  }
0x6: {  	_ = 	snop  }
0x7: {  	_ = 	snop  }
__scs_overlays_trampoline_lowered:
0x8: {  	[smem:$0x3FA1] =	sst s0  }
0x9: {  	[smem:$0x3FA2] =	sst s1  }
0xa: {  	[smem:$0x3FA3] =	sst s2  }
0xb: {  	[smem:$0x3FA4] =	sst s3  }
0xc: {  	[smem:$0x3FA5] =	sst s4  }
0xd: {  	[smem:$0x3FA6] =	sst s5  }
0xe: {  	[smem:$0x3FA7] =	sst s6  }
0xf: {  	[smem:$0x3FA8] =	sst s7  }
0x10: {  	[smem:$0x3FA9] =	sst s8  }
0x11: {  	[smem:$0x3FAA] =	sst s9;
	s0 =	simm.s32 @!p0 $0x0  }
0x12: {  	s1 =	sld [smem:$0x3F90];
	s0 =	simm.s32 @p0 $0x1  }
0x13: {  	[smem:$0x3FAB] =	sst s0;
	s0 =	simm.s32 @!p1 $0x0  }
0x14: {  	s2 =	sld [smem:$0x3F8F];
	s0 =	simm.s32 @p1 $0x1  }
0x15: {  	[smem:$0x3FAC] =	sst s0;
	s0 =	simm.s32 @!p2 $0x0  }
0x16: {  	s3 =	sld [smem:$0x3FDB];
	s0 =	simm.s32 @p2 $0x1  }
0x17: {  	s4 =	simm.s32 $0x1BF5;
	[smem:$0x3FAE] =	sst s0  }
0x18: {  	s0 =	sld [smem:$0x3F91];
	_ =	swait.ge [sflag:s4], $0x0  }
0x19: {  	s7 =	sld [smem:$0x3F92]  }
0x1a: {  	s8 =	sadd.s32 $0xFFFFE003, lr  }
0x1b: {  	s9 =	sadd.s32 $0xFFFFFEF7, lr;
	s5 =	simm.s32 $0xFFFFFFFF;
	p2 =	slt.u32 s8, $0xFFFFF086  }
0x1c: {  	p1 =	slt.u32 s9, $0xF7A;
	s5 =	simm.s32 @!p2 $0x0  }
0x1d: {  	s5 =	simm.s32 @p1 $0x1;
	p0 =	seq.s32 s7, s2  }
0x1e: {  	s7 =	smul.u32 @!p0 $0xF7A, s2;
	p2 =	seq.s32 @!p0 s5, $0x0  }
0x1f: {  	s9 =	smul.u32 $0xF7A, s1;
	s8 =	simm.s32 @!p0 $0x1BF5;
	p2 =	por !p2, p0  }
0x20: {  	[sflag:s8] =	ssyncset.s32 @!p0 $0xFFFFF086;
	s6 =	sadd.s32 @!p0 s3, s7;
	s7 =	simm.s32 @!p0 $0x108  }
0x21: {  	s3 =	sadd.s32 s3, s9;
	s6 =	sadd.s32 @!p0 $0x88, s6;
	s7 =	simm.s32 @p2 $0x1082  }
0x22: {  	[simem:s7], [sflag:s8] =	dma.local @!p0 [hbm:s6], $0xF7A  }
0x23: {  	s9 =	sor.u32 $0xD0000000, s2;
	s6 =	simm.s32 $0x108;
	_ =	swait.ge @!p0 [sflag:s8], $0x0  }
0x24: {  	s3 =	sadd.s32 $0x88, s3;
	s6 =	simm.s32 @!p1 $0x1082;
	[sflag:s4] =	ssyncset.s32 $0xFFFFF086  }
0x25: {  	[simem:s6], [sflag:s4] =	dma.local [hbm:s3], $0xF7A  }
0x26: {  	[smem:$0x3F92] =	sst s1;
	(tag) =	ssettag s2;
	_ =	strace s9  }
0x27: {  	s1 =	sld [smem:$0x3FA2]  }
0x28: {  	s2 =	sld [smem:$0x3FA3]  }
0x29: {  	s4 =	sld [smem:$0x3FA5]  }
0x2a: {  	p0 =	seq.s32 s5, $0x0;
	s5 =	sld [smem:$0x3FA6]  }
0x2b: {  	s6 =	sld [smem:$0x3FA7]  }
0x2c: {  	s7 =	sld [smem:$0x3FA8]  }
0x2d: {  	s3 =	simm.s32 $0x108;
	s8 =	sld [smem:$0x3FA9]  }
0x2e: {  	s3 =	simm.s32 @!p0 $0x1082;
	s9 =	sld [smem:$0x3FAA]  }
0x2f: {  	lr =	sadd.s32 s0, s3;
	s0 =	sld [smem:$0x3FA1]  }
0x30: {  	s3 =	sld [smem:$0x3FA4]  }
0x31: {  	[smem:$0x3FAD] =	sst s10  }
0x32: {  	s10 =	sld [smem:$0x3FAB];
	_ =	sdelay $0x3  }
0x33: {  	p0 =	seq.s32 s10, $0x1;
	s10 =	sld [smem:$0x3FAD];
	_ =	sdelay $0x3  }
0x34: {  	[smem:$0x3FAD] =	sst s10  }
0x35: {  	s10 =	sld [smem:$0x3FAC];
	_ =	sdelay $0x3  }
0x36: {  	p1 =	seq.s32 s10, $0x1;
	s10 =	sld [smem:$0x3FAD];
	_ =	sdelay $0x3  }
0x37: {  	[smem:$0x3FAD] =	sst s10  }
0x38: {  	s10 =	sld [smem:$0x3FAE]  }
0x39: {  	_ = 	snop;
	(pc) =	sbr.ind lr, $3  }
0x3a: {  	_ = 	snop  }
0x3b: {  	_ = 	snop  }
0x3c: {  	p2 =	seq.s32 s10, $0x1;
	s10 =	sld [smem:$0x3FAD]  }
0x3d: {  	_ =	shalt  }
0x3e: {  	_ =	shalt  }
0x3f: {  	_ =	shalt  }
0x40: {  	_ =	shalt  }
0x41: {  	_ =	shalt  }
0x42: {  	_ =	shalt  }
0x43: {  	_ =	shalt  }
0x44: {  	_ =	shalt  }
0x45: {  	_ =	shalt  }
0x46: {  	_ =	shalt  }
0x47: {  	_ =	shalt  }
0x48: {  	_ =	shalt  }
0x49: {  	_ =	shalt  }
0x4a: {  	_ =	shalt  }
0x4b: {  	_ =	shalt  }
0x4c: {  	_ =	shalt  }
0x4d: {  	_ =	shalt  }
0x4e: {  	_ =	shalt  }
0x4f: {  	_ =	shalt  }
0x50: {  	_ =	shalt  }
0x51: {  	_ =	shalt  }
0x52: {  	_ =	shalt  }
0x53: {  	_ =	shalt  }
0x54: {  	_ =	shalt  }
0x55: {  	_ =	shalt  }
0x56: {  	_ =	shalt  }
0x57: {  	_ =	shalt  }
0x58: {  	_ =	shalt  }
0x59: {  	_ =	shalt  }
0x5a: {  	_ =	shalt  }
0x5b: {  	_ =	shalt  }
0x5c: {  	_ =	shalt  }
0x5d: {  	_ =	shalt  }
0x5e: {  	_ =	shalt  }
0x5f: {  	_ =	shalt  }
0x60: {  	_ =	shalt  }
0x61: {  	_ =	shalt  }
0x62: {  	_ =	shalt  }
0x63: {  	_ =	shalt  }
0x64: {  	_ =	shalt  }
0x65: {  	_ =	shalt  }
0x66: {  	_ =	shalt  }
0x67: {  	_ =	shalt  }
0x68: {  	_ =	shalt  }
0x69: {  	_ =	shalt  }
0x6a: {  	_ =	shalt  }
0x6b: {  	_ =	shalt  }
0x6c: {  	_ =	shalt  }
0x6d: {  	_ =	shalt  }
0x6e: {  	_ =	shalt  }
0x6f: {  	_ =	shalt  }
0x70: {  	_ =	shalt  }
0x71: {  	_ =	shalt  }
0x72: {  	_ =	shalt  }
0x73: {  	_ =	shalt  }
0x74: {  	_ =	shalt  }
0x75: {  	_ =	shalt  }
0x76: {  	_ =	shalt  }
0x77: {  	_ =	shalt  }
0x78: {  	_ =	shalt  }
0x79: {  	_ =	shalt  }
0x7a: {  	_ =	shalt  }
0x7b: {  	_ =	shalt  }
0x7c: {  	_ =	shalt  }
0x7d: {  	_ =	shalt  }
0x7e: {  	_ =	shalt  }
0x7f: {  	_ =	shalt  }
0x80: {  	_ =	shalt  }
0x81: {  	_ =	shalt  }
0x82: {  	_ =	shalt  }
0x83: {  	_ =	shalt  }
0x84: {  	_ =	shalt  }
0x85: {  	_ =	shalt  }
0x86: {  	_ =	shalt  }
0x87: {  	_ =	shalt  }
.Lfunc_end0:
.L_simem_size_0:
called_computation.1_lowered:
.L_overlay_start_0:
0x88: {  	s2 =	sld [smem:$0x3FD9]  }
0x89: {  	s3 =	sld [smem:$0x3FFE];
	_ =	sdelay $0x1  }
0x8a: {  	s1 =	srdreg.scid  }
0x8b: {  	s0 =	sand.u32 $0x1, s1  }
0x8c: {  	s16 =	sshll.u32 s0, $0xA;
	s2 =	sadd.s32 s3, s2  }
0x8d: {  	s2 =	sadd.s32 s2, s16  }
0x8e: {  	[smem:$0x3FB9] =	sst s2  }
0x8f: {  	_ = 	snop  }
0x90: {  	(tm) =	ssettm $0x1  }
0x91: {  	s17 =	sld [smem:$0x3FFB];
	_ =	sdelay $0x3  }
0x92: {  	_ =	strace s17  }
0x93: {  	s2 =	sld [smem:$0x3FFC];
	_ =	sdelay $0x3  }
0x94: {  	_ =	strace s2  }
0x95: {  	s2 =	sld [smem:$0x3FFD];
	_ =	sdelay $0x3  }
0x96: {  	_ =	strace s2  }
0x97: {  	_ =	strace $0x8FFFFFFF  }
0x98: {  	s18 =	sld [smem:$0x3FDB];
	_ =	sdelay $0x1  }
0x99: {  	s19 =	simm.s32 $_scs_section_size  }
0x9a: {  	s4 =	simm.s32 $_size__tile_overlayer_lowered;
	s5 =	simm.s32 $_tile_overlayer_lowered  }
0x9b: {  	s22 =	simm.s32 $0x1BFF;
	s21 =	sshll.u32 s5, $0x1;
	s2 =	sadd.s32 s19, s18  }
0x9c: {  	s6 =	simm.s32 $0x0;
	s20 =	sshll.u32 s4, $0x1;
	s4 =	sadd.s32 s21, s2  }
0x9d: {  	[timem:s6], [sflag:s22] =	dma.local [hbm:s4], s20  }
0x9e: {  	_ =	swait.ge [sflag:s22], s20  }
0x9f: {  	s3 =	ssub.s32 $0x0, s20;
	[sflag:s22] =	ssyncset.done $0x0  }
0xa0: {  	[sflag:s22] =	ssyncadd.s32 s3;
	_ =	sdelay $0x1  }
0xa1: {  	s23 =	simm.s32 $0x1B8B  }
0xa2: {  	_ =	swait.ge [sflag:s23], $0x1  }
0xa3: {  	[sflag:s23] =	ssyncset.done $0x0  }
0xa4: {  	s25 =	simm.s32 $0x1B8E;
	s24 =	sld [smem:$0x3FFE];
	[sflag:s23] =	ssyncadd.s32 $0xFFFFFFFF  }
0xa5: {  	s26 =	simm.s32 $execute0_lowered;
	[smem:$0x3FD2] =	sst s25  }
0xa6: {  	s4 =	sshll.u32 s26, $0x1;
	_ =	strace $0x80000049;
	[dreg:$0x1] =	wrdreg $0xFFFFFFFF  }
0xa7: {  	s28 =	simm.s32 $_size_execute0_lowered;
	s2 =	sadd.s32 s2, s4;
	[dreg:$0x0] =	wrdreg $0x0  }
0xa8: {  	s4 =	sshll.u32 s28, $0x1;
	[dreg:$0x2] =	wrdreg s2  }
0xa9: {  	[dreg:$0x3] =	wrdreg s4  }
0xaa: {  	[dreg:$0x4] =	wrdreg $0xC0  }
0xab: {  	_ =	task [dreg:s6], $0x5FFFF  }
0xac: {  	[dreg:$0x1] =	wrdreg $0xFFFFFFFF  }
0xad: {  	[dreg:$0x0] =	wrdreg $0x60  }
0xae: {  	[dreg:$0x2] =	wrdreg s24  }
0xaf: {  	[dreg:$0x3] =	wrdreg $0x6A400  }
0xb0: {  	[dreg:$0x4] =	wrdreg $0x9  }
0xb1: {  	_ =	task.clear_ibuf [dreg:s6], $0x5FFFF;
	_ =	strace $0x90000049  }
0xb2: {  	s29 =	simm.s32 $0x9;
	_ =	strace $0x8000004B  }
0xb3: {  	_ =	swait.ge [sflag:s29], $0x1  }
0xb4: {  	[sflag:s29] =	ssyncadd.s32 $0xFFFFFFFF  }
0xb5: {  	_ =	strace $0x9000004B  }
0xb6: {  	_ =	sfence  }
0xb7: {  	s30 =	sld [smem:$0x0];
	_ =	sdelay $0x2  }
0xb8: {  	s31 =	sshll.u32 s1, $0xD;
	s1 =	sshrl.u32 s1, $0x2  }
0xb9: {  	s3 =	sand.u32 $0x4000, s31;
	s1 =	sadd.s32 s1, s30  }
0xba: {  	s0 =	sor.u32 s3, s0;
	s1 =	sshll.u32 s1, $0x11  }
0xbb: {  	s0 =	sor.u32 s1, s0  }
0xbc: {  	s0 =	sadd.s32 $0x8F2B, s0  }
0xbd: {  	[sflag:s0] =	ssyncadd.remote.s32 $0x1  }
0xbe: {  	_ =	sfence.sel $0xFFFF  }
0xbf: {  	[dreg:$0x0] =	wrdreg $0xFFFFFFFF;
	(pc) =	sbr.abs _section_cstart, $3  }
0xc0: {  	[dreg:$0x1] =	wrdreg $0xFFFFFFFF  }
0xc1: {  	_ =	task.clear_ibuf [dreg:s6], $0x2FFFF;
	_ =	strace $0x9FFFFFFF  }
0xc2: {  	(tm) =	ssettm $0x7FFFFFFF  }
0xc3: {  	_ =	shalt  }
tec
execute0_lowered:
.L_overlay_start_1:
0x0: {  	(tag) =	ssettag $0x1  }
0x1: {  	s0 =	rddreg [dreg:$0x0]  }
0x2: {  	s1 =	rddreg [dreg:$0x1];
	s2 =	simm.s32 $0x0;
	s19 =	stileid.u32  }
0x3: {  	s6 =	srdreg.scid;
	s29 =	simm.s32 $0x320;
	s30 =	simm.s32 $0x7  }
0x4: {  	s31 =	simm.s32 $0x190;
	[smem:$0x7FF] =	sst s2;
	s4 =	sadd.s32 $0x38000, s0  }
0x5: {  	s3 =	sadd.s32 $0x6A000, s0;
	s5 =	sadd.s32 $0x1F800, s0;
	s7 =	sadd.s32 $0x7000, s0  }
0x6: {  	s8 =	smul.u32 $0xC38, s19;
	s9 =	sadd.s32 $0x9C000, s0;
	s10 =	sand.u32 $0x1, s6  }
0x7: {  	p0 =	seq.s32 s19, $0xF;
	s11 =	smul.u32 $0xC350, s19;
	s20 =	sadd.s32 $0xCE000, s0  }
0x8: {  	s23 =	smul.u32 $0x186A, s19;
	s24 =	sadd.s32 $0xFED40, s0;
	s25 =	sadd.s32 $0xFF380, s0  }
0x9: {  	s26 =	sadd.s32 $0xCCD40, s0;
	_ =	strace $0x8000004A;
	[dreg:$0xb] =	wrdreg s24  }
0xa: {  	s0 =	sadd.s32 $0xCD380, s0;
	p1 =	sne.s32 s19, $0x0;
	[dreg:$0xc] =	wrdreg s25  }
0xb: {  	s19 =	simm.s32 $0x3520;
	s6 =	ssub.s32 $0x2, s10;
	[dreg:$0xd] =	wrdreg s26  }
0xc: {  	[dreg:$0xe] =	wrdreg s0;
	s0 =	simm.s32 $0x1;
	s24 =	simm.s32 $0x4  }
0xd: {  	s8 =	simm.s32 @p0 $0xB718;
	s12 =	sshrl.u32 s6, $0x1;
	s11 =	sshrl.u32 s11, $0x3  }
0xe: {  	p0 =	seq.s32 s10, $0x0;
	s13 =	sshll.u32 s8, $0x5;
	s12 =	ssub.s32 s6, s12  }
0xf: {  	s14 =	sadd.s32 s5, s11;
	s15 =	sadd.s32 $0x32, s11;
	s8 =	sshll.u32 s8, $0x2  }
0x10: {  	s22 =	sadd.s32 $0x1838, s11;
	s3 =	smov.u32 @p0 s4;
	s20 =	smov.u32 @p0 s9  }
0x11: {  	s4 =	simm.s32 $0x3;
	s9 =	simm.s32 $0x0;
	[dreg:$0x5] =	wrdreg s14  }
0x12: {  	s6 =	sadd.s32 s13, s1;
	s14 =	sadd.s32 s7, s11;
	[dreg:$0x3] =	wrdreg s20  }
0x13: {  	s16 =	sadd.s32 s5, s15;
	s17 =	sadd.s32 s7, s15;
	[dreg:$0x6] =	wrdreg s14  }
0x14: {  	s18 =	smax.u32 s12, $0x1;
	s25 =	sadd.s32 s20, s8;
	[dreg:$0x7] =	wrdreg s16  }
0x15: {  	s20 =	simm.s32 $0x36B0;
	s8 =	simm.s32 $0x6;
	[dreg:$0x8] =	wrdreg s17  }
0x16: {  	s13 =	sadd.s32 $0x15E00, s6;
	[dreg:$0x9] =	wrdreg s18;
	s21 =	sadd.s32 $0x3200, s6  }
.Ltmp0:
0x17: {  	s14 =	sadd.s32 $0x6400, s6;
	s15 =	sadd.s32 $0x9600, s6;
	(pc) =	sbr.rel .LBB2_1-.Ltmp0, $4  }
0x18: {  	s16 =	sadd.s32 $0xC800, s6;
	s17 =	sadd.s32 s5, s22;
	s18 =	sadd.s32 s7, s22  }
0x19: {  	s22 =	sadd.s32 s23, s5;
	s26 =	sadd.s32 $0xFA00, s6;
	[dreg:$0x4] =	wrdreg s13  }
0x1a: {  	s28 =	sadd.s32 $0x12C00, s6;
	s5 =	simm.s32 $0x3840;
	[dreg:$0xa] =	wrdreg s21  }
0x1b: {  	v0 =	vimm.f32 $0.0e+00;
	s21 =	sadd.s32 s23, s7;
	s23 =	simm.s32 $0x2;
	s7 =	simm.s32 $0x5  }
.LBB2_8:
0x1c: {  	[tilespmem:s11+$0x320] =	vst v0  }
0x1d: {  	[tilespmem:s11+$0x330] =	vst v0;
	s10 =	simm.s32 @p0 $0x0;
	s11 =	simm.s32 @p0 $0x320;
	s12 =	rddreg [dreg:$0xd]  }
0x1e: {  	[hbm4b:s12+s10] =	stream.linear.scatter @p0 [tilespmem:s11], [sflag:$0x8], $0x3200, $0x38;
	[tilespmem:$0x1F0E0] =	vst v63  }
0x1f: {  	s12 =	simm.s32 @p0 $0x8  }
0x20: {  	_ =	swait.ge @p0 [sflag:s12], $0x3200  }
0x21: {  	[sflag:s12] =	ssyncset.done @p0 $0x0  }
0x22: {  	s13 =	rddreg [dreg:$0xe];
	[sflag:s12] =	ssyncadd.s32 @p0 $0xFFFFCE00  }
0x23: {  	[hbm4b:s13+s10] =	stream.linear.scatter @p0 [tilespmem:s11], [sflag:$0x8], $0x3200, $0x38;
	[tilespmem:$0x1F0E0] =	vst v63  }
0x24: {  	_ =	swait.ge @p0 [sflag:s12], $0x3200  }
0x25: {  	s10 =	simm.s32 @!p0 $0x0;
	[sflag:s12] =	ssyncset.done @p0 $0x0  }
0x26: {  	s11 =	simm.s32 @!p0 $0x320;
	[sflag:s12] =	ssyncadd.s32 @p0 $0xFFFFCE00;
	s12 =	rddreg [dreg:$0xb]  }
0x27: {  	[hbm4b:s12+s10] =	stream.linear.scatter @!p0 [tilespmem:s11], [sflag:$0x7], $0x3200, $0x38;
	[tilespmem:$0x1F0E0] =	vst v63  }
0x28: {  	s12 =	simm.s32 @!p0 $0x7  }
0x29: {  	_ =	swait.ge @!p0 [sflag:s12], $0x3200  }
0x2a: {  	[sflag:s12] =	ssyncset.done @!p0 $0x0  }
0x2b: {  	s13 =	rddreg [dreg:$0xc];
	[sflag:s12] =	ssyncadd.s32 @!p0 $0xFFFFCE00  }
0x2c: {  	[hbm4b:s13+s10] =	stream.linear.scatter @!p0 [tilespmem:s11], [sflag:$0x7], $0x3200, $0x38;
	[tilespmem:$0x1F0E0] =	vst v63  }
0x2d: {  	_ =	swait.ge @!p0 [sflag:s12], $0x3200  }
0x2e: {  	[sflag:s12] =	ssyncset.done @!p0 $0x0;
	s13 =	rddreg [dreg:$0x3]  }
0x2f: {  	[sflag:s12] =	ssyncadd.s32 @!p0 $0xFFFFCE00;
	s12 =	simm.s32 @p0 $0x8;
	s10 =	sadd.s32 $0x319C0, s13  }
0x30: {  	[hbm4b:s10+s2] =	stream.linear.scatter [tilespmem:s29], [sflag:s12], $0x3200, $0x38;
	[tilespmem:$0x1F0E0] =	vst v63  }
0x31: {  	_ =	swait.ge [sflag:s12], $0x3200  }
0x32: {  	[sflag:s12] =	ssyncset.done $0x0  }
0x33: {  	[sflag:s12] =	ssyncadd.s32 $0xFFFFCE00  }
.LBB2_9:
0x34: {  	s9 =	sadd.s32 $0x1, s9;
	s10 =	rddreg [dreg:$0x9]  }
0x35: {  	p2 =	sne.s32 s9, s10  }
.Ltmp1:
0x36: {  	_ = 	snop;
	(pc) =	sbr.rel @!p2 .LBB2_10-.Ltmp1, $1  }
0x37: {  	_ =	sdelay $0x3  }
.LBB2_1:
0x38: {  	s10 =	simm.s32 $0x80;
	s11 =	simm.s32 $0x0  }
.LBB2_2:
0x39: {  	p2 =	sne.s32 s10, $0xC780;
	[tilespmem:s11+$0x320] =	vst v0;
	s12 =	smov.u32 s10;
	s10 =	sadd.s32 $0x80, s10  }
.Ltmp2:
0x3a: {  	[tilespmem:s11+$0x330] =	vst v0;
	(pc) =	sbr.rel @p2 .LBB2_2-.Ltmp2, $2  }
0x3b: {  	_ =	sdelay $0x2  }
0x3c: {  	s11 =	sshra.s32 s12, $0x2  }
0x3d: {  	[tilespmem:s11+$0x320] =	vst v0  }
0x3e: {  	[tilespmem:s11+$0x330] =	vst v0  }
0x3f: {  	[spmem:s6] =	stream.linear.scatter [tilespmem:s29], [sflag:$0x7], $0x3200, $0x38;
	[tilespmem:$0x1F0E0] =	vst v63  }
0x40: {  	_ =	swait.ge [sflag:s30], $0x3200  }
0x41: {  	[sflag:s30] =	ssyncset.done $0x0  }
0x42: {  	s10 =	rddreg [dreg:$0xa];
	[sflag:s30] =	ssyncadd.s32 $0xFFFFCE00  }
0x43: {  	[spmem:s10] =	stream.linear.scatter [tilespmem:s29], [sflag:$0x7], $0x3200, $0x38;
	[tilespmem:$0x1F0E0] =	vst v63  }
0x44: {  	_ =	swait.ge [sflag:s30], $0x3200  }
0x45: {  	[sflag:s30] =	ssyncset.done $0x0  }
0x46: {  	[sflag:s30] =	ssyncadd.s32 $0xFFFFCE00  }
0x47: {  	[spmem:s14] =	stream.linear.scatter [tilespmem:s29], [sflag:$0x7], $0x3200, $0x38;
	[tilespmem:$0x1F0E0] =	vst v63  }
0x48: {  	_ =	swait.ge [sflag:s30], $0x3200  }
0x49: {  	[sflag:s30] =	ssyncset.done $0x0  }
0x4a: {  	[sflag:s30] =	ssyncadd.s32 $0xFFFFCE00  }
0x4b: {  	[spmem:s15] =	stream.linear.scatter [tilespmem:s29], [sflag:$0x7], $0x3200, $0x38;
	[tilespmem:$0x1F0E0] =	vst v63  }
0x4c: {  	_ =	swait.ge [sflag:s30], $0x3200  }
0x4d: {  	[sflag:s30] =	ssyncset.done $0x0  }
0x4e: {  	[sflag:s30] =	ssyncadd.s32 $0xFFFFCE00  }
0x4f: {  	[spmem:s16] =	stream.linear.scatter [tilespmem:s29], [sflag:$0x7], $0x3200, $0x38;
	[tilespmem:$0x1F0E0] =	vst v63  }
0x50: {  	_ =	swait.ge [sflag:s30], $0x3200  }
0x51: {  	[sflag:s30] =	ssyncset.done $0x0  }
0x52: {  	[sflag:s30] =	ssyncadd.s32 $0xFFFFCE00  }
0x53: {  	[spmem:s26] =	stream.linear.scatter [tilespmem:s29], [sflag:$0x7], $0x3200, $0x38;
	[tilespmem:$0x1F0E0] =	vst v63  }
0x54: {  	_ =	swait.ge [sflag:s30], $0x3200  }
0x55: {  	[sflag:s30] =	ssyncset.done $0x0  }
0x56: {  	[sflag:s30] =	ssyncadd.s32 $0xFFFFCE00  }
0x57: {  	[spmem:s28] =	stream.linear.scatter [tilespmem:s29], [sflag:$0x7], $0x3200, $0x38;
	[tilespmem:$0x1F0E0] =	vst v63  }
0x58: {  	_ =	swait.ge [sflag:s30], $0x3200  }
0x59: {  	[sflag:s30] =	ssyncset.done $0x0  }
0x5a: {  	s11 =	rddreg [dreg:$0x4];
	[sflag:s30] =	ssyncadd.s32 $0xFFFFCE00  }
0x5b: {  	[spmem:s11] =	stream.linear.scatter [tilespmem:s29], [sflag:$0x7], $0x2900, $0x38;
	[tilespmem:$0x1F0E0] =	vst v63  }
0x5c: {  	_ =	swait.ge [sflag:s30], $0x2900  }
0x5d: {  	[sflag:s30] =	ssyncset.done $0x0  }
0x5e: {  	[sflag:s30] =	ssyncadd.s32 $0xFFFFD700  }
0x5f: {  	[bflag:$0x0] =	sbarrier.arrive $0xFFFF  }
0x60: {  	s12 =	rddreg [dreg:$0x5]  }
0x61: {  	[tilespmem:s2], [sflag:$0x1] =	stream.linear.gather [hbm4b:s12+s2], $0x190, $0x38;
	[tilespmem:$0x1F0E0] =	vst v63  }
0x62: {  	s13 =	rddreg [dreg:$0x6]  }
0x63: {  	[tilespmem:s31], [sflag:$0x1] =	stream.linear.gather [hbm4b:s13+s2], $0x190, $0x38;
	[tilespmem:$0x1F0E0] =	vst v63  }
0x64: {  	_ =	swait.ge [sflag:s0], $0x190  }
0x65: {  	[sflag:s0] =	ssyncset.done $0x0  }
0x66: {  	[sflag:s0] =	ssyncadd.s32 $0xFFFFFE70  }
0x67: {  	_ =	swait.ge [sflag:s0], $0x190  }
0x68: {  	[sflag:s0] =	ssyncset.done $0x0  }
0x69: {  	[sflag:s0] =	ssyncadd.s32 $0xFFFFFE70  }
0x6a: {  	[tilespmem:s29], [sflag:$0x2] =	stream.indirect.gather [hbm4b:s3+s31], $0x20, s2, s31, $0xb8;
	[tilespmem:$0x1F0E0] =	vst v63  }
0x6b: {  	s11 =	rddreg [dreg:$0x7]  }
0x6c: {  	[tilespmem:s19], [sflag:$0x4] =	stream.linear.gather [hbm4b:s11+s2], $0x190, $0x38;
	[tilespmem:$0x1F0E0] =	vst v63  }
0x6d: {  	s12 =	rddreg [dreg:$0x8]  }
0x6e: {  	[tilespmem:s20], [sflag:$0x4] =	stream.linear.gather [hbm4b:s12+s2], $0x190, $0x38;
	[tilespmem:$0x1F0E0] =	vst v63  }
0x6f: {  	_ =	swait.ge [sflag:s23], $0x3200  }
0x70: {  	[sflag:s23] =	ssyncset.done $0x0  }
0x71: {  	[sflag:s23] =	ssyncadd.s32 $0xFFFFCE00  }
0x72: {  	[spmem:s1] =	stream.indirect.scatter.add.f32 [tilespmem:s29], [sflag:$0x3], $0x20, s31, s31, $0xb8;
	[tilespmem:$0x1F0E0] =	vst v63  }
0x73: {  	_ =	swait.ge [sflag:s24], $0x190  }
0x74: {  	[sflag:s24] =	ssyncset.done $0x0  }
0x75: {  	[sflag:s24] =	ssyncadd.s32 $0xFFFFFE70  }
0x76: {  	_ =	swait.ge [sflag:s24], $0x190  }
0x77: {  	[sflag:s24] =	ssyncset.done $0x0  }
0x78: {  	[sflag:s24] =	ssyncadd.s32 $0xFFFFFE70  }
0x79: {  	[tilespmem:s5], [sflag:$0x5] =	stream.indirect.gather [hbm4b:s3+s31], $0x20, s19, s31, $0xb8;
	[tilespmem:$0x1F0E0] =	vst v63  }
0x7a: {  	_ =	swait.ge [sflag:s4], $0x3200  }
0x7b: {  	s10 =	sadd.s32 $0xFFFFE82C, s22;
	[sflag:s4] =	ssyncset.done $0x0  }
0x7c: {  	s13 =	sadd.s32 $0x1838, s10;
	s12 =	sadd.s32 $0xFFFFE82C, s21;
	[sflag:s4] =	ssyncadd.s32 $0xFFFFCE00  }
0x7d: {  	[tilespmem:s2], [sflag:$0x1] =	stream.linear.gather [hbm4b:s13+s2], $0x190, $0x38;
	[tilespmem:$0x1F0E0] =	vst v63  }
0x7e: {  	s13 =	sadd.s32 $0x1838, s12  }
0x7f: {  	[tilespmem:s31], [sflag:$0x1] =	stream.linear.gather [hbm4b:s13+s2], $0x190, $0x38;
	[tilespmem:$0x1F0E0] =	vst v63  }
0x80: {  	_ =	swait.ge [sflag:s7], $0x3200  }
0x81: {  	[sflag:s7] =	ssyncset.done $0x0  }
0x82: {  	[sflag:s7] =	ssyncadd.s32 $0xFFFFCE00  }
0x83: {  	[spmem:s1] =	stream.indirect.scatter.add.f32 [tilespmem:s5], [sflag:$0x6], $0x20, s20, s31, $0xb8;
	[tilespmem:$0x1F0E0] =	vst v63  }
0x84: {  	_ =	swait.ge [sflag:s0], $0x190  }
0x85: {  	[sflag:s0] =	ssyncset.done $0x0  }
0x86: {  	[sflag:s0] =	ssyncadd.s32 $0xFFFFFE70  }
0x87: {  	_ =	swait.ge [sflag:s0], $0x190  }
0x88: {  	[sflag:s0] =	ssyncset.done $0x0  }
0x89: {  	[sflag:s0] =	ssyncadd.s32 $0xFFFFFE70  }
0x8a: {  	[tilespmem:s29], [sflag:$0x2] =	stream.indirect.gather [hbm4b:s3+s31], $0x20, s2, s31, $0xb8;
	[tilespmem:$0x1F0E0] =	vst v63  }
0x8b: {  	_ =	swait.ge [sflag:s8], $0x3200  }
0x8c: {  	[sflag:s8] =	ssyncset.done $0x0  }
0x8d: {  	s10 =	sadd.s32 $0x186A, s10;
	[sflag:s8] =	ssyncadd.s32 $0xFFFFCE00  }
0x8e: {  	[tilespmem:s19], [sflag:$0x4] =	stream.linear.gather [hbm4b:s10+s2], $0x190, $0x38;
	[tilespmem:$0x1F0E0] =	vst v63  }
0x8f: {  	s13 =	sadd.s32 $0x186A, s12  }
0x90: {  	[tilespmem:s20], [sflag:$0x4] =	stream.linear.gather [hbm4b:s13+s2], $0x190, $0x38;
	[tilespmem:$0x1F0E0] =	vst v63  }
0x91: {  	_ =	swait.ge [sflag:s23], $0x3200  }
0x92: {  	[sflag:s23] =	ssyncset.done $0x0  }
0x93: {  	s10 =	simm.s32 $0xFFFFE890;
	[sflag:s23] =	ssyncadd.s32 $0xFFFFCE00  }
.LBB2_4:
0x94: {  	[spmem:s1] =	stream.indirect.scatter.add.f32 [tilespmem:s29], [sflag:$0x3], $0x20, s31, s31, $0xb8;
	[tilespmem:$0x1F0E0] =	vst v63  }
0x95: {  	s11 =	smov.u32 s10  }
0x96: {  	p2 =	sne.s32 s10, $0xFFFFFF9C;
	s10 =	sadd.s32 $0x64, s10;
	_ =	swait.ge [sflag:s24], $0x190  }
0x97: {  	[sflag:s24] =	ssyncset.done $0x0  }
0x98: {  	[sflag:s24] =	ssyncadd.s32 $0xFFFFFE70  }
0x99: {  	_ =	swait.ge [sflag:s24], $0x190  }
0x9a: {  	[sflag:s24] =	ssyncset.done $0x0  }
0x9b: {  	[sflag:s24] =	ssyncadd.s32 $0xFFFFFE70  }
0x9c: {  	[tilespmem:s5], [sflag:$0x5] =	stream.indirect.gather [hbm4b:s3+s31], $0x20, s19, s31, $0xb8;
	[tilespmem:$0x1F0E0] =	vst v63  }
0x9d: {  	_ =	swait.ge [sflag:s4], $0x3200  }
0x9e: {  	s12 =	sadd.s32 s11, s22;
	[sflag:s4] =	ssyncset.done $0x0  }
0x9f: {  	s11 =	sadd.s32 s11, s21;
	s13 =	sadd.s32 $0x1838, s12;
	[sflag:s4] =	ssyncadd.s32 $0xFFFFCE00  }
0xa0: {  	[tilespmem:s2], [sflag:$0x1] =	stream.linear.gather [hbm4b:s13+s2], $0x190, $0x38;
	[tilespmem:$0x1F0E0] =	vst v63  }
0xa1: {  	s13 =	sadd.s32 $0x1838, s11  }
0xa2: {  	[tilespmem:s31], [sflag:$0x1] =	stream.linear.gather [hbm4b:s13+s2], $0x190, $0x38;
	[tilespmem:$0x1F0E0] =	vst v63  }
0xa3: {  	_ =	swait.ge [sflag:s7], $0x3200  }
0xa4: {  	[sflag:s7] =	ssyncset.done $0x0  }
0xa5: {  	[sflag:s7] =	ssyncadd.s32 $0xFFFFCE00  }
0xa6: {  	[spmem:s1] =	stream.indirect.scatter.add.f32 [tilespmem:s5], [sflag:$0x6], $0x20, s20, s31, $0xb8;
	[tilespmem:$0x1F0E0] =	vst v63  }
0xa7: {  	_ =	swait.ge [sflag:s0], $0x190  }
0xa8: {  	[sflag:s0] =	ssyncset.done $0x0  }
0xa9: {  	[sflag:s0] =	ssyncadd.s32 $0xFFFFFE70  }
0xaa: {  	_ =	swait.ge [sflag:s0], $0x190  }
0xab: {  	[sflag:s0] =	ssyncset.done $0x0  }
0xac: {  	[sflag:s0] =	ssyncadd.s32 $0xFFFFFE70  }
0xad: {  	[tilespmem:s29], [sflag:$0x2] =	stream.indirect.gather [hbm4b:s3+s31], $0x20, s2, s31, $0xb8;
	[tilespmem:$0x1F0E0] =	vst v63  }
0xae: {  	_ =	swait.ge [sflag:s8], $0x3200  }
0xaf: {  	[sflag:s8] =	ssyncset.done $0x0  }
0xb0: {  	s12 =	sadd.s32 $0x186A, s12;
	[sflag:s8] =	ssyncadd.s32 $0xFFFFCE00  }
0xb1: {  	[tilespmem:s19], [sflag:$0x4] =	stream.linear.gather [hbm4b:s12+s2], $0x190, $0x38;
	[tilespmem:$0x1F0E0] =	vst v63  }
.Ltmp3:
0xb2: {  	s11 =	sadd.s32 $0x186A, s11;
	(pc) =	sbr.rel @p2 .LBB2_4-.Ltmp3, $4  }
0xb3: {  	[tilespmem:s20], [sflag:$0x4] =	stream.linear.gather [hbm4b:s11+s2], $0x190, $0x38;
	[tilespmem:$0x1F0E0] =	vst v63  }
0xb4: {  	_ =	swait.ge [sflag:s23], $0x3200  }
0xb5: {  	[sflag:s23] =	ssyncset.done $0x0  }
0xb6: {  	[sflag:s23] =	ssyncadd.s32 $0xFFFFCE00  }
0xb7: {  	[spmem:s1] =	stream.indirect.scatter.add.f32 [tilespmem:s29], [sflag:$0x3], $0x20, s31, s31, $0xb8;
	[tilespmem:$0x1F0E0] =	vst v63  }
0xb8: {  	_ =	swait.ge [sflag:s24], $0x190  }
0xb9: {  	[sflag:s24] =	ssyncset.done $0x0  }
0xba: {  	[sflag:s24] =	ssyncadd.s32 $0xFFFFFE70  }
0xbb: {  	_ =	swait.ge [sflag:s24], $0x190  }
0xbc: {  	[sflag:s24] =	ssyncset.done $0x0  }
0xbd: {  	[sflag:s24] =	ssyncadd.s32 $0xFFFFFE70  }
0xbe: {  	[tilespmem:s5], [sflag:$0x5] =	stream.indirect.gather [hbm4b:s3+s31], $0x20, s19, s31, $0xb8;
	[tilespmem:$0x1F0E0] =	vst v63  }
0xbf: {  	_ =	swait.ge [sflag:s4], $0x3200  }
0xc0: {  	[sflag:s4] =	ssyncset.done $0x0  }
0xc1: {  	s10 =	simm.s32 $0x0;
	[sflag:s4] =	ssyncadd.s32 $0xFFFFCE00  }
0xc2: {  	[tilespmem:s10], [sflag:$0x1] =	stream.linear.gather [hbm4b:s17+s10], $0x190, $0x38;
	[tilespmem:$0x1F0E0] =	vst v63  }
0xc3: {  	_ = 	snop  }
0xc4: {  	[tilespmem:s31], [sflag:$0x1] =	stream.linear.gather [hbm4b:s18+s10], $0x190, $0x38;
	[tilespmem:$0x1F0E0] =	vst v63  }
0xc5: {  	_ =	swait.ge [sflag:s7], $0x3200  }
0xc6: {  	[sflag:s7] =	ssyncset.done $0x0  }
0xc7: {  	[sflag:s7] =	ssyncadd.s32 $0xFFFFCE00  }
0xc8: {  	[spmem:s1] =	stream.indirect.scatter.add.f32 [tilespmem:s5], [sflag:$0x6], $0x20, s20, s31, $0xb8;
	[tilespmem:$0x1F0E0] =	vst v63  }
0xc9: {  	_ =	swait.ge [sflag:s0], $0x190  }
0xca: {  	[sflag:s0] =	ssyncset.done $0x0  }
0xcb: {  	[sflag:s0] =	ssyncadd.s32 $0xFFFFFE70  }
0xcc: {  	_ =	swait.ge [sflag:s0], $0x190  }
0xcd: {  	[sflag:s0] =	ssyncset.done $0x0  }
0xce: {  	[sflag:s0] =	ssyncadd.s32 $0xFFFFFE70  }
0xcf: {  	[tilespmem:s29], [sflag:$0x2] =	stream.indirect.gather [hbm4b:s3+s31], $0x20, s10, s31, $0xb8;
	[tilespmem:$0x1F0E0] =	vst v63  }
0xd0: {  	_ =	swait.ge [sflag:s8], $0x3200  }
0xd1: {  	[sflag:s8] =	ssyncset.done $0x0  }
0xd2: {  	[sflag:s8] =	ssyncadd.s32 $0xFFFFCE00  }
0xd3: {  	_ =	swait.ge [sflag:s23], $0x3200  }
0xd4: {  	[sflag:s23] =	ssyncset.done $0x0  }
0xd5: {  	[sflag:s23] =	ssyncadd.s32 $0xFFFFCE00  }
0xd6: {  	[spmem:s1] =	stream.indirect.scatter.add.f32 [tilespmem:s29], [sflag:$0x3], $0x20, s31, s31, $0xb8;
	[tilespmem:$0x1F0E0] =	vst v63  }
0xd7: {  	_ =	swait.ge [sflag:s4], $0x3200  }
0xd8: {  	s13 =	stileid.u32;
	[sflag:s4] =	ssyncset.done $0x0  }
0xd9: {  	s11 =	sshrl.u32 s6, $0x3;
	s10 =	sshll.u32 s13, $0x6;
	[sflag:s4] =	ssyncadd.s32 $0xFFFFCE00  }
.Ltmp4:
0xda: {  	s10 =	sor.u32 $0x1C07, s10;
	[bflag:$0x0] =	sbarrier.arrive $0xFFFF;
	(pc) =	sbr.rel @p1 .LBB2_9-.Ltmp4, $4  }
0xdb: {  	[hbm:s25], [sflag:s10] =	dma.local [spmem:s11], $0x30E0  }
0xdc: {  	_ =	swait.ge [sflag:s30], $0x30E0  }
0xdd: {  	[sflag:s30] =	ssyncset.done $0x0  }
0xde: {  	[sflag:s30] =	ssyncadd.s32 $0xFFFFCF20  }
0xdf: {  	s10 =	simm.s32 $0x80;
	s11 =	simm.s32 $0x0  }
.LBB2_7:
0xe0: {  	p2 =	sne.s32 s10, $0xC780;
	[tilespmem:s11+$0x320] =	vst v0;
	s12 =	smov.u32 s10;
	s10 =	sadd.s32 $0x80, s10  }
.Ltmp5:
0xe1: {  	[tilespmem:s11+$0x330] =	vst v0;
	(pc) =	sbr.rel @p2 .LBB2_7-.Ltmp5, $2  }
0xe2: {  	_ =	sdelay $0x2  }
0xe3: {  	s11 =	sshra.s32 s12, $0x2  }
.Ltmp6:
0xe4: {  	_ = 	snop;
	(pc) =	sbr.rel .LBB2_8-.Ltmp6, $1  }
0xe5: {  	_ =	sdelay $0x3  }
.LBB2_10:
0xe6: {  	_ =	sfence.sel $0x180000  }
0xe7: {  	[bflag:$0x0] =	sbarrier.arrive $0xFFFF  }
0xe8: {  	_ =	strace $0x9000004A  }
0xe9: {  	[bflag:$0x2] =	sbarrier.arrive $0xFFFF  }
0xea: {  	s0 =	rddreg [dreg:$0x2]  }
0xeb: {  	s0 =	sadd.s32 @!p1 $0x100000, s0  }
0xec: {  	[sflag:s0] =	ssyncadd.tile.s32 @!p1 $0x1;
	_ =	shalt  }
.Lfunc_end2:
_tile_overlayer_lowered:
.L_overlay_start_2:
0xed: {  	(tag) =	ssettag $0x2  }
0xee: {  	s0 =	rddreg [dreg:$0x0];
	s2 =	stileid.u32  }
0xef: {  	s1 =	rddreg [dreg:$0x1];
	p0 =	sne.s32 s2, $0x0  }
0xf0: {  	s3 =	rddreg [dreg:$0x2];
	[bflag:$0x3] =	sbarrier.arrive $0xFFFF;
	s2 =	simm.s32 @!p0 $0x1C07  }
0xf1: {  	[timem:s3], [sflag:s2] =	dma.local @!p0 [hbm:s0], s1  }
0xf2: {  	s0 =	simm.s32 @!p0 $0x7  }
0xf3: {  	_ =	swait.ge @!p0 [sflag:s0], s1  }
0xf4: {  	s1 =	ssub.s32 @!p0 $0x0, s1;
	[sflag:s0] =	ssyncset.done @!p0 $0x0  }
0xf5: {  	[sflag:s0] =	ssyncadd.s32 @!p0 s1  }
0xf6: {  	[bflag:$0x3] =	sbarrier.arrive $0xFFFF  }
0xf7: {  	_ =	shalt  }

// kernel: kernel.15.cloned.1.call-start
scs
__scs_entry_jumppad:
0x0: {  	(pc) =	sbr.rel $0x88, $3  }
0x1: {  	(tag) =	ssettag $0x0;
	lr =	simm.s32 $0x1  }
0x2: {  	[smem:$0x3F92] =	sst lr;
	_ =	strace $0xD0000000  }
0x3: {  	_ = 	snop  }
0x4: {  	_ = 	snop  }
0x5: {  	_ = 	snop  }
0x6: {  	_ = 	snop  }
0x7: {  	_ = 	snop  }
__scs_overlays_trampoline_lowered:
0x8: {  	[smem:$0x3FA1] =	sst s0  }
0x9: {  	[smem:$0x3FA2] =	sst s1  }
0xa: {  	[smem:$0x3FA3] =	sst s2  }
0xb: {  	[smem:$0x3FA4] =	sst s3  }
0xc: {  	[smem:$0x3FA5] =	sst s4  }
0xd: {  	[smem:$0x3FA6] =	sst s5  }
0xe: {  	[smem:$0x3FA7] =	sst s6  }
0xf: {  	[smem:$0x3FA8] =	sst s7  }
0x10: {  	[smem:$0x3FA9] =	sst s8  }
0x11: {  	[smem:$0x3FAA] =	sst s9;
	s0 =	simm.s32 @!p0 $0x0  }
0x12: {  	s1 =	sld [smem:$0x3F90];
	s0 =	simm.s32 @p0 $0x1  }
0x13: {  	[smem:$0x3FAB] =	sst s0;
	s0 =	simm.s32 @!p1 $0x0  }
0x14: {  	s2 =	sld [smem:$0x3F8F];
	s0 =	simm.s32 @p1 $0x1  }
0x15: {  	[smem:$0x3FAC] =	sst s0;
	s0 =	simm.s32 @!p2 $0x0  }
0x16: {  	s3 =	sld [smem:$0x3FDB];
	s0 =	simm.s32 @p2 $0x1  }
0x17: {  	s4 =	simm.s32 $0x1BF5;
	[smem:$0x3FAE] =	sst s0  }
0x18: {  	s0 =	sld [smem:$0x3F91];
	_ =	swait.ge [sflag:s4], $0x0  }
0x19: {  	s7 =	sld [smem:$0x3F92]  }
0x1a: {  	s8 =	sadd.s32 $0xFFFFE003, lr  }
0x1b: {  	s9 =	sadd.s32 $0xFFFFFEF7, lr;
	s5 =	simm.s32 $0xFFFFFFFF;
	p2 =	slt.u32 s8, $0xFFFFF086  }
0x1c: {  	p1 =	slt.u32 s9, $0xF7A;
	s5 =	simm.s32 @!p2 $0x0  }
0x1d: {  	s5 =	simm.s32 @p1 $0x1;
	p0 =	seq.s32 s7, s2  }
0x1e: {  	s7 =	smul.u32 @!p0 $0xF7A, s2;
	p2 =	seq.s32 @!p0 s5, $0x0  }
0x1f: {  	s9 =	smul.u32 $0xF7A, s1;
	s8 =	simm.s32 @!p0 $0x1BF5;
	p2 =	por !p2, p0  }
0x20: {  	[sflag:s8] =	ssyncset.s32 @!p0 $0xFFFFF086;
	s6 =	sadd.s32 @!p0 s3, s7;
	s7 =	simm.s32 @!p0 $0x108  }
0x21: {  	s3 =	sadd.s32 s3, s9;
	s6 =	sadd.s32 @!p0 $0x88, s6;
	s7 =	simm.s32 @p2 $0x1082  }
0x22: {  	[simem:s7], [sflag:s8] =	dma.local @!p0 [hbm:s6], $0xF7A  }
0x23: {  	s9 =	sor.u32 $0xD0000000, s2;
	s6 =	simm.s32 $0x108;
	_ =	swait.ge @!p0 [sflag:s8], $0x0  }
0x24: {  	s3 =	sadd.s32 $0x88, s3;
	s6 =	simm.s32 @!p1 $0x1082;
	[sflag:s4] =	ssyncset.s32 $0xFFFFF086  }
0x25: {  	[simem:s6], [sflag:s4] =	dma.local [hbm:s3], $0xF7A  }
0x26: {  	[smem:$0x3F92] =	sst s1;
	(tag) =	ssettag s2;
	_ =	strace s9  }
0x27: {  	s1 =	sld [smem:$0x3FA2]  }
0x28: {  	s2 =	sld [smem:$0x3FA3]  }
0x29: {  	s4 =	sld [smem:$0x3FA5]  }
0x2a: {  	p0 =	seq.s32 s5, $0x0;
	s5 =	sld [smem:$0x3FA6]  }
0x2b: {  	s6 =	sld [smem:$0x3FA7]  }
0x2c: {  	s7 =	sld [smem:$0x3FA8]  }
0x2d: {  	s3 =	simm.s32 $0x108;
	s8 =	sld [smem:$0x3FA9]  }
0x2e: {  	s3 =	simm.s32 @!p0 $0x1082;
	s9 =	sld [smem:$0x3FAA]  }
0x2f: {  	lr =	sadd.s32 s0, s3;
	s0 =	sld [smem:$0x3FA1]  }
0x30: {  	s3 =	sld [smem:$0x3FA4]  }
0x31: {  	[smem:$0x3FAD] =	sst s10  }
0x32: {  	s10 =	sld [smem:$0x3FAB];
	_ =	sdelay $0x3  }
0x33: {  	p0 =	seq.s32 s10, $0x1;
	s10 =	sld [smem:$0x3FAD];
	_ =	sdelay $0x3  }
0x34: {  	[smem:$0x3FAD] =	sst s10  }
0x35: {  	s10 =	sld [smem:$0x3FAC];
	_ =	sdelay $0x3  }
0x36: {  	p1 =	seq.s32 s10, $0x1;
	s10 =	sld [smem:$0x3FAD];
	_ =	sdelay $0x3  }
0x37: {  	[smem:$0x3FAD] =	sst s10  }
0x38: {  	s10 =	sld [smem:$0x3FAE]  }
0x39: {  	_ = 	snop;
	(pc) =	sbr.ind lr, $3  }
0x3a: {  	_ = 	snop  }
0x3b: {  	_ = 	snop  }
0x3c: {  	p2 =	seq.s32 s10, $0x1;
	s10 =	sld [smem:$0x3FAD]  }
0x3d: {  	_ =	shalt  }
0x3e: {  	_ =	shalt  }
0x3f: {  	_ =	shalt  }
0x40: {  	_ =	shalt  }
0x41: {  	_ =	shalt  }
0x42: {  	_ =	shalt  }
0x43: {  	_ =	shalt  }
0x44: {  	_ =	shalt  }
0x45: {  	_ =	shalt  }
0x46: {  	_ =	shalt  }
0x47: {  	_ =	shalt  }
0x48: {  	_ =	shalt  }
0x49: {  	_ =	shalt  }
0x4a: {  	_ =	shalt  }
0x4b: {  	_ =	shalt  }
0x4c: {  	_ =	shalt  }
0x4d: {  	_ =	shalt  }
0x4e: {  	_ =	shalt  }
0x4f: {  	_ =	shalt  }
0x50: {  	_ =	shalt  }
0x51: {  	_ =	shalt  }
0x52: {  	_ =	shalt  }
0x53: {  	_ =	shalt  }
0x54: {  	_ =	shalt  }
0x55: {  	_ =	shalt  }
0x56: {  	_ =	shalt  }
0x57: {  	_ =	shalt  }
0x58: {  	_ =	shalt  }
0x59: {  	_ =	shalt  }
0x5a: {  	_ =	shalt  }
0x5b: {  	_ =	shalt  }
0x5c: {  	_ =	shalt  }
0x5d: {  	_ =	shalt  }
0x5e: {  	_ =	shalt  }
0x5f: {  	_ =	shalt  }
0x60: {  	_ =	shalt  }
0x61: {  	_ =	shalt  }
0x62: {  	_ =	shalt  }
0x63: {  	_ =	shalt  }
0x64: {  	_ =	shalt  }
0x65: {  	_ =	shalt  }
0x66: {  	_ =	shalt  }
0x67: {  	_ =	shalt  }
0x68: {  	_ =	shalt  }
0x69: {  	_ =	shalt  }
0x6a: {  	_ =	shalt  }
0x6b: {  	_ =	shalt  }
0x6c: {  	_ =	shalt  }
0x6d: {  	_ =	shalt  }
0x6e: {  	_ =	shalt  }
0x6f: {  	_ =	shalt  }
0x70: {  	_ =	shalt  }
0x71: {  	_ =	shalt  }
0x72: {  	_ =	shalt  }
0x73: {  	_ =	shalt  }
0x74: {  	_ =	shalt  }
0x75: {  	_ =	shalt  }
0x76: {  	_ =	shalt  }
0x77: {  	_ =	shalt  }
0x78: {  	_ =	shalt  }
0x79: {  	_ =	shalt  }
0x7a: {  	_ =	shalt  }
0x7b: {  	_ =	shalt  }
0x7c: {  	_ =	shalt  }
0x7d: {  	_ =	shalt  }
0x7e: {  	_ =	shalt  }
0x7f: {  	_ =	shalt  }
0x80: {  	_ =	shalt  }
0x81: {  	_ =	shalt  }
0x82: {  	_ =	shalt  }
0x83: {  	_ =	shalt  }
0x84: {  	_ =	shalt  }
0x85: {  	_ =	shalt  }
0x86: {  	_ =	shalt  }
0x87: {  	_ =	shalt  }
.Lfunc_end0:
.L_simem_size_0:
called_computation.2_lowered:
.L_overlay_start_0:
0x88: {  	s2 =	sld [smem:$0x3FD9]  }
0x89: {  	s3 =	sld [smem:$0x3FFE];
	_ =	sdelay $0x1  }
0x8a: {  	s1 =	srdreg.scid  }
0x8b: {  	s0 =	sand.u32 $0x1, s1  }
0x8c: {  	s16 =	sshll.u32 s0, $0xA;
	s2 =	sadd.s32 s3, s2  }
0x8d: {  	s2 =	sadd.s32 s2, s16  }
0x8e: {  	[smem:$0x3FB9] =	sst s2  }
0x8f: {  	_ = 	snop  }
0x90: {  	(tm) =	ssettm $0x1  }
0x91: {  	s17 =	sld [smem:$0x3FFB];
	_ =	sdelay $0x3  }
0x92: {  	_ =	strace s17  }
0x93: {  	s2 =	sld [smem:$0x3FFC];
	_ =	sdelay $0x3  }
0x94: {  	_ =	strace s2  }
0x95: {  	s2 =	sld [smem:$0x3FFD];
	_ =	sdelay $0x3  }
0x96: {  	_ =	strace s2  }
0x97: {  	_ =	strace $0x8FFFFFFF  }
0x98: {  	s18 =	sld [smem:$0x3FDB];
	_ =	sdelay $0x1  }
0x99: {  	s19 =	simm.s32 $_scs_section_size  }
0x9a: {  	s4 =	simm.s32 $_size__tile_overlayer_lowered;
	s5 =	simm.s32 $_tile_overlayer_lowered  }
0x9b: {  	s22 =	simm.s32 $0x1BFF;
	s21 =	sshll.u32 s5, $0x1;
	s2 =	sadd.s32 s19, s18  }
0x9c: {  	s6 =	simm.s32 $0x0;
	s20 =	sshll.u32 s4, $0x1;
	s4 =	sadd.s32 s21, s2  }
0x9d: {  	[timem:s6], [sflag:s22] =	dma.local [hbm:s4], s20  }
0x9e: {  	_ =	swait.ge [sflag:s22], s20  }
0x9f: {  	s3 =	ssub.s32 $0x0, s20;
	[sflag:s22] =	ssyncset.done $0x0  }
0xa0: {  	[sflag:s22] =	ssyncadd.s32 s3;
	_ =	sdelay $0x1  }
0xa1: {  	s23 =	simm.s32 $0x1B8B  }
0xa2: {  	_ =	swait.ge [sflag:s23], $0x1  }
0xa3: {  	[sflag:s23] =	ssyncset.done $0x0  }
0xa4: {  	s25 =	simm.s32 $0x1B8E;
	s24 =	sld [smem:$0x3FFE];
	[sflag:s23] =	ssyncadd.s32 $0xFFFFFFFF  }
0xa5: {  	s26 =	simm.s32 $execute0_lowered;
	[smem:$0x3FD2] =	sst s25  }
0xa6: {  	s4 =	sshll.u32 s26, $0x1;
	_ =	strace $0x8000004C;
	[dreg:$0x1] =	wrdreg $0xFFFFFFFF  }
0xa7: {  	s28 =	simm.s32 $_size_execute0_lowered;
	s2 =	sadd.s32 s2, s4;
	[dreg:$0x0] =	wrdreg $0x0  }
0xa8: {  	s4 =	sshll.u32 s28, $0x1;
	[dreg:$0x2] =	wrdreg s2  }
0xa9: {  	[dreg:$0x3] =	wrdreg s4  }
0xaa: {  	[dreg:$0x4] =	wrdreg $0xC0  }
0xab: {  	_ =	task [dreg:s6], $0x5FFFF  }
0xac: {  	[dreg:$0x1] =	wrdreg $0xFFFFFFFF  }
0xad: {  	[dreg:$0x0] =	wrdreg $0x60  }
0xae: {  	[dreg:$0x2] =	wrdreg s24  }
0xaf: {  	[dreg:$0x3] =	wrdreg $0x6A400  }
0xb0: {  	[dreg:$0x4] =	wrdreg $0x9  }
0xb1: {  	_ =	task.clear_ibuf [dreg:s6], $0x5FFFF;
	_ =	strace $0x9000004C  }
0xb2: {  	s29 =	simm.s32 $0x9;
	_ =	strace $0x8000004E  }
0xb3: {  	_ =	swait.ge [sflag:s29], $0x1  }
0xb4: {  	[sflag:s29] =	ssyncadd.s32 $0xFFFFFFFF  }
0xb5: {  	_ =	strace $0x9000004E  }
0xb6: {  	_ =	sfence  }
0xb7: {  	s30 =	sld [smem:$0x0];
	_ =	sdelay $0x2  }
0xb8: {  	s31 =	sshll.u32 s1, $0xD;
	s1 =	sshrl.u32 s1, $0x2  }
0xb9: {  	s3 =	sand.u32 $0x4000, s31;
	s1 =	sadd.s32 s1, s30  }
0xba: {  	s0 =	sor.u32 s3, s0;
	s1 =	sshll.u32 s1, $0x11  }
0xbb: {  	s0 =	sor.u32 s1, s0  }
0xbc: {  	s0 =	sadd.s32 $0x8F2B, s0  }
0xbd: {  	[sflag:s0] =	ssyncadd.remote.s32 $0x1  }
0xbe: {  	_ =	sfence.sel $0xFFFF  }
0xbf: {  	[dreg:$0x0] =	wrdreg $0xFFFFFFFF;
	(pc) =	sbr.abs _section_cstart, $3  }
0xc0: {  	[dreg:$0x1] =	wrdreg $0xFFFFFFFF  }
0xc1: {  	_ =	task.clear_ibuf [dreg:s6], $0x2FFFF;
	_ =	strace $0x9FFFFFFF  }
0xc2: {  	(tm) =	ssettm $0x7FFFFFFF  }
0xc3: {  	_ =	shalt  }
tec
execute0_lowered:
.L_overlay_start_1:
0x0: {  	(tag) =	ssettag $0x1  }
0x1: {  	s0 =	rddreg [dreg:$0x0]  }
0x2: {  	s1 =	rddreg [dreg:$0x1];
	s2 =	simm.s32 $0x0;
	s19 =	stileid.u32  }
0x3: {  	s6 =	srdreg.scid;
	s29 =	simm.s32 $0x320;
	s30 =	simm.s32 $0x7  }
0x4: {  	s31 =	simm.s32 $0x190;
	[smem:$0x7FF] =	sst s2;
	s4 =	sadd.s32 $0x38000, s0  }
0x5: {  	s3 =	sadd.s32 $0x6A000, s0;
	s5 =	sadd.s32 $0x1F800, s0;
	s7 =	sadd.s32 $0x7000, s0  }
0x6: {  	s8 =	smul.u32 $0xC38, s19;
	s9 =	sadd.s32 $0x9C000, s0;
	s10 =	sand.u32 $0x1, s6  }
0x7: {  	p0 =	seq.s32 s19, $0xF;
	s11 =	smul.u32 $0xC350, s19;
	s20 =	sadd.s32 $0xCE000, s0  }
0x8: {  	s23 =	smul.u32 $0x186A, s19;
	s24 =	sadd.s32 $0xFED40, s0;
	s25 =	sadd.s32 $0xFF380, s0  }
0x9: {  	s26 =	sadd.s32 $0xCCD40, s0;
	_ =	strace $0x8000004D;
	[dreg:$0xb] =	wrdreg s24  }
0xa: {  	s0 =	sadd.s32 $0xCD380, s0;
	p1 =	sne.s32 s19, $0x0;
	[dreg:$0xc] =	wrdreg s25  }
0xb: {  	s19 =	simm.s32 $0x3520;
	s6 =	ssub.s32 $0x2, s10;
	[dreg:$0xd] =	wrdreg s26  }
0xc: {  	[dreg:$0xe] =	wrdreg s0;
	s0 =	simm.s32 $0x1;
	s24 =	simm.s32 $0x4  }
0xd: {  	s8 =	simm.s32 @p0 $0xB718;
	s12 =	sshrl.u32 s6, $0x1;
	s11 =	sshrl.u32 s11, $0x3  }
0xe: {  	p0 =	seq.s32 s10, $0x0;
	s13 =	sshll.u32 s8, $0x5;
	s12 =	ssub.s32 s6, s12  }
0xf: {  	s14 =	sadd.s32 s5, s11;
	s15 =	sadd.s32 $0x32, s11;
	s8 =	sshll.u32 s8, $0x2  }
0x10: {  	s22 =	sadd.s32 $0x1838, s11;
	s3 =	smov.u32 @p0 s4;
	s20 =	smov.u32 @p0 s9  }
0x11: {  	s4 =	simm.s32 $0x3;
	s9 =	simm.s32 $0x0;
	[dreg:$0x5] =	wrdreg s14  }
0x12: {  	s6 =	sadd.s32 s13, s1;
	s14 =	sadd.s32 s7, s11;
	[dreg:$0x3] =	wrdreg s20  }
0x13: {  	s16 =	sadd.s32 s5, s15;
	s17 =	sadd.s32 s7, s15;
	[dreg:$0x6] =	wrdreg s14  }
0x14: {  	s18 =	smax.u32 s12, $0x1;
	s25 =	sadd.s32 s20, s8;
	[dreg:$0x7] =	wrdreg s16  }
0x15: {  	s20 =	simm.s32 $0x36B0;
	s8 =	simm.s32 $0x6;
	[dreg:$0x8] =	wrdreg s17  }
0x16: {  	s13 =	sadd.s32 $0x15E00, s6;
	[dreg:$0x9] =	wrdreg s18;
	s21 =	sadd.s32 $0x3200, s6  }
.Ltmp0:
0x17: {  	s14 =	sadd.s32 $0x6400, s6;
	s15 =	sadd.s32 $0x9600, s6;
	(pc) =	sbr.rel .LBB2_1-.Ltmp0, $4  }
0x18: {  	s16 =	sadd.s32 $0xC800, s6;
	s17 =	sadd.s32 s5, s22;
	s18 =	sadd.s32 s7, s22  }
0x19: {  	s22 =	sadd.s32 s23, s5;
	s26 =	sadd.s32 $0xFA00, s6;
	[dreg:$0x4] =	wrdreg s13  }
0x1a: {  	s28 =	sadd.s32 $0x12C00, s6;
	s5 =	simm.s32 $0x3840;
	[dreg:$0xa] =	wrdreg s21  }
0x1b: {  	v0 =	vimm.f32 $0.0e+00;
	s21 =	sadd.s32 s23, s7;
	s23 =	simm.s32 $0x2;
	s7 =	simm.s32 $0x5  }
.LBB2_8:
0x1c: {  	[tilespmem:s11+$0x320] =	vst v0  }
0x1d: {  	[tilespmem:s11+$0x330] =	vst v0;
	s10 =	simm.s32 @p0 $0x0;
	s11 =	simm.s32 @p0 $0x320;
	s12 =	rddreg [dreg:$0xd]  }
0x1e: {  	[hbm4b:s12+s10] =	stream.linear.scatter @p0 [tilespmem:s11], [sflag:$0x8], $0x3200, $0x38;
	[tilespmem:$0x1F0E0] =	vst v63  }
0x1f: {  	s12 =	simm.s32 @p0 $0x8  }
0x20: {  	_ =	swait.ge @p0 [sflag:s12], $0x3200  }
0x21: {  	[sflag:s12] =	ssyncset.done @p0 $0x0  }
0x22: {  	s13 =	rddreg [dreg:$0xe];
	[sflag:s12] =	ssyncadd.s32 @p0 $0xFFFFCE00  }
0x23: {  	[hbm4b:s13+s10] =	stream.linear.scatter @p0 [tilespmem:s11], [sflag:$0x8], $0x3200, $0x38;
	[tilespmem:$0x1F0E0] =	vst v63  }
0x24: {  	_ =	swait.ge @p0 [sflag:s12], $0x3200  }
0x25: {  	s10 =	simm.s32 @!p0 $0x0;
	[sflag:s12] =	ssyncset.done @p0 $0x0  }
0x26: {  	s11 =	simm.s32 @!p0 $0x320;
	[sflag:s12] =	ssyncadd.s32 @p0 $0xFFFFCE00;
	s12 =	rddreg [dreg:$0xb]  }
0x27: {  	[hbm4b:s12+s10] =	stream.linear.scatter @!p0 [tilespmem:s11], [sflag:$0x7], $0x3200, $0x38;
	[tilespmem:$0x1F0E0] =	vst v63  }
0x28: {  	s12 =	simm.s32 @!p0 $0x7  }
0x29: {  	_ =	swait.ge @!p0 [sflag:s12], $0x3200  }
0x2a: {  	[sflag:s12] =	ssyncset.done @!p0 $0x0  }
0x2b: {  	s13 =	rddreg [dreg:$0xc];
	[sflag:s12] =	ssyncadd.s32 @!p0 $0xFFFFCE00  }
0x2c: {  	[hbm4b:s13+s10] =	stream.linear.scatter @!p0 [tilespmem:s11], [sflag:$0x7], $0x3200, $0x38;
	[tilespmem:$0x1F0E0] =	vst v63  }
0x2d: {  	_ =	swait.ge @!p0 [sflag:s12], $0x3200  }
0x2e: {  	[sflag:s12] =	ssyncset.done @!p0 $0x0;
	s13 =	rddreg [dreg:$0x3]  }
0x2f: {  	[sflag:s12] =	ssyncadd.s32 @!p0 $0xFFFFCE00;
	s12 =	simm.s32 @p0 $0x8;
	s10 =	sadd.s32 $0x319C0, s13  }
0x30: {  	[hbm4b:s10+s2] =	stream.linear.scatter [tilespmem:s29], [sflag:s12], $0x3200, $0x38;
	[tilespmem:$0x1F0E0] =	vst v63  }
0x31: {  	_ =	swait.ge [sflag:s12], $0x3200  }
0x32: {  	[sflag:s12] =	ssyncset.done $0x0  }
0x33: {  	[sflag:s12] =	ssyncadd.s32 $0xFFFFCE00  }
.LBB2_9:
0x34: {  	s9 =	sadd.s32 $0x1, s9;
	s10 =	rddreg [dreg:$0x9]  }
0x35: {  	p2 =	sne.s32 s9, s10  }
.Ltmp1:
0x36: {  	_ = 	snop;
	(pc) =	sbr.rel @!p2 .LBB2_10-.Ltmp1, $1  }
0x37: {  	_ =	sdelay $0x3  }
.LBB2_1:
0x38: {  	s10 =	simm.s32 $0x80;
	s11 =	simm.s32 $0x0  }
.LBB2_2:
0x39: {  	p2 =	sne.s32 s10, $0xC780;
	[tilespmem:s11+$0x320] =	vst v0;
	s12 =	smov.u32 s10;
	s10 =	sadd.s32 $0x80, s10  }
.Ltmp2:
0x3a: {  	[tilespmem:s11+$0x330] =	vst v0;
	(pc) =	sbr.rel @p2 .LBB2_2-.Ltmp2, $2  }
0x3b: {  	_ =	sdelay $0x2  }
0x3c: {  	s11 =	sshra.s32 s12, $0x2  }
0x3d: {  	[tilespmem:s11+$0x320] =	vst v0  }
0x3e: {  	[tilespmem:s11+$0x330] =	vst v0  }
0x3f: {  	[spmem:s6] =	stream.linear.scatter [tilespmem:s29], [sflag:$0x7], $0x3200, $0x38;
	[tilespmem:$0x1F0E0] =	vst v63  }
0x40: {  	_ =	swait.ge [sflag:s30], $0x3200  }
0x41: {  	[sflag:s30] =	ssyncset.done $0x0  }
0x42: {  	s10 =	rddreg [dreg:$0xa];
	[sflag:s30] =	ssyncadd.s32 $0xFFFFCE00  }
0x43: {  	[spmem:s10] =	stream.linear.scatter [tilespmem:s29], [sflag:$0x7], $0x3200, $0x38;
	[tilespmem:$0x1F0E0] =	vst v63  }
0x44: {  	_ =	swait.ge [sflag:s30], $0x3200  }
0x45: {  	[sflag:s30] =	ssyncset.done $0x0  }
0x46: {  	[sflag:s30] =	ssyncadd.s32 $0xFFFFCE00  }
0x47: {  	[spmem:s14] =	stream.linear.scatter [tilespmem:s29], [sflag:$0x7], $0x3200, $0x38;
	[tilespmem:$0x1F0E0] =	vst v63  }
0x48: {  	_ =	swait.ge [sflag:s30], $0x3200  }
0x49: {  	[sflag:s30] =	ssyncset.done $0x0  }
0x4a: {  	[sflag:s30] =	ssyncadd.s32 $0xFFFFCE00  }
0x4b: {  	[spmem:s15] =	stream.linear.scatter [tilespmem:s29], [sflag:$0x7], $0x3200, $0x38;
	[tilespmem:$0x1F0E0] =	vst v63  }
0x4c: {  	_ =	swait.ge [sflag:s30], $0x3200  }
0x4d: {  	[sflag:s30] =	ssyncset.done $0x0  }
0x4e: {  	[sflag:s30] =	ssyncadd.s32 $0xFFFFCE00  }
0x4f: {  	[spmem:s16] =	stream.linear.scatter [tilespmem:s29], [sflag:$0x7], $0x3200, $0x38;
	[tilespmem:$0x1F0E0] =	vst v63  }
0x50: {  	_ =	swait.ge [sflag:s30], $0x3200  }
0x51: {  	[sflag:s30] =	ssyncset.done $0x0  }
0x52: {  	[sflag:s30] =	ssyncadd.s32 $0xFFFFCE00  }
0x53: {  	[spmem:s26] =	stream.linear.scatter [tilespmem:s29], [sflag:$0x7], $0x3200, $0x38;
	[tilespmem:$0x1F0E0] =	vst v63  }
0x54: {  	_ =	swait.ge [sflag:s30], $0x3200  }
0x55: {  	[sflag:s30] =	ssyncset.done $0x0  }
0x56: {  	[sflag:s30] =	ssyncadd.s32 $0xFFFFCE00  }
0x57: {  	[spmem:s28] =	stream.linear.scatter [tilespmem:s29], [sflag:$0x7], $0x3200, $0x38;
	[tilespmem:$0x1F0E0] =	vst v63  }
0x58: {  	_ =	swait.ge [sflag:s30], $0x3200  }
0x59: {  	[sflag:s30] =	ssyncset.done $0x0  }
0x5a: {  	s11 =	rddreg [dreg:$0x4];
	[sflag:s30] =	ssyncadd.s32 $0xFFFFCE00  }
0x5b: {  	[spmem:s11] =	stream.linear.scatter [tilespmem:s29], [sflag:$0x7], $0x2900, $0x38;
	[tilespmem:$0x1F0E0] =	vst v63  }
0x5c: {  	_ =	swait.ge [sflag:s30], $0x2900  }
0x5d: {  	[sflag:s30] =	ssyncset.done $0x0  }
0x5e: {  	[sflag:s30] =	ssyncadd.s32 $0xFFFFD700  }
0x5f: {  	[bflag:$0x0] =	sbarrier.arrive $0xFFFF  }
0x60: {  	s12 =	rddreg [dreg:$0x5]  }
0x61: {  	[tilespmem:s2], [sflag:$0x1] =	stream.linear.gather [hbm4b:s12+s2], $0x190, $0x38;
	[tilespmem:$0x1F0E0] =	vst v63  }
0x62: {  	s13 =	rddreg [dreg:$0x6]  }
0x63: {  	[tilespmem:s31], [sflag:$0x1] =	stream.linear.gather [hbm4b:s13+s2], $0x190, $0x38;
	[tilespmem:$0x1F0E0] =	vst v63  }
0x64: {  	_ =	swait.ge [sflag:s0], $0x190  }
0x65: {  	[sflag:s0] =	ssyncset.done $0x0  }
0x66: {  	[sflag:s0] =	ssyncadd.s32 $0xFFFFFE70  }
0x67: {  	_ =	swait.ge [sflag:s0], $0x190  }
0x68: {  	[sflag:s0] =	ssyncset.done $0x0  }
0x69: {  	[sflag:s0] =	ssyncadd.s32 $0xFFFFFE70  }
0x6a: {  	[tilespmem:s29], [sflag:$0x2] =	stream.indirect.gather [hbm4b:s3+s31], $0x20, s2, s31, $0xb8;
	[tilespmem:$0x1F0E0] =	vst v63  }
0x6b: {  	s11 =	rddreg [dreg:$0x7]  }
0x6c: {  	[tilespmem:s19], [sflag:$0x4] =	stream.linear.gather [hbm4b:s11+s2], $0x190, $0x38;
	[tilespmem:$0x1F0E0] =	vst v63  }
0x6d: {  	s12 =	rddreg [dreg:$0x8]  }
0x6e: {  	[tilespmem:s20], [sflag:$0x4] =	stream.linear.gather [hbm4b:s12+s2], $0x190, $0x38;
	[tilespmem:$0x1F0E0] =	vst v63  }
0x6f: {  	_ =	swait.ge [sflag:s23], $0x3200  }
0x70: {  	[sflag:s23] =	ssyncset.done $0x0  }
0x71: {  	[sflag:s23] =	ssyncadd.s32 $0xFFFFCE00  }
0x72: {  	[spmem:s1] =	stream.indirect.scatter.add.f32 [tilespmem:s29], [sflag:$0x3], $0x20, s31, s31, $0xb8;
	[tilespmem:$0x1F0E0] =	vst v63  }
0x73: {  	_ =	swait.ge [sflag:s24], $0x190  }
0x74: {  	[sflag:s24] =	ssyncset.done $0x0  }
0x75: {  	[sflag:s24] =	ssyncadd.s32 $0xFFFFFE70  }
0x76: {  	_ =	swait.ge [sflag:s24], $0x190  }
0x77: {  	[sflag:s24] =	ssyncset.done $0x0  }
0x78: {  	[sflag:s24] =	ssyncadd.s32 $0xFFFFFE70  }
0x79: {  	[tilespmem:s5], [sflag:$0x5] =	stream.indirect.gather [hbm4b:s3+s31], $0x20, s19, s31, $0xb8;
	[tilespmem:$0x1F0E0] =	vst v63  }
0x7a: {  	_ =	swait.ge [sflag:s4], $0x3200  }
0x7b: {  	s10 =	sadd.s32 $0xFFFFE82C, s22;
	[sflag:s4] =	ssyncset.done $0x0  }
0x7c: {  	s13 =	sadd.s32 $0x1838, s10;
	s12 =	sadd.s32 $0xFFFFE82C, s21;
	[sflag:s4] =	ssyncadd.s32 $0xFFFFCE00  }
0x7d: {  	[tilespmem:s2], [sflag:$0x1] =	stream.linear.gather [hbm4b:s13+s2], $0x190, $0x38;
	[tilespmem:$0x1F0E0] =	vst v63  }
0x7e: {  	s13 =	sadd.s32 $0x1838, s12  }
0x7f: {  	[tilespmem:s31], [sflag:$0x1] =	stream.linear.gather [hbm4b:s13+s2], $0x190, $0x38;
	[tilespmem:$0x1F0E0] =	vst v63  }
0x80: {  	_ =	swait.ge [sflag:s7], $0x3200  }
0x81: {  	[sflag:s7] =	ssyncset.done $0x0  }
0x82: {  	[sflag:s7] =	ssyncadd.s32 $0xFFFFCE00  }
0x83: {  	[spmem:s1] =	stream.indirect.scatter.add.f32 [tilespmem:s5], [sflag:$0x6], $0x20, s20, s31, $0xb8;
	[tilespmem:$0x1F0E0] =	vst v63  }
0x84: {  	_ =	swait.ge [sflag:s0], $0x190  }
0x85: {  	[sflag:s0] =	ssyncset.done $0x0  }
0x86: {  	[sflag:s0] =	ssyncadd.s32 $0xFFFFFE70  }
0x87: {  	_ =	swait.ge [sflag:s0], $0x190  }
0x88: {  	[sflag:s0] =	ssyncset.done $0x0  }
0x89: {  	[sflag:s0] =	ssyncadd.s32 $0xFFFFFE70  }
0x8a: {  	[tilespmem:s29], [sflag:$0x2] =	stream.indirect.gather [hbm4b:s3+s31], $0x20, s2, s31, $0xb8;
	[tilespmem:$0x1F0E0] =	vst v63  }
0x8b: {  	_ =	swait.ge [sflag:s8], $0x3200  }
0x8c: {  	[sflag:s8] =	ssyncset.done $0x0  }
0x8d: {  	s10 =	sadd.s32 $0x186A, s10;
	[sflag:s8] =	ssyncadd.s32 $0xFFFFCE00  }
0x8e: {  	[tilespmem:s19], [sflag:$0x4] =	stream.linear.gather [hbm4b:s10+s2], $0x190, $0x38;
	[tilespmem:$0x1F0E0] =	vst v63  }
0x8f: {  	s13 =	sadd.s32 $0x186A, s12  }
0x90: {  	[tilespmem:s20], [sflag:$0x4] =	stream.linear.gather [hbm4b:s13+s2], $0x190, $0x38;
	[tilespmem:$0x1F0E0] =	vst v63  }
0x91: {  	_ =	swait.ge [sflag:s23], $0x3200  }
0x92: {  	[sflag:s23] =	ssyncset.done $0x0  }
0x93: {  	s10 =	simm.s32 $0xFFFFE890;
	[sflag:s23] =	ssyncadd.s32 $0xFFFFCE00  }
.LBB2_4:
0x94: {  	[spmem:s1] =	stream.indirect.scatter.add.f32 [tilespmem:s29], [sflag:$0x3], $0x20, s31, s31, $0xb8;
	[tilespmem:$0x1F0E0] =	vst v63  }
0x95: {  	s11 =	smov.u32 s10  }
0x96: {  	p2 =	sne.s32 s10, $0xFFFFFF9C;
	s10 =	sadd.s32 $0x64, s10;
	_ =	swait.ge [sflag:s24], $0x190  }
0x97: {  	[sflag:s24] =	ssyncset.done $0x0  }
0x98: {  	[sflag:s24] =	ssyncadd.s32 $0xFFFFFE70  }
0x99: {  	_ =	swait.ge [sflag:s24], $0x190  }
0x9a: {  	[sflag:s24] =	ssyncset.done $0x0  }
0x9b: {  	[sflag:s24] =	ssyncadd.s32 $0xFFFFFE70  }
0x9c: {  	[tilespmem:s5], [sflag:$0x5] =	stream.indirect.gather [hbm4b:s3+s31], $0x20, s19, s31, $0xb8;
	[tilespmem:$0x1F0E0] =	vst v63  }
0x9d: {  	_ =	swait.ge [sflag:s4], $0x3200  }
0x9e: {  	s12 =	sadd.s32 s11, s22;
	[sflag:s4] =	ssyncset.done $0x0  }
0x9f: {  	s11 =	sadd.s32 s11, s21;
	s13 =	sadd.s32 $0x1838, s12;
	[sflag:s4] =	ssyncadd.s32 $0xFFFFCE00  }
0xa0: {  	[tilespmem:s2], [sflag:$0x1] =	stream.linear.gather [hbm4b:s13+s2], $0x190, $0x38;
	[tilespmem:$0x1F0E0] =	vst v63  }
0xa1: {  	s13 =	sadd.s32 $0x1838, s11  }
0xa2: {  	[tilespmem:s31], [sflag:$0x1] =	stream.linear.gather [hbm4b:s13+s2], $0x190, $0x38;
	[tilespmem:$0x1F0E0] =	vst v63  }
0xa3: {  	_ =	swait.ge [sflag:s7], $0x3200  }
0xa4: {  	[sflag:s7] =	ssyncset.done $0x0  }
0xa5: {  	[sflag:s7] =	ssyncadd.s32 $0xFFFFCE00  }
0xa6: {  	[spmem:s1] =	stream.indirect.scatter.add.f32 [tilespmem:s5], [sflag:$0x6], $0x20, s20, s31, $0xb8;
	[tilespmem:$0x1F0E0] =	vst v63  }
0xa7: {  	_ =	swait.ge [sflag:s0], $0x190  }
0xa8: {  	[sflag:s0] =	ssyncset.done $0x0  }
0xa9: {  	[sflag:s0] =	ssyncadd.s32 $0xFFFFFE70  }
0xaa: {  	_ =	swait.ge [sflag:s0], $0x190  }
0xab: {  	[sflag:s0] =	ssyncset.done $0x0  }
0xac: {  	[sflag:s0] =	ssyncadd.s32 $0xFFFFFE70  }
0xad: {  	[tilespmem:s29], [sflag:$0x2] =	stream.indirect.gather [hbm4b:s3+s31], $0x20, s2, s31, $0xb8;
	[tilespmem:$0x1F0E0] =	vst v63  }
0xae: {  	_ =	swait.ge [sflag:s8], $0x3200  }
0xaf: {  	[sflag:s8] =	ssyncset.done $0x0  }
0xb0: {  	s12 =	sadd.s32 $0x186A, s12;
	[sflag:s8] =	ssyncadd.s32 $0xFFFFCE00  }
0xb1: {  	[tilespmem:s19], [sflag:$0x4] =	stream.linear.gather [hbm4b:s12+s2], $0x190, $0x38;
	[tilespmem:$0x1F0E0] =	vst v63  }
.Ltmp3:
0xb2: {  	s11 =	sadd.s32 $0x186A, s11;
	(pc) =	sbr.rel @p2 .LBB2_4-.Ltmp3, $4  }
0xb3: {  	[tilespmem:s20], [sflag:$0x4] =	stream.linear.gather [hbm4b:s11+s2], $0x190, $0x38;
	[tilespmem:$0x1F0E0] =	vst v63  }
0xb4: {  	_ =	swait.ge [sflag:s23], $0x3200  }
0xb5: {  	[sflag:s23] =	ssyncset.done $0x0  }
0xb6: {  	[sflag:s23] =	ssyncadd.s32 $0xFFFFCE00  }
0xb7: {  	[spmem:s1] =	stream.indirect.scatter.add.f32 [tilespmem:s29], [sflag:$0x3], $0x20, s31, s31, $0xb8;
	[tilespmem:$0x1F0E0] =	vst v63  }
0xb8: {  	_ =	swait.ge [sflag:s24], $0x190  }
0xb9: {  	[sflag:s24] =	ssyncset.done $0x0  }
0xba: {  	[sflag:s24] =	ssyncadd.s32 $0xFFFFFE70  }
0xbb: {  	_ =	swait.ge [sflag:s24], $0x190  }
0xbc: {  	[sflag:s24] =	ssyncset.done $0x0  }
0xbd: {  	[sflag:s24] =	ssyncadd.s32 $0xFFFFFE70  }
0xbe: {  	[tilespmem:s5], [sflag:$0x5] =	stream.indirect.gather [hbm4b:s3+s31], $0x20, s19, s31, $0xb8;
	[tilespmem:$0x1F0E0] =	vst v63  }
0xbf: {  	_ =	swait.ge [sflag:s4], $0x3200  }
0xc0: {  	[sflag:s4] =	ssyncset.done $0x0  }
0xc1: {  	s10 =	simm.s32 $0x0;
	[sflag:s4] =	ssyncadd.s32 $0xFFFFCE00  }
0xc2: {  	[tilespmem:s10], [sflag:$0x1] =	stream.linear.gather [hbm4b:s17+s10], $0x190, $0x38;
	[tilespmem:$0x1F0E0] =	vst v63  }
0xc3: {  	_ = 	snop  }
0xc4: {  	[tilespmem:s31], [sflag:$0x1] =	stream.linear.gather [hbm4b:s18+s10], $0x190, $0x38;
	[tilespmem:$0x1F0E0] =	vst v63  }
0xc5: {  	_ =	swait.ge [sflag:s7], $0x3200  }
0xc6: {  	[sflag:s7] =	ssyncset.done $0x0  }
0xc7: {  	[sflag:s7] =	ssyncadd.s32 $0xFFFFCE00  }
0xc8: {  	[spmem:s1] =	stream.indirect.scatter.add.f32 [tilespmem:s5], [sflag:$0x6], $0x20, s20, s31, $0xb8;
	[tilespmem:$0x1F0E0] =	vst v63  }
0xc9: {  	_ =	swait.ge [sflag:s0], $0x190  }
0xca: {  	[sflag:s0] =	ssyncset.done $0x0  }
0xcb: {  	[sflag:s0] =	ssyncadd.s32 $0xFFFFFE70  }
0xcc: {  	_ =	swait.ge [sflag:s0], $0x190  }
0xcd: {  	[sflag:s0] =	ssyncset.done $0x0  }
0xce: {  	[sflag:s0] =	ssyncadd.s32 $0xFFFFFE70  }
0xcf: {  	[tilespmem:s29], [sflag:$0x2] =	stream.indirect.gather [hbm4b:s3+s31], $0x20, s10, s31, $0xb8;
	[tilespmem:$0x1F0E0] =	vst v63  }
0xd0: {  	_ =	swait.ge [sflag:s8], $0x3200  }
0xd1: {  	[sflag:s8] =	ssyncset.done $0x0  }
0xd2: {  	[sflag:s8] =	ssyncadd.s32 $0xFFFFCE00  }
0xd3: {  	_ =	swait.ge [sflag:s23], $0x3200  }
0xd4: {  	[sflag:s23] =	ssyncset.done $0x0  }
0xd5: {  	[sflag:s23] =	ssyncadd.s32 $0xFFFFCE00  }
0xd6: {  	[spmem:s1] =	stream.indirect.scatter.add.f32 [tilespmem:s29], [sflag:$0x3], $0x20, s31, s31, $0xb8;
	[tilespmem:$0x1F0E0] =	vst v63  }
0xd7: {  	_ =	swait.ge [sflag:s4], $0x3200  }
0xd8: {  	s13 =	stileid.u32;
	[sflag:s4] =	ssyncset.done $0x0  }
0xd9: {  	s11 =	sshrl.u32 s6, $0x3;
	s10 =	sshll.u32 s13, $0x6;
	[sflag:s4] =	ssyncadd.s32 $0xFFFFCE00  }
.Ltmp4:
0xda: {  	s10 =	sor.u32 $0x1C07, s10;
	[bflag:$0x0] =	sbarrier.arrive $0xFFFF;
	(pc) =	sbr.rel @p1 .LBB2_9-.Ltmp4, $4  }
0xdb: {  	[hbm:s25], [sflag:s10] =	dma.local [spmem:s11], $0x30E0  }
0xdc: {  	_ =	swait.ge [sflag:s30], $0x30E0  }
0xdd: {  	[sflag:s30] =	ssyncset.done $0x0  }
0xde: {  	[sflag:s30] =	ssyncadd.s32 $0xFFFFCF20  }
0xdf: {  	s10 =	simm.s32 $0x80;
	s11 =	simm.s32 $0x0  }
.LBB2_7:
0xe0: {  	p2 =	sne.s32 s10, $0xC780;
	[tilespmem:s11+$0x320] =	vst v0;
	s12 =	smov.u32 s10;
	s10 =	sadd.s32 $0x80, s10  }
.Ltmp5:
0xe1: {  	[tilespmem:s11+$0x330] =	vst v0;
	(pc) =	sbr.rel @p2 .LBB2_7-.Ltmp5, $2  }
0xe2: {  	_ =	sdelay $0x2  }
0xe3: {  	s11 =	sshra.s32 s12, $0x2  }
.Ltmp6:
0xe4: {  	_ = 	snop;
	(pc) =	sbr.rel .LBB2_8-.Ltmp6, $1  }
0xe5: {  	_ =	sdelay $0x3  }
.LBB2_10:
0xe6: {  	_ =	sfence.sel $0x180000  }
0xe7: {  	[bflag:$0x0] =	sbarrier.arrive $0xFFFF  }
0xe8: {  	_ =	strace $0x9000004D  }
0xe9: {  	[bflag:$0x2] =	sbarrier.arrive $0xFFFF  }
0xea: {  	s0 =	rddreg [dreg:$0x2]  }
0xeb: {  	s0 =	sadd.s32 @!p1 $0x100000, s0  }
0xec: {  	[sflag:s0] =	ssyncadd.tile.s32 @!p1 $0x1;
	_ =	shalt  }
.Lfunc_end2:
_tile_overlayer_lowered:
.L_overlay_start_2:
0xed: {  	(tag) =	ssettag $0x2  }
0xee: {  	s0 =	rddreg [dreg:$0x0];
	s2 =	stileid.u32  }
0xef: {  	s1 =	rddreg [dreg:$0x1];
	p0 =	sne.s32 s2, $0x0  }
0xf0: {  	s3 =	rddreg [dreg:$0x2];
	[bflag:$0x3] =	sbarrier.arrive $0xFFFF;
	s2 =	simm.s32 @!p0 $0x1C07  }
0xf1: {  	[timem:s3], [sflag:s2] =	dma.local @!p0 [hbm:s0], s1  }
0xf2: {  	s0 =	simm.s32 @!p0 $0x7  }
0xf3: {  	_ =	swait.ge @!p0 [sflag:s0], s1  }
0xf4: {  	s1 =	ssub.s32 @!p0 $0x0, s1;
	[sflag:s0] =	ssyncset.done @!p0 $0x0  }
0xf5: {  	[sflag:s0] =	ssyncadd.s32 @!p0 s1  }
0xf6: {  	[bflag:$0x3] =	sbarrier.arrive $0xFFFF  }
0xf7: {  	_ =	shalt  }

// kernel: kernel.9.cloned.1.call-start
scs
__scs_entry_jumppad:
0x0: {  	(pc) =	sbr.rel $0x88, $3  }
0x1: {  	(tag) =	ssettag $0x0;
	lr =	simm.s32 $0x1  }
0x2: {  	[smem:$0x3F92] =	sst lr;
	_ =	strace $0xD0000000  }
0x3: {  	_ = 	snop  }
0x4: {  	_ = 	snop  }
0x5: {  	_ = 	snop  }
0x6: {  	_ = 	snop  }
0x7: {  	_ = 	snop  }
__scs_overlays_trampoline_lowered:
0x8: {  	[smem:$0x3FA1] =	sst s0  }
0x9: {  	[smem:$0x3FA2] =	sst s1  }
0xa: {  	[smem:$0x3FA3] =	sst s2  }
0xb: {  	[smem:$0x3FA4] =	sst s3  }
0xc: {  	[smem:$0x3FA5] =	sst s4  }
0xd: {  	[smem:$0x3FA6] =	sst s5  }
0xe: {  	[smem:$0x3FA7] =	sst s6  }
0xf: {  	[smem:$0x3FA8] =	sst s7  }
0x10: {  	[smem:$0x3FA9] =	sst s8  }
0x11: {  	[smem:$0x3FAA] =	sst s9;
	s0 =	simm.s32 @!p0 $0x0  }
0x12: {  	s1 =	sld [smem:$0x3F90];
	s0 =	simm.s32 @p0 $0x1  }
0x13: {  	[smem:$0x3FAB] =	sst s0;
	s0 =	simm.s32 @!p1 $0x0  }
0x14: {  	s2 =	sld [smem:$0x3F8F];
	s0 =	simm.s32 @p1 $0x1  }
0x15: {  	[smem:$0x3FAC] =	sst s0;
	s0 =	simm.s32 @!p2 $0x0  }
0x16: {  	s3 =	sld [smem:$0x3FDB];
	s0 =	simm.s32 @p2 $0x1  }
0x17: {  	s4 =	simm.s32 $0x1BF5;
	[smem:$0x3FAE] =	sst s0  }
0x18: {  	s0 =	sld [smem:$0x3F91];
	_ =	swait.ge [sflag:s4], $0x0  }
0x19: {  	s7 =	sld [smem:$0x3F92]  }
0x1a: {  	s8 =	sadd.s32 $0xFFFFE003, lr  }
0x1b: {  	s9 =	sadd.s32 $0xFFFFFEF7, lr;
	s5 =	simm.s32 $0xFFFFFFFF;
	p2 =	slt.u32 s8, $0xFFFFF086  }
0x1c: {  	p1 =	slt.u32 s9, $0xF7A;
	s5 =	simm.s32 @!p2 $0x0  }
0x1d: {  	s5 =	simm.s32 @p1 $0x1;
	p0 =	seq.s32 s7, s2  }
0x1e: {  	s7 =	smul.u32 @!p0 $0xF7A, s2;
	p2 =	seq.s32 @!p0 s5, $0x0  }
0x1f: {  	s9 =	smul.u32 $0xF7A, s1;
	s8 =	simm.s32 @!p0 $0x1BF5;
	p2 =	por !p2, p0  }
0x20: {  	[sflag:s8] =	ssyncset.s32 @!p0 $0xFFFFF086;
	s6 =	sadd.s32 @!p0 s3, s7;
	s7 =	simm.s32 @!p0 $0x108  }
0x21: {  	s3 =	sadd.s32 s3, s9;
	s6 =	sadd.s32 @!p0 $0x88, s6;
	s7 =	simm.s32 @p2 $0x1082  }
0x22: {  	[simem:s7], [sflag:s8] =	dma.local @!p0 [hbm:s6], $0xF7A  }
0x23: {  	s9 =	sor.u32 $0xD0000000, s2;
	s6 =	simm.s32 $0x108;
	_ =	swait.ge @!p0 [sflag:s8], $0x0  }
0x24: {  	s3 =	sadd.s32 $0x88, s3;
	s6 =	simm.s32 @!p1 $0x1082;
	[sflag:s4] =	ssyncset.s32 $0xFFFFF086  }
0x25: {  	[simem:s6], [sflag:s4] =	dma.local [hbm:s3], $0xF7A  }
0x26: {  	[smem:$0x3F92] =	sst s1;
	(tag) =	ssettag s2;
	_ =	strace s9  }
0x27: {  	s1 =	sld [smem:$0x3FA2]  }
0x28: {  	s2 =	sld [smem:$0x3FA3]  }
0x29: {  	s4 =	sld [smem:$0x3FA5]  }
0x2a: {  	p0 =	seq.s32 s5, $0x0;
	s5 =	sld [smem:$0x3FA6]  }
0x2b: {  	s6 =	sld [smem:$0x3FA7]  }
0x2c: {  	s7 =	sld [smem:$0x3FA8]  }
0x2d: {  	s3 =	simm.s32 $0x108;
	s8 =	sld [smem:$0x3FA9]  }
0x2e: {  	s3 =	simm.s32 @!p0 $0x1082;
	s9 =	sld [smem:$0x3FAA]  }
0x2f: {  	lr =	sadd.s32 s0, s3;
	s0 =	sld [smem:$0x3FA1]  }
0x30: {  	s3 =	sld [smem:$0x3FA4]  }
0x31: {  	[smem:$0x3FAD] =	sst s10  }
0x32: {  	s10 =	sld [smem:$0x3FAB];
	_ =	sdelay $0x3  }
0x33: {  	p0 =	seq.s32 s10, $0x1;
	s10 =	sld [smem:$0x3FAD];
	_ =	sdelay $0x3  }
0x34: {  	[smem:$0x3FAD] =	sst s10  }
0x35: {  	s10 =	sld [smem:$0x3FAC];
	_ =	sdelay $0x3  }
0x36: {  	p1 =	seq.s32 s10, $0x1;
	s10 =	sld [smem:$0x3FAD];
	_ =	sdelay $0x3  }
0x37: {  	[smem:$0x3FAD] =	sst s10  }
0x38: {  	s10 =	sld [smem:$0x3FAE]  }
0x39: {  	_ = 	snop;
	(pc) =	sbr.ind lr, $3  }
0x3a: {  	_ = 	snop  }
0x3b: {  	_ = 	snop  }
0x3c: {  	p2 =	seq.s32 s10, $0x1;
	s10 =	sld [smem:$0x3FAD]  }
0x3d: {  	_ =	shalt  }
0x3e: {  	_ =	shalt  }
0x3f: {  	_ =	shalt  }
0x40: {  	_ =	shalt  }
0x41: {  	_ =	shalt  }
0x42: {  	_ =	shalt  }
0x43: {  	_ =	shalt  }
0x44: {  	_ =	shalt  }
0x45: {  	_ =	shalt  }
0x46: {  	_ =	shalt  }
0x47: {  	_ =	shalt  }
0x48: {  	_ =	shalt  }
0x49: {  	_ =	shalt  }
0x4a: {  	_ =	shalt  }
0x4b: {  	_ =	shalt  }
0x4c: {  	_ =	shalt  }
0x4d: {  	_ =	shalt  }
0x4e: {  	_ =	shalt  }
0x4f: {  	_ =	shalt  }
0x50: {  	_ =	shalt  }
0x51: {  	_ =	shalt  }
0x52: {  	_ =	shalt  }
0x53: {  	_ =	shalt  }
0x54: {  	_ =	shalt  }
0x55: {  	_ =	shalt  }
0x56: {  	_ =	shalt  }
0x57: {  	_ =	shalt  }
0x58: {  	_ =	shalt  }
0x59: {  	_ =	shalt  }
0x5a: {  	_ =	shalt  }
0x5b: {  	_ =	shalt  }
0x5c: {  	_ =	shalt  }
0x5d: {  	_ =	shalt  }
0x5e: {  	_ =	shalt  }
0x5f: {  	_ =	shalt  }
0x60: {  	_ =	shalt  }
0x61: {  	_ =	shalt  }
0x62: {  	_ =	shalt  }
0x63: {  	_ =	shalt  }
0x64: {  	_ =	shalt  }
0x65: {  	_ =	shalt  }
0x66: {  	_ =	shalt  }
0x67: {  	_ =	shalt  }
0x68: {  	_ =	shalt  }
0x69: {  	_ =	shalt  }
0x6a: {  	_ =	shalt  }
0x6b: {  	_ =	shalt  }
0x6c: {  	_ =	shalt  }
0x6d: {  	_ =	shalt  }
0x6e: {  	_ =	shalt  }
0x6f: {  	_ =	shalt  }
0x70: {  	_ =	shalt  }
0x71: {  	_ =	shalt  }
0x72: {  	_ =	shalt  }
0x73: {  	_ =	shalt  }
0x74: {  	_ =	shalt  }
0x75: {  	_ =	shalt  }
0x76: {  	_ =	shalt  }
0x77: {  	_ =	shalt  }
0x78: {  	_ =	shalt  }
0x79: {  	_ =	shalt  }
0x7a: {  	_ =	shalt  }
0x7b: {  	_ =	shalt  }
0x7c: {  	_ =	shalt  }
0x7d: {  	_ =	shalt  }
0x7e: {  	_ =	shalt  }
0x7f: {  	_ =	shalt  }
0x80: {  	_ =	shalt  }
0x81: {  	_ =	shalt  }
0x82: {  	_ =	shalt  }
0x83: {  	_ =	shalt  }
0x84: {  	_ =	shalt  }
0x85: {  	_ =	shalt  }
0x86: {  	_ =	shalt  }
0x87: {  	_ =	shalt  }
.Lfunc_end0:
.L_simem_size_0:
called_computation_lowered:
.L_overlay_start_0:
0x88: {  	s2 =	sld [smem:$0x3FD9]  }
0x89: {  	s3 =	sld [smem:$0x3FFE];
	_ =	sdelay $0x1  }
0x8a: {  	s1 =	srdreg.scid  }
0x8b: {  	s0 =	sand.u32 $0x1, s1  }
0x8c: {  	s17 =	sshll.u32 s0, $0xA;
	s2 =	sadd.s32 s3, s2  }
0x8d: {  	s2 =	sadd.s32 s2, s17  }
0x8e: {  	[smem:$0x3FB9] =	sst s2  }
0x8f: {  	_ = 	snop  }
0x90: {  	s2 =	sld [smem:$0x3FD0];
	(tm) =	ssettm $0x1  }
0x91: {  	s18 =	sld [smem:$0x3FFB];
	_ =	sdelay $0x3  }
0x92: {  	_ =	strace s18  }
0x93: {  	s3 =	sld [smem:$0x3FFC];
	_ =	sdelay $0x3  }
0x94: {  	_ =	strace s3  }
0x95: {  	s3 =	sld [smem:$0x3FFD];
	_ =	sdelay $0x3  }
0x96: {  	_ =	strace s3  }
0x97: {  	_ =	strace $0x8FFFFFFF  }
0x98: {  	s19 =	sld [smem:$0x3FDB];
	_ =	sdelay $0x1  }
0x99: {  	s4 =	simm.s32 $_scs_section_size  }
0x9a: {  	s5 =	simm.s32 $_size__tile_overlayer_lowered;
	s6 =	simm.s32 $_tile_overlayer_lowered  }
0x9b: {  	s22 =	simm.s32 $0x1BFF;
	s21 =	sshll.u32 s6, $0x1;
	s3 =	sadd.s32 s4, s19  }
0x9c: {  	s7 =	simm.s32 $0x0;
	s20 =	sshll.u32 s5, $0x1;
	s5 =	sadd.s32 s21, s3  }
0x9d: {  	[timem:s7], [sflag:s22] =	dma.local [hbm:s5], s20  }
0x9e: {  	_ =	swait.ge [sflag:s22], s20  }
0x9f: {  	s4 =	ssub.s32 $0x0, s20;
	[sflag:s22] =	ssyncset.done $0x0  }
0xa0: {  	[sflag:s22] =	ssyncadd.s32 s4;
	_ =	sdelay $0x1  }
0xa1: {  	s23 =	simm.s32 $0x1B8B  }
0xa2: {  	_ =	swait.ge [sflag:s23], $0x1  }
0xa3: {  	[sflag:s23] =	ssyncset.done $0x0  }
0xa4: {  	s25 =	simm.s32 $0x1B8E;
	s24 =	sld [smem:$0x3FFE];
	[sflag:s23] =	ssyncadd.s32 $0xFFFFFFFF  }
0xa5: {  	s26 =	simm.s32 $execute0_lowered;
	[smem:$0x3FD2] =	sst s25  }
0xa6: {  	s5 =	sshll.u32 s26, $0x1;
	_ =	strace $0x80000046;
	[dreg:$0x1] =	wrdreg $0xFFFFFFFF  }
0xa7: {  	s28 =	simm.s32 $_size_execute0_lowered;
	s3 =	sadd.s32 s3, s5;
	[dreg:$0x0] =	wrdreg $0x0  }
0xa8: {  	s5 =	sshll.u32 s28, $0x1;
	[dreg:$0x2] =	wrdreg s3  }
0xa9: {  	[dreg:$0x3] =	wrdreg s5  }
0xaa: {  	[dreg:$0x4] =	wrdreg $0xC0  }
0xab: {  	_ =	task [dreg:s7], $0x5FFFF  }
0xac: {  	[dreg:$0x1] =	wrdreg $0xFFFFFFFF  }
0xad: {  	[dreg:$0x0] =	wrdreg $0x60  }
0xae: {  	[dreg:$0x2] =	wrdreg s24  }
0xaf: {  	[dreg:$0x3] =	wrdreg s2  }
0xb0: {  	[dreg:$0x4] =	wrdreg $0x6BD00  }
0xb1: {  	[dreg:$0x5] =	wrdreg $0x1F2700  }
0xb2: {  	[dreg:$0x6] =	wrdreg $0x9  }
0xb3: {  	_ =	task.clear_ibuf [dreg:s7], $0x7FFFF;
	_ =	strace $0x90000046  }
0xb4: {  	s29 =	simm.s32 $0x9;
	_ =	strace $0x80000048  }
0xb5: {  	_ =	swait.ge [sflag:s29], $0x1  }
0xb6: {  	[sflag:s29] =	ssyncadd.s32 $0xFFFFFFFF  }
0xb7: {  	_ =	strace $0x90000048  }
0xb8: {  	_ =	sfence  }
0xb9: {  	s30 =	sld [smem:$0x0];
	_ =	sdelay $0x2  }
0xba: {  	s31 =	sshll.u32 s1, $0xD;
	s1 =	sshrl.u32 s1, $0x2  }
0xbb: {  	s3 =	sand.u32 $0x4000, s31;
	s1 =	sadd.s32 s1, s30  }
0xbc: {  	s0 =	sor.u32 s3, s0;
	s1 =	sshll.u32 s1, $0x11  }
0xbd: {  	s0 =	sor.u32 s1, s0  }
0xbe: {  	s0 =	sadd.s32 $0x8F2B, s0  }
0xbf: {  	[sflag:s0] =	ssyncadd.remote.s32 $0x1  }
0xc0: {  	_ =	sfence.sel $0xFFFF  }
0xc1: {  	[dreg:$0x0] =	wrdreg $0xFFFFFFFF;
	(pc) =	sbr.abs _section_cstart, $3  }
0xc2: {  	[dreg:$0x1] =	wrdreg $0xFFFFFFFF  }
0xc3: {  	_ =	task.clear_ibuf [dreg:s7], $0x2FFFF;
	_ =	strace $0x9FFFFFFF  }
0xc4: {  	(tm) =	ssettm $0x7FFFFFFF  }
0xc5: {  	_ =	shalt  }
tec
execute0_lowered:
.L_overlay_start_1:
0x0: {  	(tag) =	ssettag $0x1  }
0x1: {  	s1 =	rddreg [dreg:$0x0]  }
0x2: {  	s3 =	rddreg [dreg:$0x1]  }
0x3: {  	s0 =	simm.s32 $0x0;
	s2 =	srdreg.scid;
	s20 =	stileid.u32  }
0x4: {  	[smem:$0x7FF] =	sst s0;
	s4 =	sand.u32 $0x1, s2;
	s5 =	sadd.s32 $0x38000, s1  }
0x5: {  	s7 =	smul.u32 $0xC80, s20;
	s2 =	sadd.s32 $0x6A000, s1;
	s8 =	sadd.s32 $0x1F800, s1  }
0x6: {  	s11 =	smul.u32 $0xC350, s20;
	s6 =	ssub.s32 $0x2, s4;
	p0 =	seq.s32 s4, $0x0  }
0x7: {  	s9 =	sshrl.u32 s6, $0x1;
	s12 =	sshrl.u32 s7, $0x3;
	s4 =	sadd.s32 $0x320, s7  }
0x8: {  	s17 =	sadd.s32 $0xAF0, s7;
	s2 =	smov.u32 @p0 s5;
	s6 =	ssub.s32 s6, s9  }
0x9: {  	s9 =	sadd.s32 $0x190, s7;
	s21 =	sadd.s32 s3, s12;
	s12 =	sadd.s32 $0x4B0, s7  }
0xa: {  	s14 =	sshrl.u32 s4, $0x3;
	s13 =	sshrl.u32 s9, $0x3;
	[dreg:$0x5] =	wrdreg s21  }
0xb: {  	s15 =	sshrl.u32 s12, $0x3;
	s14 =	sadd.s32 s3, s14;
	s22 =	sadd.s32 s3, s13  }
0xc: {  	s13 =	sadd.s32 $0x640, s7;
	[dreg:$0x7] =	wrdreg s14;
	s23 =	sadd.s32 s3, s15  }
0xd: {  	s15 =	sadd.s32 $0x7D0, s7;
	[dreg:$0x6] =	wrdreg s22;
	s16 =	sshrl.u32 s13, $0x3  }
0xe: {  	[dreg:$0x8] =	wrdreg s23;
	s25 =	sshrl.u32 s15, $0x3;
	s24 =	sadd.s32 s3, s16  }
0xf: {  	s16 =	sadd.s32 $0x960, s7;
	s14 =	sadd.s32 s3, s25;
	[dreg:$0x9] =	wrdreg s24  }
0x10: {  	s19 =	sshrl.u32 s17, $0x3;
	s18 =	sshrl.u32 s16, $0x3;
	[dreg:$0xa] =	wrdreg s14  }
0x11: {  	s14 =	rddreg [dreg:$0x2];
	s26 =	sadd.s32 s3, s18;
	s3 =	sadd.s32 s3, s19  }
0x12: {  	s18 =	sshrl.u32 s11, $0x3;
	s19 =	sadd.s32 $0x7000, s1;
	[dreg:$0xb] =	wrdreg s26  }
0x13: {  	[dreg:$0xc] =	wrdreg s3;
	s11 =	sadd.s32 s8, s18;
	s21 =	sadd.s32 s19, s18  }
0x14: {  	s22 =	sadd.s32 $0x32, s18;
	s5 =	sadd.s32 $0x1838, s18;
	s18 =	rddreg [dreg:$0x3]  }
0x15: {  	[dreg:$0xe] =	wrdreg s11  }
0x16: {  	[dreg:$0xf] =	wrdreg s21;
	s23 =	sadd.s32 s8, s22  }
0x17: {  	s10 =	sadd.s32 $0x9C000, s1;
	s11 =	sadd.s32 s19, s22;
	[dreg:$0x10] =	wrdreg s23  }
0x18: {  	s25 =	sadd.s32 $0xCE000, s1;
	s26 =	sadd.s32 s8, s5;
	[dreg:$0x11] =	wrdreg s11  }
0x19: {  	s25 =	smov.u32 @p0 s10;
	s5 =	sadd.s32 s19, s5;
	[dreg:$0x12] =	wrdreg s26  }
0x1a: {  	s24 =	smul.u32 $0x186A, s20;
	s10 =	smax.u32 s6, $0x1;
	[dreg:$0x13] =	wrdreg s5  }
0x1b: {  	s11 =	sadd.s32 s9, s18;
	_ =	strace $0x80000047;
	[dreg:$0x14] =	wrdreg s10  }
0x1c: {  	s28 =	simm.s32 $0x6A40;
	s4 =	sadd.s32 s4, s18;
	[dreg:$0x15] =	wrdreg s11  }
0x1d: {  	s21 =	sadd.s32 s24, s19;
	s19 =	sadd.s32 s12, s18;
	[dreg:$0x16] =	wrdreg s4  }
0x1e: {  	s29 =	simm.s32 $0x190;
	s26 =	sadd.s32 s13, s18;
	[dreg:$0x17] =	wrdreg s19  }
0x1f: {  	s30 =	simm.s32 $0x1;
	s5 =	sadd.s32 s15, s18;
	[dreg:$0x18] =	wrdreg s26  }
0x20: {  	s22 =	sadd.s32 s24, s8;
	s6 =	sadd.s32 s16, s18;
	[dreg:$0x19] =	wrdreg s5  }
0x21: {  	s24 =	sadd.s32 s7, s18;
	s7 =	sadd.s32 s17, s18;
	[dreg:$0x1a] =	wrdreg s6  }
0x22: {  	s3 =	smul.u32 $0xC38, s20;
	s9 =	sadd.s32 $0xFF380, s1;
	[dreg:$0x1b] =	wrdreg s7  }
0x23: {  	s31 =	simm.s32 $0x3520;
	p1 =	seq.s32 s20, $0xF;
	[dreg:$0x1d] =	wrdreg s9  }
0x24: {  	s3 =	simm.s32 @p1 $0xB718;
	s10 =	sadd.s32 $0xCCD40, s1;
	[dreg:$0xd] =	wrdreg s25  }
0x25: {  	s8 =	sshll.u32 s3, $0x5;
	s26 =	sadd.s32 $0x320, s24;
	[dreg:$0x1e] =	wrdreg s10  }
0x26: {  	s23 =	sadd.s32 s8, s14;
	s8 =	sadd.s32 $0xFED40, s1;
	[smem:$0x7FD] =	sst s26  }
0x27: {  	s3 =	sshll.u32 s3, $0x2;
	s1 =	sadd.s32 $0xCD380, s1;
	[dreg:$0x1c] =	wrdreg s8  }
0x28: {  	p1 =	sne.s32 s20, $0x0;
	s11 =	sadd.s32 s25, s3;
	[dreg:$0x1f] =	wrdreg s1  }
0x29: {  	s4 =	simm.s32 $0x3;
	s25 =	sadd.s32 $0x190, s24;
	[smem:$0x7F4] =	sst s11  }
0x2a: {  	s5 =	simm.s32 $0x5;
	s12 =	sadd.s32 $0x15E00, s23;
	[smem:$0x7FC] =	sst s25  }
0x2b: {  	s6 =	simm.s32 $0x6;
	s13 =	sadd.s32 $0x3200, s23;
	[smem:$0x7F5] =	sst s12  }
0x2c: {  	s7 =	simm.s32 $0x0;
	s15 =	sadd.s32 $0x6400, s23;
	[smem:$0x7F6] =	sst s13  }
0x2d: {  	s26 =	simm.s32 $0x7;
	s16 =	sadd.s32 $0x9600, s23;
	[smem:$0x7F7] =	sst s15  }
0x2e: {  	s3 =	simm.s32 $0x3840;
	s17 =	sadd.s32 $0xC800, s23;
	[smem:$0x7F8] =	sst s16  }
.Ltmp0:
0x2f: {  	s19 =	sadd.s32 $0xFA00, s23;
	[smem:$0x7F9] =	sst s17;
	(pc) =	sbr.rel .LBB2_1-.Ltmp0, $4  }
0x30: {  	s20 =	sadd.s32 $0x12C00, s23;
	s25 =	simm.s32 $0x320;
	[smem:$0x7FA] =	sst s19  }
0x31: {  	s11 =	simm.s32 $0x2;
	s1 =	simm.s32 $0x4;
	[smem:$0x7FB] =	sst s20  }
0x32: {  	s13 =	sadd.s32 $0x4B0, s24;
	s15 =	sadd.s32 $0x640, s24;
	s17 =	sadd.s32 $0x7D0, s24  }
0x33: {  	v0 =	vimm.f32 $0.0e+00;
	v1 =	vimm.f32 $1.000000000e+00;
	s19 =	sadd.s32 $0x960, s24;
	s20 =	sadd.s32 $0xAF0, s24;
	s16 =	simm.s32 $0x36B0  }
.LBB2_8:
0x34: {  	[tilespmem:s9+$0x320] =	vst v0  }
0x35: {  	[tilespmem:s9+$0x330] =	vst v0;
	s8 =	simm.s32 @p0 $0x0;
	s9 =	simm.s32 @p0 $0x320;
	s10 =	rddreg [dreg:$0x1e]  }
0x36: {  	[hbm4b:s10+s8] =	stream.linear.scatter @p0 [tilespmem:s9], [sflag:$0x8], $0x3200, $0x38;
	[tilespmem:$0x1FEF0] =	vst v63  }
0x37: {  	s10 =	simm.s32 @p0 $0x8  }
0x38: {  	_ =	swait.ge @p0 [sflag:s10], $0x3200  }
0x39: {  	[sflag:s10] =	ssyncset.done @p0 $0x0  }
0x3a: {  	s12 =	rddreg [dreg:$0x1f];
	[sflag:s10] =	ssyncadd.s32 @p0 $0xFFFFCE00  }
0x3b: {  	[hbm4b:s12+s8] =	stream.linear.scatter @p0 [tilespmem:s9], [sflag:$0x8], $0x3200, $0x38;
	[tilespmem:$0x1FEF0] =	vst v63  }
0x3c: {  	_ =	swait.ge @p0 [sflag:s10], $0x3200  }
0x3d: {  	s8 =	simm.s32 @!p0 $0x0;
	[sflag:s10] =	ssyncset.done @p0 $0x0  }
0x3e: {  	s9 =	simm.s32 @!p0 $0x320;
	[sflag:s10] =	ssyncadd.s32 @p0 $0xFFFFCE00;
	s10 =	rddreg [dreg:$0x1c]  }
0x3f: {  	[hbm4b:s10+s8] =	stream.linear.scatter @!p0 [tilespmem:s9], [sflag:$0x7], $0x3200, $0x38;
	[tilespmem:$0x1FEF0] =	vst v63  }
0x40: {  	s10 =	simm.s32 @!p0 $0x7  }
0x41: {  	_ =	swait.ge @!p0 [sflag:s10], $0x3200  }
0x42: {  	[sflag:s10] =	ssyncset.done @!p0 $0x0  }
0x43: {  	s12 =	rddreg [dreg:$0x1d];
	[sflag:s10] =	ssyncadd.s32 @!p0 $0xFFFFCE00  }
0x44: {  	[hbm4b:s12+s8] =	stream.linear.scatter @!p0 [tilespmem:s9], [sflag:$0x7], $0x3200, $0x38;
	[tilespmem:$0x1FEF0] =	vst v63  }
0x45: {  	_ =	swait.ge @!p0 [sflag:s10], $0x3200  }
0x46: {  	[sflag:s10] =	ssyncset.done @!p0 $0x0;
	s12 =	rddreg [dreg:$0xd]  }
0x47: {  	[sflag:s10] =	ssyncadd.s32 @!p0 $0xFFFFCE00;
	s10 =	simm.s32 @p0 $0x8;
	s8 =	sadd.s32 $0x319C0, s12  }
0x48: {  	[hbm4b:s8+s0] =	stream.linear.scatter [tilespmem:s25], [sflag:s10], $0x3200, $0x38;
	[tilespmem:$0x1FEF0] =	vst v63  }
0x49: {  	_ =	swait.ge [sflag:s10], $0x3200  }
0x4a: {  	[sflag:s10] =	ssyncset.done $0x0  }
0x4b: {  	[sflag:s10] =	ssyncadd.s32 $0xFFFFCE00  }
.LBB2_9:
0x4c: {  	s7 =	sadd.s32 $0x1, s7;
	s8 =	rddreg [dreg:$0x14]  }
0x4d: {  	p2 =	sne.s32 s7, s8  }
.Ltmp1:
0x4e: {  	_ = 	snop;
	(pc) =	sbr.rel @!p2 .LBB2_10-.Ltmp1, $1  }
0x4f: {  	_ =	sdelay $0x3  }
.LBB2_1:
0x50: {  	s8 =	simm.s32 $0x80;
	s9 =	simm.s32 $0x0  }
.LBB2_2:
0x51: {  	p2 =	sne.s32 s8, $0xC780;
	[tilespmem:s9+$0x320] =	vst v0;
	s10 =	smov.u32 s8;
	s8 =	sadd.s32 $0x80, s8  }
.Ltmp2:
0x52: {  	[tilespmem:s9+$0x330] =	vst v0;
	(pc) =	sbr.rel @p2 .LBB2_2-.Ltmp2, $2  }
0x53: {  	_ =	sdelay $0x2  }
0x54: {  	s9 =	sshra.s32 s10, $0x2  }
0x55: {  	[tilespmem:s9+$0x320] =	vst v0  }
0x56: {  	[tilespmem:s9+$0x330] =	vst v0  }
0x57: {  	[spmem:s23] =	stream.linear.scatter [tilespmem:s25], [sflag:$0x7], $0x3200, $0x38;
	[tilespmem:$0x1FEF0] =	vst v63  }
0x58: {  	_ =	swait.ge [sflag:s26], $0x3200  }
0x59: {  	s8 =	sld [smem:$0x7F6]  }
0x5a: {  	[sflag:s26] =	ssyncset.done $0x0  }
0x5b: {  	[sflag:s26] =	ssyncadd.s32 $0xFFFFCE00  }
0x5c: {  	[spmem:s8] =	stream.linear.scatter [tilespmem:s25], [sflag:$0x7], $0x3200, $0x38;
	[tilespmem:$0x1FEF0] =	vst v63  }
0x5d: {  	_ =	swait.ge [sflag:s26], $0x3200  }
0x5e: {  	s12 =	sld [smem:$0x7F7]  }
0x5f: {  	[sflag:s26] =	ssyncset.done $0x0  }
0x60: {  	[sflag:s26] =	ssyncadd.s32 $0xFFFFCE00  }
0x61: {  	[spmem:s12] =	stream.linear.scatter [tilespmem:s25], [sflag:$0x7], $0x3200, $0x38;
	[tilespmem:$0x1FEF0] =	vst v63  }
0x62: {  	_ =	swait.ge [sflag:s26], $0x3200  }
0x63: {  	s9 =	sld [smem:$0x7F8]  }
0x64: {  	[sflag:s26] =	ssyncset.done $0x0  }
0x65: {  	[sflag:s26] =	ssyncadd.s32 $0xFFFFCE00  }
0x66: {  	[spmem:s9] =	stream.linear.scatter [tilespmem:s25], [sflag:$0x7], $0x3200, $0x38;
	[tilespmem:$0x1FEF0] =	vst v63  }
0x67: {  	_ =	swait.ge [sflag:s26], $0x3200  }
0x68: {  	s10 =	sld [smem:$0x7F9]  }
0x69: {  	[sflag:s26] =	ssyncset.done $0x0  }
0x6a: {  	[sflag:s26] =	ssyncadd.s32 $0xFFFFCE00  }
0x6b: {  	[spmem:s10] =	stream.linear.scatter [tilespmem:s25], [sflag:$0x7], $0x3200, $0x38;
	[tilespmem:$0x1FEF0] =	vst v63  }
0x6c: {  	_ =	swait.ge [sflag:s26], $0x3200  }
0x6d: {  	s12 =	sld [smem:$0x7FA]  }
0x6e: {  	[sflag:s26] =	ssyncset.done $0x0  }
0x6f: {  	[sflag:s26] =	ssyncadd.s32 $0xFFFFCE00  }
0x70: {  	[spmem:s12] =	stream.linear.scatter [tilespmem:s25], [sflag:$0x7], $0x3200, $0x38;
	[tilespmem:$0x1FEF0] =	vst v63  }
0x71: {  	_ =	swait.ge [sflag:s26], $0x3200  }
0x72: {  	s9 =	sld [smem:$0x7FB]  }
0x73: {  	[sflag:s26] =	ssyncset.done $0x0  }
0x74: {  	[sflag:s26] =	ssyncadd.s32 $0xFFFFCE00  }
0x75: {  	[spmem:s9] =	stream.linear.scatter [tilespmem:s25], [sflag:$0x7], $0x3200, $0x38;
	[tilespmem:$0x1FEF0] =	vst v63  }
0x76: {  	_ =	swait.ge [sflag:s26], $0x3200  }
0x77: {  	s10 =	sld [smem:$0x7F5]  }
0x78: {  	[sflag:s26] =	ssyncset.done $0x0  }
0x79: {  	[sflag:s26] =	ssyncadd.s32 $0xFFFFCE00  }
0x7a: {  	[spmem:s10] =	stream.linear.scatter [tilespmem:s25], [sflag:$0x7], $0x2900, $0x38;
	[tilespmem:$0x1FEF0] =	vst v63  }
0x7b: {  	_ =	swait.ge [sflag:s26], $0x2900  }
0x7c: {  	[sflag:s26] =	ssyncset.done $0x0  }
0x7d: {  	[sflag:s26] =	ssyncadd.s32 $0xFFFFD700  }
0x7e: {  	[tilespmem:$0x6A40] =	vst v0  }
0x7f: {  	[tilespmem:$0x6A50] =	vst v0  }
0x80: {  	[tilespmem:$0x6A60] =	vst v0  }
0x81: {  	[tilespmem:$0x6A70] =	vst v0  }
0x82: {  	[tilespmem:$0x6A80] =	vst v0  }
0x83: {  	[tilespmem:$0x6A90] =	vst v0  }
0x84: {  	[tilespmem:$0x6AA0] =	vst v0  }
0x85: {  	[tilespmem:$0x6AB0] =	vst v0  }
0x86: {  	[tilespmem:$0x6AC0] =	vst v0  }
0x87: {  	[tilespmem:$0x6AD0] =	vst v0  }
0x88: {  	[tilespmem:$0x6AE0] =	vst v0  }
0x89: {  	[tilespmem:$0x6AF0] =	vst v0  }
0x8a: {  	[tilespmem:$0x6B00] =	vst v0  }
0x8b: {  	[tilespmem:$0x6B10] =	vst v0  }
0x8c: {  	[tilespmem:$0x6B20] =	vst v0  }
0x8d: {  	[tilespmem:$0x6B30] =	vst v0  }
0x8e: {  	[tilespmem:$0x6B40] =	vst v0  }
0x8f: {  	[tilespmem:$0x6B50] =	vst v0  }
0x90: {  	[tilespmem:$0x6B60] =	vst v0  }
0x91: {  	[tilespmem:$0x6B70] =	vst v0  }
0x92: {  	[tilespmem:$0x6B80] =	vst v0  }
0x93: {  	[tilespmem:$0x6B90] =	vst v0  }
0x94: {  	[tilespmem:$0x6BA0] =	vst v0  }
0x95: {  	[tilespmem:$0x6BB0] =	vst v0  }
0x96: {  	[tilespmem:$0x6BC0] =	vst v0  }
0x97: {  	[spmem:s24] =	stream.linear.scatter [tilespmem:s28], [sflag:$0x7], $0x190, $0x38;
	[tilespmem:$0x1FEF0] =	vst v63  }
0x98: {  	_ =	swait.ge [sflag:s26], $0x190  }
0x99: {  	s12 =	sld [smem:$0x7FC]  }
0x9a: {  	[sflag:s26] =	ssyncset.done $0x0  }
0x9b: {  	[sflag:s26] =	ssyncadd.s32 $0xFFFFFE70  }
0x9c: {  	[spmem:s12] =	stream.linear.scatter [tilespmem:s28], [sflag:$0x7], $0x190, $0x38;
	[tilespmem:$0x1FEF0] =	vst v63  }
0x9d: {  	_ =	swait.ge [sflag:s26], $0x190  }
0x9e: {  	s9 =	sld [smem:$0x7FD]  }
0x9f: {  	[sflag:s26] =	ssyncset.done $0x0  }
0xa0: {  	[sflag:s26] =	ssyncadd.s32 $0xFFFFFE70  }
0xa1: {  	[spmem:s9] =	stream.linear.scatter [tilespmem:s28], [sflag:$0x7], $0x190, $0x38;
	[tilespmem:$0x1FEF0] =	vst v63  }
0xa2: {  	_ =	swait.ge [sflag:s26], $0x190  }
0xa3: {  	[sflag:s26] =	ssyncset.done $0x0  }
0xa4: {  	[sflag:s26] =	ssyncadd.s32 $0xFFFFFE70  }
0xa5: {  	[spmem:s13] =	stream.linear.scatter [tilespmem:s28], [sflag:$0x7], $0x190, $0x38;
	[tilespmem:$0x1FEF0] =	vst v63  }
0xa6: {  	_ =	swait.ge [sflag:s26], $0x190  }
0xa7: {  	[sflag:s26] =	ssyncset.done $0x0  }
0xa8: {  	[sflag:s26] =	ssyncadd.s32 $0xFFFFFE70  }
0xa9: {  	[spmem:s15] =	stream.linear.scatter [tilespmem:s28], [sflag:$0x7], $0x190, $0x38;
	[tilespmem:$0x1FEF0] =	vst v63  }
0xaa: {  	_ =	swait.ge [sflag:s26], $0x190  }
0xab: {  	[sflag:s26] =	ssyncset.done $0x0  }
0xac: {  	[sflag:s26] =	ssyncadd.s32 $0xFFFFFE70  }
0xad: {  	[spmem:s17] =	stream.linear.scatter [tilespmem:s28], [sflag:$0x7], $0x190, $0x38;
	[tilespmem:$0x1FEF0] =	vst v63  }
0xae: {  	_ =	swait.ge [sflag:s26], $0x190  }
0xaf: {  	[sflag:s26] =	ssyncset.done $0x0  }
0xb0: {  	[sflag:s26] =	ssyncadd.s32 $0xFFFFFE70  }
0xb1: {  	[spmem:s19] =	stream.linear.scatter [tilespmem:s28], [sflag:$0x7], $0x190, $0x38;
	[tilespmem:$0x1FEF0] =	vst v63  }
0xb2: {  	_ =	swait.ge [sflag:s26], $0x190  }
0xb3: {  	[sflag:s26] =	ssyncset.done $0x0  }
0xb4: {  	[sflag:s26] =	ssyncadd.s32 $0xFFFFFE70  }
0xb5: {  	[spmem:s20] =	stream.linear.scatter [tilespmem:s28], [sflag:$0x7], $0x190, $0x38;
	[tilespmem:$0x1FEF0] =	vst v63  }
0xb6: {  	_ =	swait.ge [sflag:s26], $0x190  }
0xb7: {  	[sflag:s26] =	ssyncset.done $0x0  }
0xb8: {  	[sflag:s26] =	ssyncadd.s32 $0xFFFFFE70  }
0xb9: {  	[tilespmem:$0x6A40] =	vst v1  }
0xba: {  	[tilespmem:$0x6A50] =	vst v1  }
0xbb: {  	[tilespmem:$0x6A60] =	vst v1  }
0xbc: {  	[tilespmem:$0x6A70] =	vst v1  }
0xbd: {  	[tilespmem:$0x6A80] =	vst v1  }
0xbe: {  	[tilespmem:$0x6A90] =	vst v1  }
0xbf: {  	[tilespmem:$0x6AA0] =	vst v1  }
0xc0: {  	[tilespmem:$0x6AB0] =	vst v1  }
0xc1: {  	[tilespmem:$0x6AC0] =	vst v1  }
0xc2: {  	[tilespmem:$0x6AD0] =	vst v1  }
0xc3: {  	[tilespmem:$0x6AE0] =	vst v1  }
0xc4: {  	[tilespmem:$0x6AF0] =	vst v1  }
0xc5: {  	[tilespmem:$0x6B00] =	vst v1  }
0xc6: {  	[tilespmem:$0x6B10] =	vst v1  }
0xc7: {  	[tilespmem:$0x6B20] =	vst v1  }
0xc8: {  	[tilespmem:$0x6B30] =	vst v1  }
0xc9: {  	[tilespmem:$0x6B40] =	vst v1  }
0xca: {  	[tilespmem:$0x6B50] =	vst v1  }
0xcb: {  	[tilespmem:$0x6B60] =	vst v1  }
0xcc: {  	[tilespmem:$0x6B70] =	vst v1  }
0xcd: {  	[tilespmem:$0x6B80] =	vst v1  }
0xce: {  	[tilespmem:$0x6B90] =	vst v1  }
0xcf: {  	[tilespmem:$0x6BA0] =	vst v1  }
0xd0: {  	[tilespmem:$0x6BB0] =	vst v1  }
0xd1: {  	[tilespmem:$0x6BC0] =	vst v1  }
0xd2: {  	[bflag:$0x0] =	sbarrier.arrive $0xFFFF  }
0xd3: {  	s10 =	rddreg [dreg:$0xe]  }
0xd4: {  	[tilespmem:s0], [sflag:$0x1] =	stream.linear.gather [hbm4b:s10+s0], $0x190, $0x38;
	[tilespmem:$0x1FEF0] =	vst v63  }
0xd5: {  	s12 =	rddreg [dreg:$0xf]  }
0xd6: {  	[tilespmem:s29], [sflag:$0x1] =	stream.linear.gather [hbm4b:s12+s0], $0x190, $0x38;
	[tilespmem:$0x1FEF0] =	vst v63  }
0xd7: {  	_ =	swait.ge [sflag:s30], $0x190  }
0xd8: {  	[sflag:s30] =	ssyncset.done $0x0  }
0xd9: {  	[sflag:s30] =	ssyncadd.s32 $0xFFFFFE70  }
0xda: {  	_ =	swait.ge [sflag:s30], $0x190  }
0xdb: {  	[sflag:s30] =	ssyncset.done $0x0  }
0xdc: {  	[sflag:s30] =	ssyncadd.s32 $0xFFFFFE70  }
0xdd: {  	[tilespmem:s25], [sflag:$0x2] =	stream.indirect.gather [hbm4b:s2+s29], $0x20, s0, s29, $0xb8;
	[tilespmem:$0x1FEF0] =	vst v63  }
0xde: {  	s9 =	rddreg [dreg:$0x10]  }
0xdf: {  	[tilespmem:s31], [sflag:$0x4] =	stream.linear.gather [hbm4b:s9+s0], $0x190, $0x38;
	[tilespmem:$0x1FEF0] =	vst v63  }
0xe0: {  	s10 =	rddreg [dreg:$0x11]  }
0xe1: {  	[tilespmem:s16], [sflag:$0x4] =	stream.linear.gather [hbm4b:s10+s0], $0x190, $0x38;
	[tilespmem:$0x1FEF0] =	vst v63  }
0xe2: {  	_ =	swait.ge [sflag:s11], $0x3200  }
0xe3: {  	[sflag:s11] =	ssyncset.done $0x0  }
0xe4: {  	[sflag:s11] =	ssyncadd.s32 $0xFFFFCE00  }
0xe5: {  	[spmem:s14] =	stream.indirect.scatter.add.f32 [tilespmem:s25], [sflag:$0x3], $0x20, s29, s29, $0xb8;
	[tilespmem:$0x1FEF0] =	vst v63  }
0xe6: {  	_ = 	snop  }
0xe7: {  	[spmem:s18] =	stream.indirect.scatter.add.f32 [tilespmem:s28], [sflag:$0x3], $0x1, s29, s29, $0xb8;
	[tilespmem:$0x1FEF0] =	vst v63  }
0xe8: {  	_ =	swait.ge [sflag:s1], $0x190  }
0xe9: {  	[sflag:s1] =	ssyncset.done $0x0  }
0xea: {  	[sflag:s1] =	ssyncadd.s32 $0xFFFFFE70  }
0xeb: {  	_ =	swait.ge [sflag:s1], $0x190  }
0xec: {  	[sflag:s1] =	ssyncset.done $0x0  }
0xed: {  	[sflag:s1] =	ssyncadd.s32 $0xFFFFFE70  }
0xee: {  	[tilespmem:s3], [sflag:$0x5] =	stream.indirect.gather [hbm4b:s2+s29], $0x20, s31, s29, $0xb8;
	[tilespmem:$0x1FEF0] =	vst v63  }
0xef: {  	_ =	swait.ge [sflag:s4], $0x3200  }
0xf0: {  	[sflag:s4] =	ssyncset.done $0x0  }
0xf1: {  	[sflag:s4] =	ssyncadd.s32 $0xFFFFCE00  }
0xf2: {  	_ =	swait.ge [sflag:s4], $0x190  }
0xf3: {  	s8 =	sadd.s32 $0xFFFFE82C, s22;
	[sflag:s4] =	ssyncset.done $0x0  }
0xf4: {  	s12 =	sadd.s32 $0x1838, s8;
	s10 =	sadd.s32 $0xFFFFE82C, s21;
	[sflag:s4] =	ssyncadd.s32 $0xFFFFFE70  }
0xf5: {  	[tilespmem:s0], [sflag:$0x1] =	stream.linear.gather [hbm4b:s12+s0], $0x190, $0x38;
	[tilespmem:$0x1FEF0] =	vst v63  }
0xf6: {  	s12 =	sadd.s32 $0x1838, s10  }
0xf7: {  	[tilespmem:s29], [sflag:$0x1] =	stream.linear.gather [hbm4b:s12+s0], $0x190, $0x38;
	[tilespmem:$0x1FEF0] =	vst v63  }
0xf8: {  	_ =	swait.ge [sflag:s5], $0x3200  }
0xf9: {  	[sflag:s5] =	ssyncset.done $0x0  }
0xfa: {  	[sflag:s5] =	ssyncadd.s32 $0xFFFFCE00  }
0xfb: {  	[spmem:s14] =	stream.indirect.scatter.add.f32 [tilespmem:s3], [sflag:$0x6], $0x20, s16, s29, $0xb8;
	[tilespmem:$0x1FEF0] =	vst v63  }
0xfc: {  	_ = 	snop  }
0xfd: {  	[spmem:s18] =	stream.indirect.scatter.add.f32 [tilespmem:s28], [sflag:$0x6], $0x1, s16, s29, $0xb8;
	[tilespmem:$0x1FEF0] =	vst v63  }
0xfe: {  	_ =	swait.ge [sflag:s30], $0x190  }
0xff: {  	[sflag:s30] =	ssyncset.done $0x0  }
0x100: {  	[sflag:s30] =	ssyncadd.s32 $0xFFFFFE70  }
0x101: {  	_ =	swait.ge [sflag:s30], $0x190  }
0x102: {  	[sflag:s30] =	ssyncset.done $0x0  }
0x103: {  	[sflag:s30] =	ssyncadd.s32 $0xFFFFFE70  }
0x104: {  	[tilespmem:s25], [sflag:$0x2] =	stream.indirect.gather [hbm4b:s2+s29], $0x20, s0, s29, $0xb8;
	[tilespmem:$0x1FEF0] =	vst v63  }
0x105: {  	_ =	swait.ge [sflag:s6], $0x3200  }
0x106: {  	[sflag:s6] =	ssyncset.done $0x0  }
0x107: {  	[sflag:s6] =	ssyncadd.s32 $0xFFFFCE00  }
0x108: {  	_ =	swait.ge [sflag:s6], $0x190  }
0x109: {  	[sflag:s6] =	ssyncset.done $0x0  }
0x10a: {  	s8 =	sadd.s32 $0x186A, s8;
	[sflag:s6] =	ssyncadd.s32 $0xFFFFFE70  }
0x10b: {  	[tilespmem:s31], [sflag:$0x4] =	stream.linear.gather [hbm4b:s8+s0], $0x190, $0x38;
	[tilespmem:$0x1FEF0] =	vst v63  }
0x10c: {  	s12 =	sadd.s32 $0x186A, s10  }
0x10d: {  	[tilespmem:s16], [sflag:$0x4] =	stream.linear.gather [hbm4b:s12+s0], $0x190, $0x38;
	[tilespmem:$0x1FEF0] =	vst v63  }
0x10e: {  	_ =	swait.ge [sflag:s11], $0x3200  }
0x10f: {  	[sflag:s11] =	ssyncset.done $0x0  }
0x110: {  	s8 =	simm.s32 $0xFFFFE890;
	[sflag:s11] =	ssyncadd.s32 $0xFFFFCE00  }
0x111: {  	[spmem:s14] =	stream.indirect.scatter.add.f32 [tilespmem:s25], [sflag:$0x3], $0x20, s29, s29, $0xb8;
	[tilespmem:$0x1FEF0] =	vst v63  }
.LBB2_4:
0x112: {  	[spmem:s18] =	stream.indirect.scatter.add.f32 [tilespmem:s28], [sflag:$0x3], $0x1, s29, s29, $0xb8;
	[tilespmem:$0x1FEF0] =	vst v63  }
0x113: {  	s9 =	smov.u32 s8  }
0x114: {  	p2 =	sne.s32 s8, $0xFFFFFF9C;
	s8 =	sadd.s32 $0x64, s8;
	_ =	swait.ge [sflag:s1], $0x190  }
0x115: {  	[sflag:s1] =	ssyncset.done $0x0  }
0x116: {  	[sflag:s1] =	ssyncadd.s32 $0xFFFFFE70  }
0x117: {  	_ =	swait.ge [sflag:s1], $0x190  }
0x118: {  	[sflag:s1] =	ssyncset.done $0x0  }
0x119: {  	[sflag:s1] =	ssyncadd.s32 $0xFFFFFE70  }
0x11a: {  	[tilespmem:s3], [sflag:$0x5] =	stream.indirect.gather [hbm4b:s2+s29], $0x20, s31, s29, $0xb8;
	[tilespmem:$0x1FEF0] =	vst v63  }
0x11b: {  	_ =	swait.ge [sflag:s4], $0x3200  }
0x11c: {  	[sflag:s4] =	ssyncset.done $0x0  }
0x11d: {  	[sflag:s4] =	ssyncadd.s32 $0xFFFFCE00  }
0x11e: {  	_ =	swait.ge [sflag:s4], $0x190  }
0x11f: {  	s10 =	sadd.s32 s9, s22;
	[sflag:s4] =	ssyncset.done $0x0  }
0x120: {  	s9 =	sadd.s32 s9, s21;
	s12 =	sadd.s32 $0x1838, s10;
	[sflag:s4] =	ssyncadd.s32 $0xFFFFFE70  }
0x121: {  	[tilespmem:s0], [sflag:$0x1] =	stream.linear.gather [hbm4b:s12+s0], $0x190, $0x38;
	[tilespmem:$0x1FEF0] =	vst v63  }
0x122: {  	s12 =	sadd.s32 $0x1838, s9  }
0x123: {  	[tilespmem:s29], [sflag:$0x1] =	stream.linear.gather [hbm4b:s12+s0], $0x190, $0x38;
	[tilespmem:$0x1FEF0] =	vst v63  }
0x124: {  	_ =	swait.ge [sflag:s5], $0x3200  }
0x125: {  	[sflag:s5] =	ssyncset.done $0x0  }
0x126: {  	[sflag:s5] =	ssyncadd.s32 $0xFFFFCE00  }
0x127: {  	[spmem:s14] =	stream.indirect.scatter.add.f32 [tilespmem:s3], [sflag:$0x6], $0x20, s16, s29, $0xb8;
	[tilespmem:$0x1FEF0] =	vst v63  }
0x128: {  	_ = 	snop  }
0x129: {  	[spmem:s18] =	stream.indirect.scatter.add.f32 [tilespmem:s28], [sflag:$0x6], $0x1, s16, s29, $0xb8;
	[tilespmem:$0x1FEF0] =	vst v63  }
0x12a: {  	_ =	swait.ge [sflag:s30], $0x190  }
0x12b: {  	[sflag:s30] =	ssyncset.done $0x0  }
0x12c: {  	[sflag:s30] =	ssyncadd.s32 $0xFFFFFE70  }
0x12d: {  	_ =	swait.ge [sflag:s30], $0x190  }
0x12e: {  	[sflag:s30] =	ssyncset.done $0x0  }
0x12f: {  	[sflag:s30] =	ssyncadd.s32 $0xFFFFFE70  }
0x130: {  	[tilespmem:s25], [sflag:$0x2] =	stream.indirect.gather [hbm4b:s2+s29], $0x20, s0, s29, $0xb8;
	[tilespmem:$0x1FEF0] =	vst v63  }
0x131: {  	_ =	swait.ge [sflag:s6], $0x3200  }
0x132: {  	[sflag:s6] =	ssyncset.done $0x0  }
0x133: {  	[sflag:s6] =	ssyncadd.s32 $0xFFFFCE00  }
0x134: {  	_ =	swait.ge [sflag:s6], $0x190  }
0x135: {  	[sflag:s6] =	ssyncset.done $0x0  }
0x136: {  	s10 =	sadd.s32 $0x186A, s10;
	[sflag:s6] =	ssyncadd.s32 $0xFFFFFE70  }
0x137: {  	[tilespmem:s31], [sflag:$0x4] =	stream.linear.gather [hbm4b:s10+s0], $0x190, $0x38;
	[tilespmem:$0x1FEF0] =	vst v63  }
0x138: {  	s9 =	sadd.s32 $0x186A, s9  }
0x139: {  	[tilespmem:s16], [sflag:$0x4] =	stream.linear.gather [hbm4b:s9+s0], $0x190, $0x38;
	[tilespmem:$0x1FEF0] =	vst v63  }
.Ltmp3:
0x13a: {  	_ = 	snop;
	(pc) =	sbr.rel @p2 .LBB2_4-.Ltmp3, $4  }
0x13b: {  	_ =	swait.ge [sflag:s11], $0x3200  }
0x13c: {  	[sflag:s11] =	ssyncset.done $0x0  }
0x13d: {  	[sflag:s11] =	ssyncadd.s32 $0xFFFFCE00  }
0x13e: {  	[spmem:s14] =	stream.indirect.scatter.add.f32 [tilespmem:s25], [sflag:$0x3], $0x20, s29, s29, $0xb8;
	[tilespmem:$0x1FEF0] =	vst v63  }
0x13f: {  	[spmem:s18] =	stream.indirect.scatter.add.f32 [tilespmem:s28], [sflag:$0x3], $0x1, s29, s29, $0xb8;
	[tilespmem:$0x1FEF0] =	vst v63  }
0x140: {  	_ =	swait.ge [sflag:s1], $0x190  }
0x141: {  	[sflag:s1] =	ssyncset.done $0x0  }
0x142: {  	[sflag:s1] =	ssyncadd.s32 $0xFFFFFE70  }
0x143: {  	_ =	swait.ge [sflag:s1], $0x190  }
0x144: {  	[sflag:s1] =	ssyncset.done $0x0  }
0x145: {  	[sflag:s1] =	ssyncadd.s32 $0xFFFFFE70  }
0x146: {  	[tilespmem:s3], [sflag:$0x5] =	stream.indirect.gather [hbm4b:s2+s29], $0x20, s31, s29, $0xb8;
	[tilespmem:$0x1FEF0] =	vst v63  }
0x147: {  	_ =	swait.ge [sflag:s4], $0x3200  }
0x148: {  	[sflag:s4] =	ssyncset.done $0x0  }
0x149: {  	[sflag:s4] =	ssyncadd.s32 $0xFFFFCE00  }
0x14a: {  	_ =	swait.ge [sflag:s4], $0x190  }
0x14b: {  	[sflag:s4] =	ssyncset.done $0x0  }
0x14c: {  	s8 =	simm.s32 $0x0;
	s9 =	rddreg [dreg:$0x12];
	[sflag:s4] =	ssyncadd.s32 $0xFFFFFE70  }
0x14d: {  	[tilespmem:s8], [sflag:$0x1] =	stream.linear.gather [hbm4b:s9+s8], $0x190, $0x38;
	[tilespmem:$0x1FEF0] =	vst v63  }
0x14e: {  	s12 =	rddreg [dreg:$0x13]  }
0x14f: {  	[tilespmem:s29], [sflag:$0x1] =	stream.linear.gather [hbm4b:s12+s8], $0x190, $0x38;
	[tilespmem:$0x1FEF0] =	vst v63  }
0x150: {  	_ =	swait.ge [sflag:s5], $0x3200  }
0x151: {  	[sflag:s5] =	ssyncset.done $0x0  }
0x152: {  	[sflag:s5] =	ssyncadd.s32 $0xFFFFCE00  }
0x153: {  	[spmem:s14] =	stream.indirect.scatter.add.f32 [tilespmem:s3], [sflag:$0x6], $0x20, s16, s29, $0xb8;
	[tilespmem:$0x1FEF0] =	vst v63  }
0x154: {  	_ = 	snop  }
0x155: {  	[spmem:s18] =	stream.indirect.scatter.add.f32 [tilespmem:s28], [sflag:$0x6], $0x1, s16, s29, $0xb8;
	[tilespmem:$0x1FEF0] =	vst v63  }
0x156: {  	_ =	swait.ge [sflag:s30], $0x190  }
0x157: {  	[sflag:s30] =	ssyncset.done $0x0  }
0x158: {  	[sflag:s30] =	ssyncadd.s32 $0xFFFFFE70  }
0x159: {  	_ =	swait.ge [sflag:s30], $0x190  }
0x15a: {  	[sflag:s30] =	ssyncset.done $0x0  }
0x15b: {  	[sflag:s30] =	ssyncadd.s32 $0xFFFFFE70  }
0x15c: {  	[tilespmem:s25], [sflag:$0x2] =	stream.indirect.gather [hbm4b:s2+s29], $0x20, s8, s29, $0xb8;
	[tilespmem:$0x1FEF0] =	vst v63  }
0x15d: {  	_ =	swait.ge [sflag:s6], $0x3200  }
0x15e: {  	[sflag:s6] =	ssyncset.done $0x0  }
0x15f: {  	[sflag:s6] =	ssyncadd.s32 $0xFFFFCE00  }
0x160: {  	_ =	swait.ge [sflag:s6], $0x190  }
0x161: {  	[sflag:s6] =	ssyncset.done $0x0  }
0x162: {  	[sflag:s6] =	ssyncadd.s32 $0xFFFFFE70  }
0x163: {  	_ =	swait.ge [sflag:s11], $0x3200  }
0x164: {  	[sflag:s11] =	ssyncset.done $0x0  }
0x165: {  	[sflag:s11] =	ssyncadd.s32 $0xFFFFCE00  }
0x166: {  	[spmem:s14] =	stream.indirect.scatter.add.f32 [tilespmem:s25], [sflag:$0x3], $0x20, s29, s29, $0xb8;
	[tilespmem:$0x1FEF0] =	vst v63  }
0x167: {  	_ = 	snop  }
0x168: {  	[spmem:s18] =	stream.indirect.scatter.add.f32 [tilespmem:s28], [sflag:$0x3], $0x1, s29, s29, $0xb8;
	[tilespmem:$0x1FEF0] =	vst v63  }
0x169: {  	_ =	swait.ge [sflag:s4], $0x3200  }
0x16a: {  	[sflag:s4] =	ssyncset.done $0x0  }
0x16b: {  	[sflag:s4] =	ssyncadd.s32 $0xFFFFCE00  }
0x16c: {  	_ =	swait.ge [sflag:s4], $0x190  }
0x16d: {  	[sflag:s4] =	ssyncset.done $0x0  }
0x16e: {  	[sflag:s4] =	ssyncadd.s32 $0xFFFFFE70  }
0x16f: {  	[bflag:$0x0] =	sbarrier.arrive $0xFFFF  }
0x170: {  	s10 =	stileid.u32;
	s12 =	sld [smem:$0x7F4]  }
0x171: {  	s9 =	sshll.u32 s10, $0x6  }
0x172: {  	s10 =	sshrl.u32 s23, $0x3;
	s9 =	sor.u32 $0x1C07, s9  }
0x173: {  	[hbm:s12], [sflag:s9] =	dma.local [spmem:s10], $0x30E0  }
0x174: {  	_ =	swait.ge [sflag:s26], $0x30E0  }
0x175: {  	[sflag:s26] =	ssyncset.done $0x0  }
0x176: {  	[sflag:s26] =	ssyncadd.s32 $0xFFFFCF20  }
0x177: {  	[tilespmem:s28], [sflag:$0x7] =	stream.linear.gather [spmem:s24], $0x190, $0x38;
	[tilespmem:$0x1FEF0] =	vst v63  }
0x178: {  	_ =	swait.ge [sflag:s26], $0x190  }
0x179: {  	[sflag:s26] =	ssyncset.done $0x0  }
0x17a: {  	s12 =	rddreg [dreg:$0x5];
	[sflag:s26] =	ssyncadd.s32 $0xFFFFFE70  }
0x17b: {  	[hbm4b:s12+s8] =	stream.linear.scatter [tilespmem:s28], [sflag:$0x7], $0x190, $0x38;
	[tilespmem:$0x1FEF0] =	vst v63  }
0x17c: {  	_ =	swait.ge [sflag:s26], $0x190  }
0x17d: {  	[sflag:s26] =	ssyncset.done $0x0  }
0x17e: {  	s10 =	rddreg [dreg:$0x15];
	[sflag:s26] =	ssyncadd.s32 $0xFFFFFE70  }
0x17f: {  	[tilespmem:s28], [sflag:$0x7] =	stream.linear.gather [spmem:s10], $0x190, $0x38;
	[tilespmem:$0x1FEF0] =	vst v63  }
0x180: {  	_ =	swait.ge [sflag:s26], $0x190  }
0x181: {  	[sflag:s26] =	ssyncset.done $0x0  }
0x182: {  	s12 =	rddreg [dreg:$0x6];
	[sflag:s26] =	ssyncadd.s32 $0xFFFFFE70  }
0x183: {  	[hbm4b:s12+s8] =	stream.linear.scatter [tilespmem:s28], [sflag:$0x7], $0x190, $0x38;
	[tilespmem:$0x1FEF0] =	vst v63  }
0x184: {  	_ =	swait.ge [sflag:s26], $0x190  }
0x185: {  	[sflag:s26] =	ssyncset.done $0x0  }
0x186: {  	s10 =	rddreg [dreg:$0x16];
	[sflag:s26] =	ssyncadd.s32 $0xFFFFFE70  }
0x187: {  	[tilespmem:s28], [sflag:$0x7] =	stream.linear.gather [spmem:s10], $0x190, $0x38;
	[tilespmem:$0x1FEF0] =	vst v63  }
0x188: {  	_ =	swait.ge [sflag:s26], $0x190  }
0x189: {  	[sflag:s26] =	ssyncset.done $0x0  }
0x18a: {  	s12 =	rddreg [dreg:$0x7];
	[sflag:s26] =	ssyncadd.s32 $0xFFFFFE70  }
0x18b: {  	[hbm4b:s12+s8] =	stream.linear.scatter [tilespmem:s28], [sflag:$0x7], $0x190, $0x38;
	[tilespmem:$0x1FEF0] =	vst v63  }
0x18c: {  	_ =	swait.ge [sflag:s26], $0x190  }
0x18d: {  	[sflag:s26] =	ssyncset.done $0x0  }
0x18e: {  	s10 =	rddreg [dreg:$0x17];
	[sflag:s26] =	ssyncadd.s32 $0xFFFFFE70  }
0x18f: {  	[tilespmem:s28], [sflag:$0x7] =	stream.linear.gather [spmem:s10], $0x190, $0x38;
	[tilespmem:$0x1FEF0] =	vst v63  }
0x190: {  	_ =	swait.ge [sflag:s26], $0x190  }
0x191: {  	[sflag:s26] =	ssyncset.done $0x0  }
0x192: {  	s12 =	rddreg [dreg:$0x8];
	[sflag:s26] =	ssyncadd.s32 $0xFFFFFE70  }
0x193: {  	[hbm4b:s12+s8] =	stream.linear.scatter [tilespmem:s28], [sflag:$0x7], $0x190, $0x38;
	[tilespmem:$0x1FEF0] =	vst v63  }
0x194: {  	_ =	swait.ge [sflag:s26], $0x190  }
0x195: {  	[sflag:s26] =	ssyncset.done $0x0  }
0x196: {  	s10 =	rddreg [dreg:$0x18];
	[sflag:s26] =	ssyncadd.s32 $0xFFFFFE70  }
0x197: {  	[tilespmem:s28], [sflag:$0x7] =	stream.linear.gather [spmem:s10], $0x190, $0x38;
	[tilespmem:$0x1FEF0] =	vst v63  }
0x198: {  	_ =	swait.ge [sflag:s26], $0x190  }
0x199: {  	[sflag:s26] =	ssyncset.done $0x0  }
0x19a: {  	s12 =	rddreg [dreg:$0x9];
	[sflag:s26] =	ssyncadd.s32 $0xFFFFFE70  }
0x19b: {  	[hbm4b:s12+s8] =	stream.linear.scatter [tilespmem:s28], [sflag:$0x7], $0x190, $0x38;
	[tilespmem:$0x1FEF0] =	vst v63  }
0x19c: {  	_ =	swait.ge [sflag:s26], $0x190  }
0x19d: {  	[sflag:s26] =	ssyncset.done $0x0  }
0x19e: {  	s10 =	rddreg [dreg:$0x19];
	[sflag:s26] =	ssyncadd.s32 $0xFFFFFE70  }
0x19f: {  	[tilespmem:s28], [sflag:$0x7] =	stream.linear.gather [spmem:s10], $0x190, $0x38;
	[tilespmem:$0x1FEF0] =	vst v63  }
0x1a0: {  	_ =	swait.ge [sflag:s26], $0x190  }
0x1a1: {  	[sflag:s26] =	ssyncset.done $0x0  }
0x1a2: {  	s12 =	rddreg [dreg:$0xa];
	[sflag:s26] =	ssyncadd.s32 $0xFFFFFE70  }
0x1a3: {  	[hbm4b:s12+s8] =	stream.linear.scatter [tilespmem:s28], [sflag:$0x7], $0x190, $0x38;
	[tilespmem:$0x1FEF0] =	vst v63  }
0x1a4: {  	_ =	swait.ge [sflag:s26], $0x190  }
0x1a5: {  	[sflag:s26] =	ssyncset.done $0x0  }
0x1a6: {  	s10 =	rddreg [dreg:$0x1a];
	[sflag:s26] =	ssyncadd.s32 $0xFFFFFE70  }
0x1a7: {  	[tilespmem:s28], [sflag:$0x7] =	stream.linear.gather [spmem:s10], $0x190, $0x38;
	[tilespmem:$0x1FEF0] =	vst v63  }
0x1a8: {  	_ =	swait.ge [sflag:s26], $0x190  }
0x1a9: {  	[sflag:s26] =	ssyncset.done $0x0  }
0x1aa: {  	s12 =	rddreg [dreg:$0xb];
	[sflag:s26] =	ssyncadd.s32 $0xFFFFFE70  }
0x1ab: {  	[hbm4b:s12+s8] =	stream.linear.scatter [tilespmem:s28], [sflag:$0x7], $0x190, $0x38;
	[tilespmem:$0x1FEF0] =	vst v63  }
0x1ac: {  	_ =	swait.ge [sflag:s26], $0x190  }
0x1ad: {  	[sflag:s26] =	ssyncset.done $0x0  }
0x1ae: {  	s10 =	rddreg [dreg:$0x1b];
	[sflag:s26] =	ssyncadd.s32 $0xFFFFFE70  }
0x1af: {  	[tilespmem:s28], [sflag:$0x7] =	stream.linear.gather [spmem:s10], $0x190, $0x38;
	[tilespmem:$0x1FEF0] =	vst v63  }
0x1b0: {  	_ =	swait.ge [sflag:s26], $0x190  }
0x1b1: {  	[sflag:s26] =	ssyncset.done $0x0  }
.Ltmp4:
0x1b2: {  	s12 =	rddreg [dreg:$0xc];
	[sflag:s26] =	ssyncadd.s32 $0xFFFFFE70;
	(pc) =	sbr.rel @p1 .LBB2_9-.Ltmp4, $4  }
0x1b3: {  	[hbm4b:s12+s8] =	stream.linear.scatter [tilespmem:s28], [sflag:$0x7], $0x190, $0x38;
	[tilespmem:$0x1FEF0] =	vst v63  }
0x1b4: {  	_ =	swait.ge [sflag:s26], $0x190  }
0x1b5: {  	[sflag:s26] =	ssyncset.done $0x0  }
0x1b6: {  	[sflag:s26] =	ssyncadd.s32 $0xFFFFFE70  }
0x1b7: {  	s8 =	simm.s32 $0x80;
	s9 =	simm.s32 $0x0  }
.LBB2_7:
0x1b8: {  	p2 =	sne.s32 s8, $0xC780;
	[tilespmem:s9+$0x320] =	vst v0;
	s10 =	smov.u32 s8;
	s8 =	sadd.s32 $0x80, s8  }
.Ltmp5:
0x1b9: {  	[tilespmem:s9+$0x330] =	vst v0;
	(pc) =	sbr.rel @p2 .LBB2_7-.Ltmp5, $2  }
0x1ba: {  	_ =	sdelay $0x2  }
0x1bb: {  	s9 =	sshra.s32 s10, $0x2  }
.Ltmp6:
0x1bc: {  	_ = 	snop;
	(pc) =	sbr.rel .LBB2_8-.Ltmp6, $1  }
0x1bd: {  	_ =	sdelay $0x3  }
.LBB2_10:
0x1be: {  	_ =	sfence.sel $0x180000  }
0x1bf: {  	[bflag:$0x0] =	sbarrier.arrive $0xFFFF  }
0x1c0: {  	_ =	strace $0x90000047  }
0x1c1: {  	[bflag:$0x2] =	sbarrier.arrive $0xFFFF  }
0x1c2: {  	s0 =	rddreg [dreg:$0x4]  }
0x1c3: {  	s0 =	sadd.s32 @!p1 $0x100000, s0  }
0x1c4: {  	[sflag:s0] =	ssyncadd.tile.s32 @!p1 $0x1;
	_ =	shalt  }
.Lfunc_end2:
_tile_overlayer_lowered:
.L_overlay_start_2:
0x1c5: {  	(tag) =	ssettag $0x2  }
0x1c6: {  	s0 =	rddreg [dreg:$0x0];
	s2 =	stileid.u32  }
0x1c7: {  	s1 =	rddreg [dreg:$0x1];
	p0 =	sne.s32 s2, $0x0  }
0x1c8: {  	s3 =	rddreg [dreg:$0x2];
	[bflag:$0x3] =	sbarrier.arrive $0xFFFF;
	s2 =	simm.s32 @!p0 $0x1C07  }
0x1c9: {  	[timem:s3], [sflag:s2] =	dma.local @!p0 [hbm:s0], s1  }
0x1ca: {  	s0 =	simm.s32 @!p0 $0x7  }
0x1cb: {  	_ =	swait.ge @!p0 [sflag:s0], s1  }
0x1cc: {  	s1 =	ssub.s32 @!p0 $0x0, s1;
	[sflag:s0] =	ssyncset.done @!p0 $0x0  }
0x1cd: {  	[sflag:s0] =	ssyncadd.s32 @!p0 s1  }
0x1ce: {  	[bflag:$0x3] =	sbarrier.arrive $0xFFFF  }
0x1cf: {  	_ =	shalt  }

</sc_bundles>
